<compile_context>
chip_gen: v7x
topology: tpu7x:2x2x1
jax: 0.10.2.dev20260603
libtpu: 0.0.44.dev20260713+nightly
codegen_flags: <defaults>
</compile_context>

<pallas_src>
import functools

import jax
import jax.numpy as jnp
from jax import lax
from jax.experimental import pallas as pl
from jax.experimental.pallas import tpu as pltpu
from jax.experimental.pallas import tpu_sc as plsc

NC = 2
NS = 16
NW = NC * NS
K = 128
LANES = 16


def _sc_mesh():
  return plsc.VectorSubcoreMesh(core_axis_name="c", subcore_axis_name="s")


def _deg_kernel(NPAD, C):

  @functools.partial(
      pl.kernel,
      out_type=jax.ShapeDtypeStruct((NC, NPAD), jnp.float32),
      mesh=_sc_mesh(),
      scratch_types=[
          pltpu.VMEM((C, K), jnp.int32),
          pltpu.VMEM((K,), jnp.float32),
          pltpu.VMEM((NPAD // NS,), jnp.float32),
          pltpu.SemaphoreType.DMA,
          pltpu.VMEM_SHARED((NPAD,), jnp.float32),
      ],
  )
  def deg_kernel(dst_hbm, out_hbm, didx_v, ones_v, zbuf_v, sem, deg_sh):
    cid = lax.axis_index("c")
    sid = lax.axis_index("s")
    wid = cid * NS + sid
    PS = NPAD // NS

    pltpu.async_copy(dst_hbm.at[wid], didx_v, sem)

    for i in range(K // LANES):
      ones_v[pl.ds(i * LANES, LANES)] = jnp.full((LANES,), 1.0, jnp.float32)

    def _zinit(i, carry):
      zbuf_v[pl.ds(i * LANES, LANES)] = jnp.zeros((LANES,), jnp.float32)
      return carry

    lax.fori_loop(0, PS // LANES, _zinit, 0)
    pltpu.sync_copy(zbuf_v, deg_sh.at[pl.ds(sid * PS, PS)])
    pltpu.make_async_copy(dst_hbm.at[wid], didx_v, sem).wait()
    plsc.subcore_barrier()

    def _fire(j, carry):
      pltpu.async_copy(ones_v, deg_sh.at[didx_v.at[j]], sem, add=True)
      return carry

    lax.fori_loop(0, C, _fire, 0)

    def _drain(j, carry):
      pltpu.make_async_copy(ones_v, deg_sh.at[didx_v.at[j]], sem).wait()
      return carry

    lax.fori_loop(0, C, _drain, 0)
    plsc.subcore_barrier()
    pltpu.sync_copy(deg_sh.at[pl.ds(sid * PS, PS)],
                    out_hbm.at[cid, pl.ds(sid * PS, PS)])

  return deg_kernel


def _edge_pass_kernel(NPAD, C):

  @functools.partial(
      pl.kernel,
      out_type=jax.ShapeDtypeStruct((NC, NPAD, 128), jnp.float32),
      mesh=_sc_mesh(),
      scratch_types=[
          pltpu.VMEM((C, K), jnp.int32),
          pltpu.VMEM((1, K), jnp.int32),
          pltpu.VMEM((1, K), jnp.int32),
          pltpu.VMEM((K, 128), jnp.float32),
          pltpu.VMEM((K, 128), jnp.float32),
          pltpu.SemaphoreType.DMA,
          pltpu.SemaphoreType.DMA,
          pltpu.SemaphoreType.DMA,
          pltpu.SemaphoreType.DMA,
          pltpu.VMEM_SHARED((NPAD, 128), jnp.float32),
      ],
  )
  def edge_pass(g_hbm, src_hbm, dst_hbm, out_hbm, sidx_v, didx0_v, didx1_v,
                rows0_v, rows1_v, gsem0, gsem1, dsem0, dsem1, acc_sh):
    cid = lax.axis_index("c")
    sid = lax.axis_index("s")
    wid = cid * NS + sid
    PS = NPAD // NS
    rows = (rows0_v, rows1_v)
    gsems = (gsem0, gsem1)
    didx = (didx0_v, didx1_v)
    dsems = (dsem0, dsem1)

    pltpu.async_copy(src_hbm.at[wid], sidx_v, gsem0)

    def _zero(r, carry):
      for cidx in range(128 // LANES):
        rows0_v[r, pl.ds(cidx * LANES, LANES)] = jnp.zeros((LANES,),
                                                           jnp.float32)
      return carry

    lax.fori_loop(0, K, _zero, 0)
    for t in range(PS // K):
      pltpu.sync_copy(rows0_v, acc_sh.at[pl.ds(sid * PS + t * K, K), :])
    pltpu.make_async_copy(src_hbm.at[wid], sidx_v, gsem0).wait()
    plsc.subcore_barrier()

    def _start_gather(j, p):
      pltpu.async_copy(g_hbm.at[sidx_v.at[j]], rows[p], gsems[p])

    def _wait_gather(j, p):
      pltpu.make_async_copy(g_hbm.at[sidx_v.at[j]], rows[p], gsems[p]).wait()

    def _start_didx(j, p):
      pltpu.async_copy(dst_hbm.at[wid * C + j], didx[p], dsems[p])

    def _wait_didx(j, p):
      pltpu.make_async_copy(dst_hbm.at[wid * C + j], didx[p], dsems[p]).wait()

    def _scatter(j, p):
      pltpu.sync_copy(rows[p], acc_sh.at[didx[p].at[0]], add=True)

    _start_didx(0, 0)
    _start_gather(0, 0)
    _start_didx(1, 1)

    def _pair(t, carry):
      j0 = 2 * t
      _start_gather(j0 + 1, 1)
      _wait_gather(j0, 0)
      _wait_didx(j0, 0)
      _scatter(j0, 0)
      _start_gather(j0 + 2, 0)
      _start_didx(j0 + 2, 0)
      _wait_gather(j0 + 1, 1)
      _wait_didx(j0 + 1, 1)
      _scatter(j0 + 1, 1)

      @pl.when(j0 + 3 < C)
      def _():
        _start_didx(j0 + 3, 1)

      return carry

    if C % 2 == 1:
      lax.fori_loop(0, (C - 1) // 2, _pair, 0)
      _wait_gather(C - 1, 0)
      _wait_didx(C - 1, 0)
      _scatter(C - 1, 0)
    else:
      lax.fori_loop(0, (C - 2) // 2, _pair, 0)
      _start_gather(C - 1, 1)
      _wait_gather(C - 2, 0)
      _wait_didx(C - 2, 0)
      _scatter(C - 2, 0)
      _wait_gather(C - 1, 1)
      _wait_didx(C - 1, 1)
      _scatter(C - 1, 1)

    plsc.subcore_barrier()
    for t in range(PS // K):
      pltpu.async_copy(acc_sh.at[pl.ds(sid * PS + t * K, K), :],
                       out_hbm.at[cid, pl.ds(sid * PS + t * K, K), :], gsem0)
    for t in range(PS // K):
      pltpu.make_async_copy(acc_sh.at[pl.ds(sid * PS + t * K, K), :],
                            out_hbm.at[cid, pl.ds(sid * PS + t * K, K), :],
                            gsem0).wait()

  return edge_pass


def _dinv(deg_ref):
  return lax.rsqrt(deg_ref[0] + deg_ref[1] + 1.0)


def _gelu(s):
  return 0.5 * s * (1.0 + lax.erf(s * 0.7071067811865476))


def _tc_first(deg3, x_pad, W1, NPAD, R):

  def body(deg_ref, x_ref, w_ref, g_ref):
    h = jnp.dot(x_ref[...], w_ref[...], preferred_element_type=jnp.float32)
    g_ref[...] = h * _dinv(deg_ref)

  return pl.pallas_call(
      body,
      grid=(NPAD // R,),
      in_specs=[
          pl.BlockSpec((2, R, 1), lambda i: (0, i, 0)),
          pl.BlockSpec((R, 128), lambda i: (i, 0)),
          pl.BlockSpec((128, 128), lambda i: (0, 0)),
      ],
      out_specs=pl.BlockSpec((R, 128), lambda i: (i, 0)),
      out_shape=jax.ShapeDtypeStruct((NPAD, 128), jnp.float32),
  )(deg3, x_pad, W1)


def _tc_mid(acc, g1, deg3, b1, W2, NPAD, R):

  def body(acc_ref, g_ref, deg_ref, b_ref, w_ref, out_ref):
    dinv = _dinv(deg_ref)
    s = (acc_ref[0] + acc_ref[1] + g_ref[...]) * dinv + b_ref[...]
    h2 = jnp.dot(_gelu(s), w_ref[...], preferred_element_type=jnp.float32)
    out_ref[...] = h2 * dinv

  return pl.pallas_call(
      body,
      grid=(NPAD // R,),
      in_specs=[
          pl.BlockSpec((2, R, 128), lambda i: (0, i, 0)),
          pl.BlockSpec((R, 128), lambda i: (i, 0)),
          pl.BlockSpec((2, R, 1), lambda i: (0, i, 0)),
          pl.BlockSpec((1, 128), lambda i: (0, 0)),
          pl.BlockSpec((128, 128), lambda i: (0, 0)),
      ],
      out_specs=pl.BlockSpec((R, 128), lambda i: (i, 0)),
      out_shape=jax.ShapeDtypeStruct((NPAD, 128), jnp.float32),
  )(acc, g1, deg3, b1, W2)


def _tc_last(acc, g2, deg3, b2, NPAD, R):

  def body(acc_ref, g_ref, deg_ref, b_ref, out_ref):
    s = (acc_ref[0] + acc_ref[1] + g_ref[...]) * _dinv(deg_ref) + b_ref[...]
    out_ref[...] = _gelu(s)

  return pl.pallas_call(
      body,
      grid=(NPAD // R,),
      in_specs=[
          pl.BlockSpec((2, R, 128), lambda i: (0, i, 0)),
          pl.BlockSpec((R, 128), lambda i: (i, 0)),
          pl.BlockSpec((2, R, 1), lambda i: (0, i, 0)),
          pl.BlockSpec((1, 128), lambda i: (0, 0)),
      ],
      out_specs=pl.BlockSpec((R, 128), lambda i: (i, 0)),
      out_shape=jax.ShapeDtypeStruct((NPAD, 128), jnp.float32),
  )(acc, g2, deg3, b2)


def kernel(x, edge_index, W1, b1, W2, b2):
  B, T, J, D = x.shape
  N = B * T * J
  E = edge_index.shape[1]
  R = 1280
  NPAD = -(-(N + 1) // R) * R
  C = -(-E // (NW * K))
  E_pad = NW * K * C

  src = jnp.pad(edge_index[0], (0, E_pad - E)).reshape(NW, C, K)
  dst_flat = jnp.pad(edge_index[1], (0, E_pad - E),
                     constant_values=N)
  dst_deg = dst_flat.reshape(NW, C, K)
  dst = dst_flat.reshape(NW * C, 1, K)
  x_flat = jnp.pad(x.reshape(N, D), ((0, NPAD - N), (0, 0)))

  deg = _deg_kernel(NPAD, C)(dst_deg)
  deg3 = deg.reshape(NC, NPAD, 1)
  edge_pass = _edge_pass_kernel(NPAD, C)

  g1 = _tc_first(deg3, x_flat, W1, NPAD, R)
  acc1 = edge_pass(g1, src, dst)
  g2 = _tc_mid(acc1, g1, deg3, b1.reshape(1, 128), W2, NPAD, R)
  acc2 = edge_pass(g2, src, dst)
  out = _tc_last(acc2, g2, deg3, b2.reshape(1, 128), NPAD, R)
  return out[:N].reshape(B, T, J, 128)

# --- scband reference (transcript-rebuilt; emitter-appended) ---
"""Pipeline reference for scband-gcnfeature-extractor-87780541596432 (READ-ONLY COPY).

The authoritative reference and input builder live on the scoring server;
editing this copy changes nothing except your own understanding.
"""

import jax, jax.numpy as jnp
import numpy as np

B, T, J, D = 25, 16, 25, 128
H, O = 128, 128
N = B * T * J
E = 320000


def setup_inputs(seed: int = 0) -> dict:
    key = jax.random.key(seed)
    k1, k2, k3, k4 = jax.random.split(key, 4)
    x = jax.random.normal(k1, (B, T, J, D), dtype=jnp.float32)
    edge_index = jax.random.randint(k2, (2, E), 0, N, dtype=jnp.int32)
    W1 = jax.random.normal(k3, (D, H), dtype=jnp.float32) * (1.0 / np.sqrt(D))
    b1 = jnp.zeros((H,), dtype=jnp.float32)
    W2 = jax.random.normal(k4, (H, O), dtype=jnp.float32) * (1.0 / np.sqrt(H))
    b2 = jnp.zeros((O,), dtype=jnp.float32)
    return {"x": x, "edge_index": edge_index, "W1": W1, "b1": b1, "W2": W2, "b2": b2}


def _gcn_conv(h_in, edge_index, W, b):
    # PyG GCNConv: linear transform, add self-loops, sym-normalized scatter-add
    h = h_in @ W
    src = edge_index[0]
    dst = edge_index[1]
    loop = jnp.arange(N, dtype=src.dtype)
    src_f = jnp.concatenate([src, loop])
    dst_f = jnp.concatenate([dst, loop])
    deg = jnp.zeros((N,), dtype=h.dtype).at[dst_f].add(1.0)
    dinv = jax.lax.rsqrt(deg)
    norm = dinv[src_f] * dinv[dst_f]
    msg = h[src_f] * norm[:, None]
    out = jnp.zeros((N, h.shape[1]), dtype=h.dtype).at[dst_f].add(msg)
    return out + b


def reference(x, edge_index, W1, b1, W2, b2):
    Bv, Tv, Jv, Dv = x.shape
    h = x.reshape(Bv * Tv, Jv, Dv)
    h = jnp.transpose(h, (1, 0, 2)).reshape(Jv, Bv * Tv, Dv)
    h = jnp.transpose(h, (1, 0, 2)).reshape(-1, Dv)
    h = _gcn_conv(h, edge_index, W1, b1)
    h = jax.nn.gelu(h, approximate=False)
    h = _gcn_conv(h, edge_index, W2, b2)
    h = jax.nn.gelu(h, approximate=False)
    return h.reshape(Bv, Tv, Jv, -1)

if __name__ == "__main__":
    import jax
    _d = setup_inputs()
    print(jax.jit(kernel)(*tuple(_d.values())))

</pallas_src>

<mosaic_0001>
#map = affine_map<(d0, d1) -> (0, 0)>
#map1 = affine_map<(d0, d1) -> (0, 0, 0)>
module attributes {stable_mosaic.version = 14 : i64} {
  func.func @edge_pass(%arg0: i32, %arg1: i32, %arg2: memref<10240x128xf32, #tpu.memory_space<hbm>>, %arg3: memref<32x79x128xi32, #tpu.memory_space<hbm>>, %arg4: memref<2528x1x128xi32, #tpu.memory_space<hbm>>, %arg5: memref<2x10240x128xf32, #tpu.memory_space<hbm>>, %arg6: memref<79x128xi32, #tpu.memory_space<vmem>>, %arg7: memref<1x128xi32, #tpu.memory_space<vmem>>, %arg8: memref<1x128xi32, #tpu.memory_space<vmem>>, %arg9: memref<128x128xf32, #tpu.memory_space<vmem>>, %arg10: memref<128x128xf32, #tpu.memory_space<vmem>>, %arg11: memref<!tpu.dma_semaphore, #tpu.memory_space<semaphore_mem>>, %arg12: memref<!tpu.dma_semaphore, #tpu.memory_space<semaphore_mem>>, %arg13: memref<!tpu.dma_semaphore, #tpu.memory_space<semaphore_mem>>, %arg14: memref<!tpu.dma_semaphore, #tpu.memory_space<semaphore_mem>>, %arg15: memref<10240x128xf32, #tpu.memory_space<vmem_shared>>) attributes {dimension_semantics = [#tpu.dimension_semantics<core_parallel>, #tpu.dimension_semantics<subcore_parallel>], iteration_bounds = array<i64: 2, 16>, scalar_prefetch = 0 : i64, scratch_operands = 10 : i64, tpu.core_type = #tpu.core_type<sc_vector_subcore>, window_params = [{transform_indices = #map}, {transform_indices = #map1}, {transform_indices = #map1}, {transform_indices = #map1}]} {
    %mul3A = arith.constant 16 : i32
    %mul3A_0 = arith.muli %arg0, %mul3A : i32
    %add3A = arith.addi %mul3A_0, %arg1 : i32
    %dma_start3A = arith.constant 0 : i32
    %dma_start3A_1 = arith.constant 0 : i32
    %dma_start3A_2 = tpu.memref_slice %arg3[%add3A, %dma_start3A, %dma_start3A_1] : memref<32x79x128xi32, #tpu.memory_space<hbm>> -> memref<1x79x128xi32, #tpu.memory_space<hbm>>
    %dma_start3A_3 = tpu.memref_squeeze %dma_start3A_2 : memref<1x79x128xi32, #tpu.memory_space<hbm>> -> memref<79x128xi32, #tpu.memory_space<hbm>>
    %dma_start3A_4 = arith.constant 0 : i32
    %dma_start3A_5 = arith.constant 0 : i32
    %dma_start3A_6 = tpu.memref_slice %arg3[%add3A, %dma_start3A_4, %dma_start3A_5] : memref<32x79x128xi32, #tpu.memory_space<hbm>> -> memref<1x79x128xi32, #tpu.memory_space<hbm>>
    %dma_start3A_7 = tpu.memref_squeeze %dma_start3A_6 : memref<1x79x128xi32, #tpu.memory_space<hbm>> -> memref<79x128xi32, #tpu.memory_space<hbm>>
    tpu.enqueue_dma source(%dma_start3A_7 : memref<79x128xi32, #tpu.memory_space<hbm>>) target(%arg6 : memref<79x128xi32, #tpu.memory_space<vmem>>) target_semaphore(%arg11 : memref<!tpu.dma_semaphore, #tpu.memory_space<semaphore_mem>>)
    %scan3A = arith.constant 0 : i32
    %scan3A_8 = arith.constant 0 : i32
    %scan3A_9 = arith.constant 128 : i32
    %scan3A_10 = arith.addi %scan3A_8, %scan3A_9 : i32
    %scan3A_11 = arith.constant 1 : i32
    scf.for %scan3A_227 = %scan3A_8 to %scan3A_10 step %scan3A_11  : i32 {
      %broadcast_in_dim3A = arith.constant 0.000000e+00 : f32
      %broadcast_in_dim3A_228 = vector.broadcast %broadcast_in_dim3A : f32 to vector<16xf32>
      %swap3A = arith.index_cast %scan3A_227 : i32 to index
      %swap3A_229 = arith.constant 0 : index
      %swap3A_230 = tpu.vector_load %arg9[%swap3A, %swap3A_229] {strides = array<i32>} : memref<128x128xf32, #tpu.memory_space<vmem>>, vector<1x16xf32>,
      %swap3A_231 = vector.shape_cast %swap3A_230 : vector<1x16xf32> to vector<16xf32>
      %swap3A_232 = vector.shape_cast %broadcast_in_dim3A_228 : vector<16xf32> to vector<1x16xf32>
      tpu.vector_store %arg9[%swap3A, %swap3A_229], %swap3A_232 {strides = array<i32>} : memref<128x128xf32, #tpu.memory_space<vmem>>, vector<1x16xf32>,
      %broadcast_in_dim3A_233 = arith.constant 0.000000e+00 : f32
      %broadcast_in_dim3A_234 = vector.broadcast %broadcast_in_dim3A_233 : f32 to vector<16xf32>
      %swap3A_235 = arith.index_cast %scan3A_227 : i32 to index
      %swap3A_236 = arith.constant 16 : index
      %swap3A_237 = tpu.vector_load %arg9[%swap3A_235, %swap3A_236] {strides = array<i32>} : memref<128x128xf32, #tpu.memory_space<vmem>>, vector<1x16xf32>,
      %swap3A_238 = vector.shape_cast %swap3A_237 : vector<1x16xf32> to vector<16xf32>
      %swap3A_239 = vector.shape_cast %broadcast_in_dim3A_234 : vector<16xf32> to vector<1x16xf32>
      tpu.vector_store %arg9[%swap3A_235, %swap3A_236], %swap3A_239 {strides = array<i32>} : memref<128x128xf32, #tpu.memory_space<vmem>>, vector<1x16xf32>,
      %broadcast_in_dim3A_240 = arith.constant 0.000000e+00 : f32
      %broadcast_in_dim3A_241 = vector.broadcast %broadcast_in_dim3A_240 : f32 to vector<16xf32>
      %swap3A_242 = arith.index_cast %scan3A_227 : i32 to index
      %swap3A_243 = arith.constant 32 : index
      %swap3A_244 = tpu.vector_load %arg9[%swap3A_242, %swap3A_243] {strides = array<i32>} : memref<128x128xf32, #tpu.memory_space<vmem>>, vector<1x16xf32>,
      %swap3A_245 = vector.shape_cast %swap3A_244 : vector<1x16xf32> to vector<16xf32>
      %swap3A_246 = vector.shape_cast %broadcast_in_dim3A_241 : vector<16xf32> to vector<1x16xf32>
      tpu.vector_store %arg9[%swap3A_242, %swap3A_243], %swap3A_246 {strides = array<i32>} : memref<128x128xf32, #tpu.memory_space<vmem>>, vector<1x16xf32>,
      %broadcast_in_dim3A_247 = arith.constant 0.000000e+00 : f32
      %broadcast_in_dim3A_248 = vector.broadcast %broadcast_in_dim3A_247 : f32 to vector<16xf32>
      %swap3A_249 = arith.index_cast %scan3A_227 : i32 to index
      %swap3A_250 = arith.constant 48 : index
      %swap3A_251 = tpu.vector_load %arg9[%swap3A_249, %swap3A_250] {strides = array<i32>} : memref<128x128xf32, #tpu.memory_space<vmem>>, vector<1x16xf32>,
      %swap3A_252 = vector.shape_cast %swap3A_251 : vector<1x16xf32> to vector<16xf32>
      %swap3A_253 = vector.shape_cast %broadcast_in_dim3A_248 : vector<16xf32> to vector<1x16xf32>
      tpu.vector_store %arg9[%swap3A_249, %swap3A_250], %swap3A_253 {strides = array<i32>} : memref<128x128xf32, #tpu.memory_space<vmem>>, vector<1x16xf32>,
      %broadcast_in_dim3A_254 = arith.constant 0.000000e+00 : f32
      %broadcast_in_dim3A_255 = vector.broadcast %broadcast_in_dim3A_254 : f32 to vector<16xf32>
      %swap3A_256 = arith.index_cast %scan3A_227 : i32 to index
      %swap3A_257 = arith.constant 64 : index
      %swap3A_258 = tpu.vector_load %arg9[%swap3A_256, %swap3A_257] {strides = array<i32>} : memref<128x128xf32, #tpu.memory_space<vmem>>, vector<1x16xf32>,
      %swap3A_259 = vector.shape_cast %swap3A_258 : vector<1x16xf32> to vector<16xf32>
      %swap3A_260 = vector.shape_cast %broadcast_in_dim3A_255 : vector<16xf32> to vector<1x16xf32>
      tpu.vector_store %arg9[%swap3A_256, %swap3A_257], %swap3A_260 {strides = array<i32>} : memref<128x128xf32, #tpu.memory_space<vmem>>, vector<1x16xf32>,
      %broadcast_in_dim3A_261 = arith.constant 0.000000e+00 : f32
      %broadcast_in_dim3A_262 = vector.broadcast %broadcast_in_dim3A_261 : f32 to vector<16xf32>
      %swap3A_263 = arith.index_cast %scan3A_227 : i32 to index
      %swap3A_264 = arith.constant 80 : index
      %swap3A_265 = tpu.vector_load %arg9[%swap3A_263, %swap3A_264] {strides = array<i32>} : memref<128x128xf32, #tpu.memory_space<vmem>>, vector<1x16xf32>,
      %swap3A_266 = vector.shape_cast %swap3A_265 : vector<1x16xf32> to vector<16xf32>
      %swap3A_267 = vector.shape_cast %broadcast_in_dim3A_262 : vector<16xf32> to vector<1x16xf32>
      tpu.vector_store %arg9[%swap3A_263, %swap3A_264], %swap3A_267 {strides = array<i32>} : memref<128x128xf32, #tpu.memory_space<vmem>>, vector<1x16xf32>,
      %broadcast_in_dim3A_268 = arith.constant 0.000000e+00 : f32
      %broadcast_in_dim3A_269 = vector.broadcast %broadcast_in_dim3A_268 : f32 to vector<16xf32>
      %swap3A_270 = arith.index_cast %scan3A_227 : i32 to index
      %swap3A_271 = arith.constant 96 : index
      %swap3A_272 = tpu.vector_load %arg9[%swap3A_270, %swap3A_271] {strides = array<i32>} : memref<128x128xf32, #tpu.memory_space<vmem>>, vector<1x16xf32>,
      %swap3A_273 = vector.shape_cast %swap3A_272 : vector<1x16xf32> to vector<16xf32>
      %swap3A_274 = vector.shape_cast %broadcast_in_dim3A_269 : vector<16xf32> to vector<1x16xf32>
      tpu.vector_store %arg9[%swap3A_270, %swap3A_271], %swap3A_274 {strides = array<i32>} : memref<128x128xf32, #tpu.memory_space<vmem>>, vector<1x16xf32>,
      %broadcast_in_dim3A_275 = arith.constant 0.000000e+00 : f32
      %broadcast_in_dim3A_276 = vector.broadcast %broadcast_in_dim3A_275 : f32 to vector<16xf32>
      %swap3A_277 = arith.index_cast %scan3A_227 : i32 to index
      %swap3A_278 = arith.constant 112 : index
      %swap3A_279 = tpu.vector_load %arg9[%swap3A_277, %swap3A_278] {strides = array<i32>} : memref<128x128xf32, #tpu.memory_space<vmem>>, vector<1x16xf32>,
      %swap3A_280 = vector.shape_cast %swap3A_279 : vector<1x16xf32> to vector<16xf32>
      %swap3A_281 = vector.shape_cast %broadcast_in_dim3A_276 : vector<16xf32> to vector<1x16xf32>
      tpu.vector_store %arg9[%swap3A_277, %swap3A_278], %swap3A_281 {strides = array<i32>} : memref<128x128xf32, #tpu.memory_space<vmem>>, vector<1x16xf32>,
    }
    %scan3A_12 = arith.constant 128 : i32
    %mul3A_13 = arith.constant 640 : i32
    %mul3A_14 = arith.muli %arg1, %mul3A_13 : i32
    %add3A_15 = arith.constant 0 : i32
    %add3A_16 = arith.addi %mul3A_14, %add3A_15 : i32
    "tpu.region"() ({
      %run_scoped3A_227 = tpu.sem_alloc : memref<!tpu.dma_semaphore, #tpu.memory_space<semaphore_mem>>
      %dma_start3A_228 = arith.constant 0 : i32
      %dma_start3A_229 = tpu.memref_slice %arg15[%add3A_16, %dma_start3A_228] : memref<10240x128xf32, #tpu.memory_space<vmem_shared>> -> memref<128x128xf32, #tpu.memory_space<vmem_shared>>
      %dma_start3A_230 = arith.constant 0 : i32
      %dma_start3A_231 = tpu.memref_slice %arg15[%add3A_16, %dma_start3A_230] : memref<10240x128xf32, #tpu.memory_space<vmem_shared>> -> memref<128x128xf32, #tpu.memory_space<vmem_shared>>
      tpu.enqueue_dma source(%arg9 : memref<128x128xf32, #tpu.memory_space<vmem>>) target(%dma_start3A_231 : memref<128x128xf32, #tpu.memory_space<vmem_shared>>) target_semaphore(%run_scoped3A_227 : memref<!tpu.dma_semaphore, #tpu.memory_space<semaphore_mem>>)
      %dma_wait3A_232 = arith.constant 0 : i32
      %dma_wait3A_233 = tpu.memref_slice %arg15[%add3A_16, %dma_wait3A_232] : memref<10240x128xf32, #tpu.memory_space<vmem_shared>> -> memref<128x128xf32, #tpu.memory_space<vmem_shared>>
      %dma_wait3A_234 = arith.constant 0 : i32
      %dma_wait3A_235 = tpu.memref_slice %arg15[%add3A_16, %dma_wait3A_234] : memref<10240x128xf32, #tpu.memory_space<vmem_shared>> -> memref<128x128xf32, #tpu.memory_space<vmem_shared>>
      tpu.wait_dma2 semaphore(%run_scoped3A_227 : memref<!tpu.dma_semaphore, #tpu.memory_space<semaphore_mem>>) src(%arg9 : memref<128x128xf32, #tpu.memory_space<vmem>>) dst(%dma_wait3A_235 : memref<128x128xf32, #tpu.memory_space<vmem_shared>>)
      tpu.yield
    }) : () -> ()
    %mul3A_17 = arith.constant 640 : i32
    %mul3A_18 = arith.muli %arg1, %mul3A_17 : i32
    %add3A_19 = arith.constant 128 : i32
    %add3A_20 = arith.addi %mul3A_18, %add3A_19 : i32
    "tpu.region"() ({
      %run_scoped3A_227 = tpu.sem_alloc : memref<!tpu.dma_semaphore, #tpu.memory_space<semaphore_mem>>
      %dma_start3A_228 = arith.constant 0 : i32
      %dma_start3A_229 = tpu.memref_slice %arg15[%add3A_20, %dma_start3A_228] : memref<10240x128xf32, #tpu.memory_space<vmem_shared>> -> memref<128x128xf32, #tpu.memory_space<vmem_shared>>
      %dma_start3A_230 = arith.constant 0 : i32
      %dma_start3A_231 = tpu.memref_slice %arg15[%add3A_20, %dma_start3A_230] : memref<10240x128xf32, #tpu.memory_space<vmem_shared>> -> memref<128x128xf32, #tpu.memory_space<vmem_shared>>
      tpu.enqueue_dma source(%arg9 : memref<128x128xf32, #tpu.memory_space<vmem>>) target(%dma_start3A_231 : memref<128x128xf32, #tpu.memory_space<vmem_shared>>) target_semaphore(%run_scoped3A_227 : memref<!tpu.dma_semaphore, #tpu.memory_space<semaphore_mem>>)
      %dma_wait3A_232 = arith.constant 0 : i32
      %dma_wait3A_233 = tpu.memref_slice %arg15[%add3A_20, %dma_wait3A_232] : memref<10240x128xf32, #tpu.memory_space<vmem_shared>> -> memref<128x128xf32, #tpu.memory_space<vmem_shared>>
      %dma_wait3A_234 = arith.constant 0 : i32
      %dma_wait3A_235 = tpu.memref_slice %arg15[%add3A_20, %dma_wait3A_234] : memref<10240x128xf32, #tpu.memory_space<vmem_shared>> -> memref<128x128xf32, #tpu.memory_space<vmem_shared>>
      tpu.wait_dma2 semaphore(%run_scoped3A_227 : memref<!tpu.dma_semaphore, #tpu.memory_space<semaphore_mem>>) src(%arg9 : memref<128x128xf32, #tpu.memory_space<vmem>>) dst(%dma_wait3A_235 : memref<128x128xf32, #tpu.memory_space<vmem_shared>>)
      tpu.yield
    }) : () -> ()
    %mul3A_21 = arith.constant 640 : i32
    %mul3A_22 = arith.muli %arg1, %mul3A_21 : i32
    %add3A_23 = arith.constant 256 : i32
    %add3A_24 = arith.addi %mul3A_22, %add3A_23 : i32
    "tpu.region"() ({
      %run_scoped3A_227 = tpu.sem_alloc : memref<!tpu.dma_semaphore, #tpu.memory_space<semaphore_mem>>
      %dma_start3A_228 = arith.constant 0 : i32
      %dma_start3A_229 = tpu.memref_slice %arg15[%add3A_24, %dma_start3A_228] : memref<10240x128xf32, #tpu.memory_space<vmem_shared>> -> memref<128x128xf32, #tpu.memory_space<vmem_shared>>
      %dma_start3A_230 = arith.constant 0 : i32
      %dma_start3A_231 = tpu.memref_slice %arg15[%add3A_24, %dma_start3A_230] : memref<10240x128xf32, #tpu.memory_space<vmem_shared>> -> memref<128x128xf32, #tpu.memory_space<vmem_shared>>
      tpu.enqueue_dma source(%arg9 : memref<128x128xf32, #tpu.memory_space<vmem>>) target(%dma_start3A_231 : memref<128x128xf32, #tpu.memory_space<vmem_shared>>) target_semaphore(%run_scoped3A_227 : memref<!tpu.dma_semaphore, #tpu.memory_space<semaphore_mem>>)
      %dma_wait3A_232 = arith.constant 0 : i32
      %dma_wait3A_233 = tpu.memref_slice %arg15[%add3A_24, %dma_wait3A_232] : memref<10240x128xf32, #tpu.memory_space<vmem_shared>> -> memref<128x128xf32, #tpu.memory_space<vmem_shared>>
      %dma_wait3A_234 = arith.constant 0 : i32
      %dma_wait3A_235 = tpu.memref_slice %arg15[%add3A_24, %dma_wait3A_234] : memref<10240x128xf32, #tpu.memory_space<vmem_shared>> -> memref<128x128xf32, #tpu.memory_space<vmem_shared>>
      tpu.wait_dma2 semaphore(%run_scoped3A_227 : memref<!tpu.dma_semaphore, #tpu.memory_space<semaphore_mem>>) src(%arg9 : memref<128x128xf32, #tpu.memory_space<vmem>>) dst(%dma_wait3A_235 : memref<128x128xf32, #tpu.memory_space<vmem_shared>>)
      tpu.yield
    }) : () -> ()
    %mul3A_25 = arith.constant 640 : i32
    %mul3A_26 = arith.muli %arg1, %mul3A_25 : i32
    %add3A_27 = arith.constant 384 : i32
    %add3A_28 = arith.addi %mul3A_26, %add3A_27 : i32
    "tpu.region"() ({
      %run_scoped3A_227 = tpu.sem_alloc : memref<!tpu.dma_semaphore, #tpu.memory_space<semaphore_mem>>
      %dma_start3A_228 = arith.constant 0 : i32
      %dma_start3A_229 = tpu.memref_slice %arg15[%add3A_28, %dma_start3A_228] : memref<10240x128xf32, #tpu.memory_space<vmem_shared>> -> memref<128x128xf32, #tpu.memory_space<vmem_shared>>
      %dma_start3A_230 = arith.constant 0 : i32
      %dma_start3A_231 = tpu.memref_slice %arg15[%add3A_28, %dma_start3A_230] : memref<10240x128xf32, #tpu.memory_space<vmem_shared>> -> memref<128x128xf32, #tpu.memory_space<vmem_shared>>
      tpu.enqueue_dma source(%arg9 : memref<128x128xf32, #tpu.memory_space<vmem>>) target(%dma_start3A_231 : memref<128x128xf32, #tpu.memory_space<vmem_shared>>) target_semaphore(%run_scoped3A_227 : memref<!tpu.dma_semaphore, #tpu.memory_space<semaphore_mem>>)
      %dma_wait3A_232 = arith.constant 0 : i32
      %dma_wait3A_233 = tpu.memref_slice %arg15[%add3A_28, %dma_wait3A_232] : memref<10240x128xf32, #tpu.memory_space<vmem_shared>> -> memref<128x128xf32, #tpu.memory_space<vmem_shared>>
      %dma_wait3A_234 = arith.constant 0 : i32
      %dma_wait3A_235 = tpu.memref_slice %arg15[%add3A_28, %dma_wait3A_234] : memref<10240x128xf32, #tpu.memory_space<vmem_shared>> -> memref<128x128xf32, #tpu.memory_space<vmem_shared>>
      tpu.wait_dma2 semaphore(%run_scoped3A_227 : memref<!tpu.dma_semaphore, #tpu.memory_space<semaphore_mem>>) src(%arg9 : memref<128x128xf32, #tpu.memory_space<vmem>>) dst(%dma_wait3A_235 : memref<128x128xf32, #tpu.memory_space<vmem_shared>>)
      tpu.yield
    }) : () -> ()
    %mul3A_29 = arith.constant 640 : i32
    %mul3A_30 = arith.muli %arg1, %mul3A_29 : i32
    %add3A_31 = arith.constant 512 : i32
    %add3A_32 = arith.addi %mul3A_30, %add3A_31 : i32
    "tpu.region"() ({
      %run_scoped3A_227 = tpu.sem_alloc : memref<!tpu.dma_semaphore, #tpu.memory_space<semaphore_mem>>
      %dma_start3A_228 = arith.constant 0 : i32
      %dma_start3A_229 = tpu.memref_slice %arg15[%add3A_32, %dma_start3A_228] : memref<10240x128xf32, #tpu.memory_space<vmem_shared>> -> memref<128x128xf32, #tpu.memory_space<vmem_shared>>
      %dma_start3A_230 = arith.constant 0 : i32
      %dma_start3A_231 = tpu.memref_slice %arg15[%add3A_32, %dma_start3A_230] : memref<10240x128xf32, #tpu.memory_space<vmem_shared>> -> memref<128x128xf32, #tpu.memory_space<vmem_shared>>
      tpu.enqueue_dma source(%arg9 : memref<128x128xf32, #tpu.memory_space<vmem>>) target(%dma_start3A_231 : memref<128x128xf32, #tpu.memory_space<vmem_shared>>) target_semaphore(%run_scoped3A_227 : memref<!tpu.dma_semaphore, #tpu.memory_space<semaphore_mem>>)
      %dma_wait3A_232 = arith.constant 0 : i32
      %dma_wait3A_233 = tpu.memref_slice %arg15[%add3A_32, %dma_wait3A_232] : memref<10240x128xf32, #tpu.memory_space<vmem_shared>> -> memref<128x128xf32, #tpu.memory_space<vmem_shared>>
      %dma_wait3A_234 = arith.constant 0 : i32
      %dma_wait3A_235 = tpu.memref_slice %arg15[%add3A_32, %dma_wait3A_234] : memref<10240x128xf32, #tpu.memory_space<vmem_shared>> -> memref<128x128xf32, #tpu.memory_space<vmem_shared>>
      tpu.wait_dma2 semaphore(%run_scoped3A_227 : memref<!tpu.dma_semaphore, #tpu.memory_space<semaphore_mem>>) src(%arg9 : memref<128x128xf32, #tpu.memory_space<vmem>>) dst(%dma_wait3A_235 : memref<128x128xf32, #tpu.memory_space<vmem_shared>>)
      tpu.yield
    }) : () -> ()
    %dma_wait3A = arith.constant 0 : i32
    %dma_wait3A_33 = arith.constant 0 : i32
    %dma_wait3A_34 = tpu.memref_slice %arg3[%add3A, %dma_wait3A, %dma_wait3A_33] : memref<32x79x128xi32, #tpu.memory_space<hbm>> -> memref<1x79x128xi32, #tpu.memory_space<hbm>>
    %dma_wait3A_35 = tpu.memref_squeeze %dma_wait3A_34 : memref<1x79x128xi32, #tpu.memory_space<hbm>> -> memref<79x128xi32, #tpu.memory_space<hbm>>
    %dma_wait3A_36 = arith.constant 0 : i32
    %dma_wait3A_37 = arith.constant 0 : i32
    %dma_wait3A_38 = tpu.memref_slice %arg3[%add3A, %dma_wait3A_36, %dma_wait3A_37] : memref<32x79x128xi32, #tpu.memory_space<hbm>> -> memref<1x79x128xi32, #tpu.memory_space<hbm>>
    %dma_wait3A_39 = tpu.memref_squeeze %dma_wait3A_38 : memref<1x79x128xi32, #tpu.memory_space<hbm>> -> memref<79x128xi32, #tpu.memory_space<hbm>>
    tpu.wait_dma2 semaphore(%arg11 : memref<!tpu.dma_semaphore, #tpu.memory_space<semaphore_mem>>) src(%dma_wait3A_39 : memref<79x128xi32, #tpu.memory_space<hbm>>) dst(%arg6 : memref<79x128xi32, #tpu.memory_space<vmem>>)
    %barrier3A = arith.constant 0 : index
    tpu.barrier barrier_id(%barrier3A)
    %mul3A_40 = arith.constant 79 : i32
    %mul3A_41 = arith.muli %add3A, %mul3A_40 : i32
    %add3A_42 = arith.constant 0 : i32
    %add3A_43 = arith.addi %mul3A_41, %add3A_42 : i32
    %dma_start3A_44 = arith.constant 0 : i32
    %dma_start3A_45 = arith.constant 0 : i32
    %dma_start3A_46 = tpu.memref_slice %arg4[%add3A_43, %dma_start3A_44, %dma_start3A_45] : memref<2528x1x128xi32, #tpu.memory_space<hbm>> -> memref<1x1x128xi32, #tpu.memory_space<hbm>>
    %dma_start3A_47 = tpu.memref_squeeze %dma_start3A_46 : memref<1x1x128xi32, #tpu.memory_space<hbm>> -> memref<1x128xi32, #tpu.memory_space<hbm>>
    %dma_start3A_48 = arith.constant 0 : i32
    %dma_start3A_49 = arith.constant 0 : i32
    %dma_start3A_50 = tpu.memref_slice %arg4[%add3A_43, %dma_start3A_48, %dma_start3A_49] : memref<2528x1x128xi32, #tpu.memory_space<hbm>> -> memref<1x1x128xi32, #tpu.memory_space<hbm>>
    %dma_start3A_51 = tpu.memref_squeeze %dma_start3A_50 : memref<1x1x128xi32, #tpu.memory_space<hbm>> -> memref<1x128xi32, #tpu.memory_space<hbm>>
    tpu.enqueue_dma source(%dma_start3A_51 : memref<1x128xi32, #tpu.memory_space<hbm>>) target(%arg7 : memref<1x128xi32, #tpu.memory_space<vmem>>) target_semaphore(%arg13 : memref<!tpu.dma_semaphore, #tpu.memory_space<semaphore_mem>>)
    %dma_start3A_52 = arith.constant 0 : i32
    %dma_start3A_53 = arith.constant 0 : i32
    %dma_start3A_54 = tpu.memref_slice %arg6[%dma_start3A_52, %dma_start3A_53] : memref<79x128xi32, #tpu.memory_space<vmem>> -> memref<1x128xi32, #tpu.memory_space<vmem>>
    %dma_start3A_55 = tpu.memref_squeeze %dma_start3A_54 : memref<1x128xi32, #tpu.memory_space<vmem>> -> memref<128xi32, #tpu.memory_space<vmem>>
    %dma_start3A_56 = arith.constant 0 : i32
    %dma_start3A_57 = arith.constant 0 : i32
    %dma_start3A_58 = tpu.memref_slice %arg2[%dma_start3A_56, %dma_start3A_57] : memref<10240x128xf32, #tpu.memory_space<hbm>> -> memref<10240x128xf32, #tpu.memory_space<hbm>>
    tpu.enqueue_indirect_dma source(%dma_start3A_58 : memref<10240x128xf32, #tpu.memory_space<hbm>>) target(%arg9 : memref<128x128xf32, #tpu.memory_space<vmem>>) offsets(%dma_start3A_55 : memref<128xi32, #tpu.memory_space<vmem>>) semaphore(%arg11 : memref<!tpu.dma_semaphore, #tpu.memory_space<semaphore_mem>>)
    %mul3A_59 = arith.constant 79 : i32
    %mul3A_60 = arith.muli %add3A, %mul3A_59 : i32
    %add3A_61 = arith.constant 1 : i32
    %add3A_62 = arith.addi %mul3A_60, %add3A_61 : i32
    %dma_start3A_63 = arith.constant 0 : i32
    %dma_start3A_64 = arith.constant 0 : i32
    %dma_start3A_65 = tpu.memref_slice %arg4[%add3A_62, %dma_start3A_63, %dma_start3A_64] : memref<2528x1x128xi32, #tpu.memory_space<hbm>> -> memref<1x1x128xi32, #tpu.memory_space<hbm>>
    %dma_start3A_66 = tpu.memref_squeeze %dma_start3A_65 : memref<1x1x128xi32, #tpu.memory_space<hbm>> -> memref<1x128xi32, #tpu.memory_space<hbm>>
    %dma_start3A_67 = arith.constant 0 : i32
    %dma_start3A_68 = arith.constant 0 : i32
    %dma_start3A_69 = tpu.memref_slice %arg4[%add3A_62, %dma_start3A_67, %dma_start3A_68] : memref<2528x1x128xi32, #tpu.memory_space<hbm>> -> memref<1x1x128xi32, #tpu.memory_space<hbm>>
    %dma_start3A_70 = tpu.memref_squeeze %dma_start3A_69 : memref<1x1x128xi32, #tpu.memory_space<hbm>> -> memref<1x128xi32, #tpu.memory_space<hbm>>
    tpu.enqueue_dma source(%dma_start3A_70 : memref<1x128xi32, #tpu.memory_space<hbm>>) target(%arg8 : memref<1x128xi32, #tpu.memory_space<vmem>>) target_semaphore(%arg14 : memref<!tpu.dma_semaphore, #tpu.memory_space<semaphore_mem>>)
    %scan3A_71 = arith.constant 0 : i32
    %scan3A_72 = arith.constant 0 : i32
    %scan3A_73 = arith.constant 39 : i32
    %scan3A_74 = arith.addi %scan3A_72, %scan3A_73 : i32
    %scan3A_75 = arith.constant 1 : i32
    scf.for %scan3A_227 = %scan3A_72 to %scan3A_74 step %scan3A_75  : i32 {
      %mul3A_228 = arith.constant 2 : i32
      %mul3A_229 = arith.muli %mul3A_228, %scan3A_227 : i32
      %add3A_230 = arith.constant 1 : i32
      %add3A_231 = arith.addi %mul3A_229, %add3A_230 : i32
      %dma_start3A_232 = arith.constant 0 : i32
      %dma_start3A_233 = tpu.memref_slice %arg6[%add3A_231, %dma_start3A_232] : memref<79x128xi32, #tpu.memory_space<vmem>> -> memref<1x128xi32, #tpu.memory_space<vmem>>
      %dma_start3A_234 = tpu.memref_squeeze %dma_start3A_233 : memref<1x128xi32, #tpu.memory_space<vmem>> -> memref<128xi32, #tpu.memory_space<vmem>>
      %dma_start3A_235 = arith.constant 0 : i32
      %dma_start3A_236 = arith.constant 0 : i32
      %dma_start3A_237 = tpu.memref_slice %arg2[%dma_start3A_235, %dma_start3A_236] : memref<10240x128xf32, #tpu.memory_space<hbm>> -> memref<10240x128xf32, #tpu.memory_space<hbm>>
      tpu.enqueue_indirect_dma source(%dma_start3A_237 : memref<10240x128xf32, #tpu.memory_space<hbm>>) target(%arg10 : memref<128x128xf32, #tpu.memory_space<vmem>>) offsets(%dma_start3A_234 : memref<128xi32, #tpu.memory_space<vmem>>) semaphore(%arg12 : memref<!tpu.dma_semaphore, #tpu.memory_space<semaphore_mem>>)
      %dma_wait3A_238 = arith.constant 0 : i32
      %dma_wait3A_239 = tpu.memref_slice %arg6[%mul3A_229, %dma_wait3A_238] : memref<79x128xi32, #tpu.memory_space<vmem>> -> memref<1x128xi32, #tpu.memory_space<vmem>>
      %dma_wait3A_240 = tpu.memref_squeeze %dma_wait3A_239 : memref<1x128xi32, #tpu.memory_space<vmem>> -> memref<128xi32, #tpu.memory_space<vmem>>
      %dma_wait3A_241 = arith.constant 0 : i32
      %dma_wait3A_242 = arith.constant 0 : i32
      %dma_wait3A_243 = tpu.memref_slice %arg2[%dma_wait3A_241, %dma_wait3A_242] : memref<10240x128xf32, #tpu.memory_space<hbm>> -> memref<10240x128xf32, #tpu.memory_space<hbm>>
      tpu.wait_indirect_dma semaphore(%arg11 : memref<!tpu.dma_semaphore, #tpu.memory_space<semaphore_mem>>) src(%dma_wait3A_243 : memref<10240x128xf32, #tpu.memory_space<hbm>>) dst(%arg9 : memref<128x128xf32, #tpu.memory_space<vmem>>)
      %mul3A_244 = arith.constant 79 : i32
      %mul3A_245 = arith.muli %add3A, %mul3A_244 : i32
      %add3A_246 = arith.addi %mul3A_245, %mul3A_229 : i32
      %dma_wait3A_247 = arith.constant 0 : i32
      %dma_wait3A_248 = arith.constant 0 : i32
      %dma_wait3A_249 = tpu.memref_slice %arg4[%add3A_246, %dma_wait3A_247, %dma_wait3A_248] : memref<2528x1x128xi32, #tpu.memory_space<hbm>> -> memref<1x1x128xi32, #tpu.memory_space<hbm>>
      %dma_wait3A_250 = tpu.memref_squeeze %dma_wait3A_249 : memref<1x1x128xi32, #tpu.memory_space<hbm>> -> memref<1x128xi32, #tpu.memory_space<hbm>>
      %dma_wait3A_251 = arith.constant 0 : i32
      %dma_wait3A_252 = arith.constant 0 : i32
      %dma_wait3A_253 = tpu.memref_slice %arg4[%add3A_246, %dma_wait3A_251, %dma_wait3A_252] : memref<2528x1x128xi32, #tpu.memory_space<hbm>> -> memref<1x1x128xi32, #tpu.memory_space<hbm>>
      %dma_wait3A_254 = tpu.memref_squeeze %dma_wait3A_253 : memref<1x1x128xi32, #tpu.memory_space<hbm>> -> memref<1x128xi32, #tpu.memory_space<hbm>>
      tpu.wait_dma2 semaphore(%arg13 : memref<!tpu.dma_semaphore, #tpu.memory_space<semaphore_mem>>) src(%dma_wait3A_254 : memref<1x128xi32, #tpu.memory_space<hbm>>) dst(%arg7 : memref<1x128xi32, #tpu.memory_space<vmem>>)
      %run_scoped3A_255 = arith.constant 0 : i32
      "tpu.region"() ({
        %run_scoped3A_305 = tpu.sem_alloc : memref<!tpu.dma_semaphore, #tpu.memory_space<semaphore_mem>>
        %dma_start3A_306 = arith.constant 0 : i32
        %dma_start3A_307 = tpu.memref_slice %arg7[%run_scoped3A_255, %dma_start3A_306] : memref<1x128xi32, #tpu.memory_space<vmem>> -> memref<1x128xi32, #tpu.memory_space<vmem>>
        %dma_start3A_308 = tpu.memref_squeeze %dma_start3A_307 : memref<1x128xi32, #tpu.memory_space<vmem>> -> memref<128xi32, #tpu.memory_space<vmem>>
        %dma_start3A_309 = arith.constant 0 : i32
        %dma_start3A_310 = arith.constant 0 : i32
        %dma_start3A_311 = tpu.memref_slice %arg15[%dma_start3A_309, %dma_start3A_310] : memref<10240x128xf32, #tpu.memory_space<vmem_shared>> -> memref<10240x128xf32, #tpu.memory_space<vmem_shared>>
        tpu.enqueue_indirect_dma source(%arg9 : memref<128x128xf32, #tpu.memory_space<vmem>>) target(%dma_start3A_311 : memref<10240x128xf32, #tpu.memory_space<vmem_shared>>) offsets(%dma_start3A_308 : memref<128xi32, #tpu.memory_space<vmem>>) semaphore(%run_scoped3A_305 : memref<!tpu.dma_semaphore, #tpu.memory_space<semaphore_mem>>) {add = true}
        %dma_wait3A_312 = arith.constant 0 : i32
        %dma_wait3A_313 = tpu.memref_slice %arg7[%run_scoped3A_255, %dma_wait3A_312] : memref<1x128xi32, #tpu.memory_space<vmem>> -> memref<1x128xi32, #tpu.memory_space<vmem>>
        %dma_wait3A_314 = tpu.memref_squeeze %dma_wait3A_313 : memref<1x128xi32, #tpu.memory_space<vmem>> -> memref<128xi32, #tpu.memory_space<vmem>>
        %dma_wait3A_315 = arith.constant 0 : i32
        %dma_wait3A_316 = arith.constant 0 : i32
        %dma_wait3A_317 = tpu.memref_slice %arg15[%dma_wait3A_315, %dma_wait3A_316] : memref<10240x128xf32, #tpu.memory_space<vmem_shared>> -> memref<10240x128xf32, #tpu.memory_space<vmem_shared>>
        tpu.wait_indirect_dma semaphore(%run_scoped3A_305 : memref<!tpu.dma_semaphore, #tpu.memory_space<semaphore_mem>>) src(%arg9 : memref<128x128xf32, #tpu.memory_space<vmem>>) dst(%dma_wait3A_317 : memref<10240x128xf32, #tpu.memory_space<vmem_shared>>)
        tpu.yield
      }) : () -> ()
      %add3A_256 = arith.constant 2 : i32
      %add3A_257 = arith.addi %mul3A_229, %add3A_256 : i32
      %dma_start3A_258 = arith.constant 0 : i32
      %dma_start3A_259 = tpu.memref_slice %arg6[%add3A_257, %dma_start3A_258] : memref<79x128xi32, #tpu.memory_space<vmem>> -> memref<1x128xi32, #tpu.memory_space<vmem>>
      %dma_start3A_260 = tpu.memref_squeeze %dma_start3A_259 : memref<1x128xi32, #tpu.memory_space<vmem>> -> memref<128xi32, #tpu.memory_space<vmem>>
      %dma_start3A_261 = arith.constant 0 : i32
      %dma_start3A_262 = arith.constant 0 : i32
      %dma_start3A_263 = tpu.memref_slice %arg2[%dma_start3A_261, %dma_start3A_262] : memref<10240x128xf32, #tpu.memory_space<hbm>> -> memref<10240x128xf32, #tpu.memory_space<hbm>>
      tpu.enqueue_indirect_dma source(%dma_start3A_263 : memref<10240x128xf32, #tpu.memory_space<hbm>>) target(%arg9 : memref<128x128xf32, #tpu.memory_space<vmem>>) offsets(%dma_start3A_260 : memref<128xi32, #tpu.memory_space<vmem>>) semaphore(%arg11 : memref<!tpu.dma_semaphore, #tpu.memory_space<semaphore_mem>>)
      %add3A_264 = arith.constant 2 : i32
      %add3A_265 = arith.addi %mul3A_229, %add3A_264 : i32
      %mul3A_266 = arith.constant 79 : i32
      %mul3A_267 = arith.muli %add3A, %mul3A_266 : i32
      %add3A_268 = arith.addi %mul3A_267, %add3A_265 : i32
      %dma_start3A_269 = arith.constant 0 : i32
      %dma_start3A_270 = arith.constant 0 : i32
      %dma_start3A_271 = tpu.memref_slice %arg4[%add3A_268, %dma_start3A_269, %dma_start3A_270] : memref<2528x1x128xi32, #tpu.memory_space<hbm>> -> memref<1x1x128xi32, #tpu.memory_space<hbm>>
      %dma_start3A_272 = tpu.memref_squeeze %dma_start3A_271 : memref<1x1x128xi32, #tpu.memory_space<hbm>> -> memref<1x128xi32, #tpu.memory_space<hbm>>
      %dma_start3A_273 = arith.constant 0 : i32
      %dma_start3A_274 = arith.constant 0 : i32
      %dma_start3A_275 = tpu.memref_slice %arg4[%add3A_268, %dma_start3A_273, %dma_start3A_274] : memref<2528x1x128xi32, #tpu.memory_space<hbm>> -> memref<1x1x128xi32, #tpu.memory_space<hbm>>
      %dma_start3A_276 = tpu.memref_squeeze %dma_start3A_275 : memref<1x1x128xi32, #tpu.memory_space<hbm>> -> memref<1x128xi32, #tpu.memory_space<hbm>>
      tpu.enqueue_dma source(%dma_start3A_276 : memref<1x128xi32, #tpu.memory_space<hbm>>) target(%arg7 : memref<1x128xi32, #tpu.memory_space<vmem>>) target_semaphore(%arg13 : memref<!tpu.dma_semaphore, #tpu.memory_space<semaphore_mem>>)
      %add3A_277 = arith.constant 1 : i32
      %add3A_278 = arith.addi %mul3A_229, %add3A_277 : i32
      %dma_wait3A_279 = arith.constant 0 : i32
      %dma_wait3A_280 = tpu.memref_slice %arg6[%add3A_278, %dma_wait3A_279] : memref<79x128xi32, #tpu.memory_space<vmem>> -> memref<1x128xi32, #tpu.memory_space<vmem>>
      %dma_wait3A_281 = tpu.memref_squeeze %dma_wait3A_280 : memref<1x128xi32, #tpu.memory_space<vmem>> -> memref<128xi32, #tpu.memory_space<vmem>>
      %dma_wait3A_282 = arith.constant 0 : i32
      %dma_wait3A_283 = arith.constant 0 : i32
      %dma_wait3A_284 = tpu.memref_slice %arg2[%dma_wait3A_282, %dma_wait3A_283] : memref<10240x128xf32, #tpu.memory_space<hbm>> -> memref<10240x128xf32, #tpu.memory_space<hbm>>
      tpu.wait_indirect_dma semaphore(%arg12 : memref<!tpu.dma_semaphore, #tpu.memory_space<semaphore_mem>>) src(%dma_wait3A_284 : memref<10240x128xf32, #tpu.memory_space<hbm>>) dst(%arg10 : memref<128x128xf32, #tpu.memory_space<vmem>>)
      %add3A_285 = arith.constant 1 : i32
      %add3A_286 = arith.addi %mul3A_229, %add3A_285 : i32
      %mul3A_287 = arith.constant 79 : i32
      %mul3A_288 = arith.muli %add3A, %mul3A_287 : i32
      %add3A_289 = arith.addi %mul3A_288, %add3A_286 : i32
      %dma_wait3A_290 = arith.constant 0 : i32
      %dma_wait3A_291 = arith.constant 0 : i32
      %dma_wait3A_292 = tpu.memref_slice %arg4[%add3A_289, %dma_wait3A_290, %dma_wait3A_291] : memref<2528x1x128xi32, #tpu.memory_space<hbm>> -> memref<1x1x128xi32, #tpu.memory_space<hbm>>
      %dma_wait3A_293 = tpu.memref_squeeze %dma_wait3A_292 : memref<1x1x128xi32, #tpu.memory_space<hbm>> -> memref<1x128xi32, #tpu.memory_space<hbm>>
      %dma_wait3A_294 = arith.constant 0 : i32
      %dma_wait3A_295 = arith.constant 0 : i32
      %dma_wait3A_296 = tpu.memref_slice %arg4[%add3A_289, %dma_wait3A_294, %dma_wait3A_295] : memref<2528x1x128xi32, #tpu.memory_space<hbm>> -> memref<1x1x128xi32, #tpu.memory_space<hbm>>
      %dma_wait3A_297 = tpu.memref_squeeze %dma_wait3A_296 : memref<1x1x128xi32, #tpu.memory_space<hbm>> -> memref<1x128xi32, #tpu.memory_space<hbm>>
      tpu.wait_dma2 semaphore(%arg14 : memref<!tpu.dma_semaphore, #tpu.memory_space<semaphore_mem>>) src(%dma_wait3A_297 : memref<1x128xi32, #tpu.memory_space<hbm>>) dst(%arg8 : memref<1x128xi32, #tpu.memory_space<vmem>>)
      %add3A_298 = arith.constant 1 : i32
      %add3A_299 = arith.addi %mul3A_229, %add3A_298 : i32
      %run_scoped3A_300 = arith.constant 0 : i32
      "tpu.region"() ({
        %run_scoped3A_305 = tpu.sem_alloc : memref<!tpu.dma_semaphore, #tpu.memory_space<semaphore_mem>>
        %dma_start3A_306 = arith.constant 0 : i32
        %dma_start3A_307 = tpu.memref_slice %arg8[%run_scoped3A_300, %dma_start3A_306] : memref<1x128xi32, #tpu.memory_space<vmem>> -> memref<1x128xi32, #tpu.memory_space<vmem>>
        %dma_start3A_308 = tpu.memref_squeeze %dma_start3A_307 : memref<1x128xi32, #tpu.memory_space<vmem>> -> memref<128xi32, #tpu.memory_space<vmem>>
        %dma_start3A_309 = arith.constant 0 : i32
        %dma_start3A_310 = arith.constant 0 : i32
        %dma_start3A_311 = tpu.memref_slice %arg15[%dma_start3A_309, %dma_start3A_310] : memref<10240x128xf32, #tpu.memory_space<vmem_shared>> -> memref<10240x128xf32, #tpu.memory_space<vmem_shared>>
        tpu.enqueue_indirect_dma source(%arg10 : memref<128x128xf32, #tpu.memory_space<vmem>>) target(%dma_start3A_311 : memref<10240x128xf32, #tpu.memory_space<vmem_shared>>) offsets(%dma_start3A_308 : memref<128xi32, #tpu.memory_space<vmem>>) semaphore(%run_scoped3A_305 : memref<!tpu.dma_semaphore, #tpu.memory_space<semaphore_mem>>) {add = true}
        %dma_wait3A_312 = arith.constant 0 : i32
        %dma_wait3A_313 = tpu.memref_slice %arg8[%run_scoped3A_300, %dma_wait3A_312] : memref<1x128xi32, #tpu.memory_space<vmem>> -> memref<1x128xi32, #tpu.memory_space<vmem>>
        %dma_wait3A_314 = tpu.memref_squeeze %dma_wait3A_313 : memref<1x128xi32, #tpu.memory_space<vmem>> -> memref<128xi32, #tpu.memory_space<vmem>>
        %dma_wait3A_315 = arith.constant 0 : i32
        %dma_wait3A_316 = arith.constant 0 : i32
        %dma_wait3A_317 = tpu.memref_slice %arg15[%dma_wait3A_315, %dma_wait3A_316] : memref<10240x128xf32, #tpu.memory_space<vmem_shared>> -> memref<10240x128xf32, #tpu.memory_space<vmem_shared>>
        tpu.wait_indirect_dma semaphore(%run_scoped3A_305 : memref<!tpu.dma_semaphore, #tpu.memory_space<semaphore_mem>>) src(%arg10 : memref<128x128xf32, #tpu.memory_space<vmem>>) dst(%dma_wait3A_317 : memref<10240x128xf32, #tpu.memory_space<vmem_shared>>)
        tpu.yield
      }) : () -> ()
      %add3A_301 = arith.constant 3 : i32
      %add3A_302 = arith.addi %mul3A_229, %add3A_301 : i32
      %lt3A = arith.constant 79 : i32
      %lt3A_303 = arith.cmpi slt, %add3A_302, %lt3A : i32
      %convert_element_type3A = arith.extui %lt3A_303 : i1 to i32
      %cond3A = arith.constant 0 : i32
      %cond3A_304 = arith.cmpi ne, %convert_element_type3A, %cond3A : i32
      scf.if %cond3A_304 {
        %add3A_305 = arith.constant 3 : i32
        %add3A_306 = arith.addi %mul3A_229, %add3A_305 : i32
        %mul3A_307 = arith.constant 79 : i32
        %mul3A_308 = arith.muli %add3A, %mul3A_307 : i32
        %add3A_309 = arith.addi %mul3A_308, %add3A_306 : i32
        %dma_start3A_310 = arith.constant 0 : i32
        %dma_start3A_311 = arith.constant 0 : i32
        %dma_start3A_312 = tpu.memref_slice %arg4[%add3A_309, %dma_start3A_310, %dma_start3A_311] : memref<2528x1x128xi32, #tpu.memory_space<hbm>> -> memref<1x1x128xi32, #tpu.memory_space<hbm>>
        %dma_start3A_313 = tpu.memref_squeeze %dma_start3A_312 : memref<1x1x128xi32, #tpu.memory_space<hbm>> -> memref<1x128xi32, #tpu.memory_space<hbm>>
        %dma_start3A_314 = arith.constant 0 : i32
        %dma_start3A_315 = arith.constant 0 : i32
        %dma_start3A_316 = tpu.memref_slice %arg4[%add3A_309, %dma_start3A_314, %dma_start3A_315] : memref<2528x1x128xi32, #tpu.memory_space<hbm>> -> memref<1x1x128xi32, #tpu.memory_space<hbm>>
        %dma_start3A_317 = tpu.memref_squeeze %dma_start3A_316 : memref<1x1x128xi32, #tpu.memory_space<hbm>> -> memref<1x128xi32, #tpu.memory_space<hbm>>
        tpu.enqueue_dma source(%dma_start3A_317 : memref<1x128xi32, #tpu.memory_space<hbm>>) target(%arg8 : memref<1x128xi32, #tpu.memory_space<vmem>>) target_semaphore(%arg14 : memref<!tpu.dma_semaphore, #tpu.memory_space<semaphore_mem>>)
      } else {
      }
    }
    %scan3A_76 = arith.constant 39 : i32
    %dma_wait3A_77 = arith.constant 78 : i32
    %dma_wait3A_78 = arith.constant 0 : i32
    %dma_wait3A_79 = tpu.memref_slice %arg6[%dma_wait3A_77, %dma_wait3A_78] : memref<79x128xi32, #tpu.memory_space<vmem>> -> memref<1x128xi32, #tpu.memory_space<vmem>>
    %dma_wait3A_80 = tpu.memref_squeeze %dma_wait3A_79 : memref<1x128xi32, #tpu.memory_space<vmem>> -> memref<128xi32, #tpu.memory_space<vmem>>
    %dma_wait3A_81 = arith.constant 0 : i32
    %dma_wait3A_82 = arith.constant 0 : i32
    %dma_wait3A_83 = tpu.memref_slice %arg2[%dma_wait3A_81, %dma_wait3A_82] : memref<10240x128xf32, #tpu.memory_space<hbm>> -> memref<10240x128xf32, #tpu.memory_space<hbm>>
    tpu.wait_indirect_dma semaphore(%arg11 : memref<!tpu.dma_semaphore, #tpu.memory_space<semaphore_mem>>) src(%dma_wait3A_83 : memref<10240x128xf32, #tpu.memory_space<hbm>>) dst(%arg9 : memref<128x128xf32, #tpu.memory_space<vmem>>)
    %mul3A_84 = arith.constant 79 : i32
    %mul3A_85 = arith.muli %add3A, %mul3A_84 : i32
    %add3A_86 = arith.constant 78 : i32
    %add3A_87 = arith.addi %mul3A_85, %add3A_86 : i32
    %dma_wait3A_88 = arith.constant 0 : i32
    %dma_wait3A_89 = arith.constant 0 : i32
    %dma_wait3A_90 = tpu.memref_slice %arg4[%add3A_87, %dma_wait3A_88, %dma_wait3A_89] : memref<2528x1x128xi32, #tpu.memory_space<hbm>> -> memref<1x1x128xi32, #tpu.memory_space<hbm>>
    %dma_wait3A_91 = tpu.memref_squeeze %dma_wait3A_90 : memref<1x1x128xi32, #tpu.memory_space<hbm>> -> memref<1x128xi32, #tpu.memory_space<hbm>>
    %dma_wait3A_92 = arith.constant 0 : i32
    %dma_wait3A_93 = arith.constant 0 : i32
    %dma_wait3A_94 = tpu.memref_slice %arg4[%add3A_87, %dma_wait3A_92, %dma_wait3A_93] : memref<2528x1x128xi32, #tpu.memory_space<hbm>> -> memref<1x1x128xi32, #tpu.memory_space<hbm>>
    %dma_wait3A_95 = tpu.memref_squeeze %dma_wait3A_94 : memref<1x1x128xi32, #tpu.memory_space<hbm>> -> memref<1x128xi32, #tpu.memory_space<hbm>>
    tpu.wait_dma2 semaphore(%arg13 : memref<!tpu.dma_semaphore, #tpu.memory_space<semaphore_mem>>) src(%dma_wait3A_95 : memref<1x128xi32, #tpu.memory_space<hbm>>) dst(%arg7 : memref<1x128xi32, #tpu.memory_space<vmem>>)
    %run_scoped3A = arith.constant 0 : i32
    "tpu.region"() ({
      %run_scoped3A_227 = tpu.sem_alloc : memref<!tpu.dma_semaphore, #tpu.memory_space<semaphore_mem>>
      %dma_start3A_228 = arith.constant 0 : i32
      %dma_start3A_229 = tpu.memref_slice %arg7[%run_scoped3A, %dma_start3A_228] : memref<1x128xi32, #tpu.memory_space<vmem>> -> memref<1x128xi32, #tpu.memory_space<vmem>>
      %dma_start3A_230 = tpu.memref_squeeze %dma_start3A_229 : memref<1x128xi32, #tpu.memory_space<vmem>> -> memref<128xi32, #tpu.memory_space<vmem>>
      %dma_start3A_231 = arith.constant 0 : i32
      %dma_start3A_232 = arith.constant 0 : i32
      %dma_start3A_233 = tpu.memref_slice %arg15[%dma_start3A_231, %dma_start3A_232] : memref<10240x128xf32, #tpu.memory_space<vmem_shared>> -> memref<10240x128xf32, #tpu.memory_space<vmem_shared>>
      tpu.enqueue_indirect_dma source(%arg9 : memref<128x128xf32, #tpu.memory_space<vmem>>) target(%dma_start3A_233 : memref<10240x128xf32, #tpu.memory_space<vmem_shared>>) offsets(%dma_start3A_230 : memref<128xi32, #tpu.memory_space<vmem>>) semaphore(%run_scoped3A_227 : memref<!tpu.dma_semaphore, #tpu.memory_space<semaphore_mem>>) {add = true}
      %dma_wait3A_234 = arith.constant 0 : i32
      %dma_wait3A_235 = tpu.memref_slice %arg7[%run_scoped3A, %dma_wait3A_234] : memref<1x128xi32, #tpu.memory_space<vmem>> -> memref<1x128xi32, #tpu.memory_space<vmem>>
      %dma_wait3A_236 = tpu.memref_squeeze %dma_wait3A_235 : memref<1x128xi32, #tpu.memory_space<vmem>> -> memref<128xi32, #tpu.memory_space<vmem>>
      %dma_wait3A_237 = arith.constant 0 : i32
      %dma_wait3A_238 = arith.constant 0 : i32
      %dma_wait3A_239 = tpu.memref_slice %arg15[%dma_wait3A_237, %dma_wait3A_238] : memref<10240x128xf32, #tpu.memory_space<vmem_shared>> -> memref<10240x128xf32, #tpu.memory_space<vmem_shared>>
      tpu.wait_indirect_dma semaphore(%run_scoped3A_227 : memref<!tpu.dma_semaphore, #tpu.memory_space<semaphore_mem>>) src(%arg9 : memref<128x128xf32, #tpu.memory_space<vmem>>) dst(%dma_wait3A_239 : memref<10240x128xf32, #tpu.memory_space<vmem_shared>>)
      tpu.yield
    }) : () -> ()
    %barrier3A_96 = arith.constant 0 : index
    tpu.barrier barrier_id(%barrier3A_96)
    %mul3A_97 = arith.constant 640 : i32
    %mul3A_98 = arith.muli %arg1, %mul3A_97 : i32
    %add3A_99 = arith.constant 0 : i32
    %add3A_100 = arith.addi %mul3A_98, %add3A_99 : i32
    %mul3A_101 = arith.constant 640 : i32
    %mul3A_102 = arith.muli %arg1, %mul3A_101 : i32
    %add3A_103 = arith.constant 0 : i32
    %add3A_104 = arith.addi %mul3A_102, %add3A_103 : i32
    %dma_start3A_105 = arith.constant 0 : i32
    %dma_start3A_106 = tpu.memref_slice %arg5[%arg0, %add3A_104, %dma_start3A_105] : memref<2x10240x128xf32, #tpu.memory_space<hbm>> -> memref<1x128x128xf32, #tpu.memory_space<hbm>>
    %dma_start3A_107 = tpu.memref_squeeze %dma_start3A_106 : memref<1x128x128xf32, #tpu.memory_space<hbm>> -> memref<128x128xf32, #tpu.memory_space<hbm>>
    %dma_start3A_108 = arith.constant 0 : i32
    %dma_start3A_109 = tpu.memref_slice %arg15[%add3A_100, %dma_start3A_108] : memref<10240x128xf32, #tpu.memory_space<vmem_shared>> -> memref<128x128xf32, #tpu.memory_space<vmem_shared>>
    tpu.enqueue_dma source(%dma_start3A_109 : memref<128x128xf32, #tpu.memory_space<vmem_shared>>) target(%dma_start3A_107 : memref<128x128xf32, #tpu.memory_space<hbm>>) target_semaphore(%arg11 : memref<!tpu.dma_semaphore, #tpu.memory_space<semaphore_mem>>)
    %mul3A_110 = arith.constant 640 : i32
    %mul3A_111 = arith.muli %arg1, %mul3A_110 : i32
    %add3A_112 = arith.constant 128 : i32
    %add3A_113 = arith.addi %mul3A_111, %add3A_112 : i32
    %mul3A_114 = arith.constant 640 : i32
    %mul3A_115 = arith.muli %arg1, %mul3A_114 : i32
    %add3A_116 = arith.constant 128 : i32
    %add3A_117 = arith.addi %mul3A_115, %add3A_116 : i32
    %dma_start3A_118 = arith.constant 0 : i32
    %dma_start3A_119 = tpu.memref_slice %arg5[%arg0, %add3A_117, %dma_start3A_118] : memref<2x10240x128xf32, #tpu.memory_space<hbm>> -> memref<1x128x128xf32, #tpu.memory_space<hbm>>
    %dma_start3A_120 = tpu.memref_squeeze %dma_start3A_119 : memref<1x128x128xf32, #tpu.memory_space<hbm>> -> memref<128x128xf32, #tpu.memory_space<hbm>>
    %dma_start3A_121 = arith.constant 0 : i32
    %dma_start3A_122 = tpu.memref_slice %arg15[%add3A_113, %dma_start3A_121] : memref<10240x128xf32, #tpu.memory_space<vmem_shared>> -> memref<128x128xf32, #tpu.memory_space<vmem_shared>>
    tpu.enqueue_dma source(%dma_start3A_122 : memref<128x128xf32, #tpu.memory_space<vmem_shared>>) target(%dma_start3A_120 : memref<128x128xf32, #tpu.memory_space<hbm>>) target_semaphore(%arg11 : memref<!tpu.dma_semaphore, #tpu.memory_space<semaphore_mem>>)
    %mul3A_123 = arith.constant 640 : i32
    %mul3A_124 = arith.muli %arg1, %mul3A_123 : i32
    %add3A_125 = arith.constant 256 : i32
    %add3A_126 = arith.addi %mul3A_124, %add3A_125 : i32
    %mul3A_127 = arith.constant 640 : i32
    %mul3A_128 = arith.muli %arg1, %mul3A_127 : i32
    %add3A_129 = arith.constant 256 : i32
    %add3A_130 = arith.addi %mul3A_128, %add3A_129 : i32
    %dma_start3A_131 = arith.constant 0 : i32
    %dma_start3A_132 = tpu.memref_slice %arg5[%arg0, %add3A_130, %dma_start3A_131] : memref<2x10240x128xf32, #tpu.memory_space<hbm>> -> memref<1x128x128xf32, #tpu.memory_space<hbm>>
    %dma_start3A_133 = tpu.memref_squeeze %dma_start3A_132 : memref<1x128x128xf32, #tpu.memory_space<hbm>> -> memref<128x128xf32, #tpu.memory_space<hbm>>
    %dma_start3A_134 = arith.constant 0 : i32
    %dma_start3A_135 = tpu.memref_slice %arg15[%add3A_126, %dma_start3A_134] : memref<10240x128xf32, #tpu.memory_space<vmem_shared>> -> memref<128x128xf32, #tpu.memory_space<vmem_shared>>
    tpu.enqueue_dma source(%dma_start3A_135 : memref<128x128xf32, #tpu.memory_space<vmem_shared>>) target(%dma_start3A_133 : memref<128x128xf32, #tpu.memory_space<hbm>>) target_semaphore(%arg11 : memref<!tpu.dma_semaphore, #tpu.memory_space<semaphore_mem>>)
    %mul3A_136 = arith.constant 640 : i32
    %mul3A_137 = arith.muli %arg1, %mul3A_136 : i32
    %add3A_138 = arith.constant 384 : i32
    %add3A_139 = arith.addi %mul3A_137, %add3A_138 : i32
    %mul3A_140 = arith.constant 640 : i32
    %mul3A_141 = arith.muli %arg1, %mul3A_140 : i32
    %add3A_142 = arith.constant 384 : i32
    %add3A_143 = arith.addi %mul3A_141, %add3A_142 : i32
    %dma_start3A_144 = arith.constant 0 : i32
    %dma_start3A_145 = tpu.memref_slice %arg5[%arg0, %add3A_143, %dma_start3A_144] : memref<2x10240x128xf32, #tpu.memory_space<hbm>> -> memref<1x128x128xf32, #tpu.memory_space<hbm>>
    %dma_start3A_146 = tpu.memref_squeeze %dma_start3A_145 : memref<1x128x128xf32, #tpu.memory_space<hbm>> -> memref<128x128xf32, #tpu.memory_space<hbm>>
    %dma_start3A_147 = arith.constant 0 : i32
    %dma_start3A_148 = tpu.memref_slice %arg15[%add3A_139, %dma_start3A_147] : memref<10240x128xf32, #tpu.memory_space<vmem_shared>> -> memref<128x128xf32, #tpu.memory_space<vmem_shared>>
    tpu.enqueue_dma source(%dma_start3A_148 : memref<128x128xf32, #tpu.memory_space<vmem_shared>>) target(%dma_start3A_146 : memref<128x128xf32, #tpu.memory_space<hbm>>) target_semaphore(%arg11 : memref<!tpu.dma_semaphore, #tpu.memory_space<semaphore_mem>>)
    %mul3A_149 = arith.constant 640 : i32
    %mul3A_150 = arith.muli %arg1, %mul3A_149 : i32
    %add3A_151 = arith.constant 512 : i32
    %add3A_152 = arith.addi %mul3A_150, %add3A_151 : i32
    %mul3A_153 = arith.constant 640 : i32
    %mul3A_154 = arith.muli %arg1, %mul3A_153 : i32
    %add3A_155 = arith.constant 512 : i32
    %add3A_156 = arith.addi %mul3A_154, %add3A_155 : i32
    %dma_start3A_157 = arith.constant 0 : i32
    %dma_start3A_158 = tpu.memref_slice %arg5[%arg0, %add3A_156, %dma_start3A_157] : memref<2x10240x128xf32, #tpu.memory_space<hbm>> -> memref<1x128x128xf32, #tpu.memory_space<hbm>>
    %dma_start3A_159 = tpu.memref_squeeze %dma_start3A_158 : memref<1x128x128xf32, #tpu.memory_space<hbm>> -> memref<128x128xf32, #tpu.memory_space<hbm>>
    %dma_start3A_160 = arith.constant 0 : i32
    %dma_start3A_161 = tpu.memref_slice %arg15[%add3A_152, %dma_start3A_160] : memref<10240x128xf32, #tpu.memory_space<vmem_shared>> -> memref<128x128xf32, #tpu.memory_space<vmem_shared>>
    tpu.enqueue_dma source(%dma_start3A_161 : memref<128x128xf32, #tpu.memory_space<vmem_shared>>) target(%dma_start3A_159 : memref<128x128xf32, #tpu.memory_space<hbm>>) target_semaphore(%arg11 : memref<!tpu.dma_semaphore, #tpu.memory_space<semaphore_mem>>)
    %mul3A_162 = arith.constant 640 : i32
    %mul3A_163 = arith.muli %arg1, %mul3A_162 : i32
    %add3A_164 = arith.constant 0 : i32
    %add3A_165 = arith.addi %mul3A_163, %add3A_164 : i32
    %mul3A_166 = arith.constant 640 : i32
    %mul3A_167 = arith.muli %arg1, %mul3A_166 : i32
    %add3A_168 = arith.constant 0 : i32
    %add3A_169 = arith.addi %mul3A_167, %add3A_168 : i32
    %dma_wait3A_170 = arith.constant 0 : i32
    %dma_wait3A_171 = tpu.memref_slice %arg5[%arg0, %add3A_169, %dma_wait3A_170] : memref<2x10240x128xf32, #tpu.memory_space<hbm>> -> memref<1x128x128xf32, #tpu.memory_space<hbm>>
    %dma_wait3A_172 = tpu.memref_squeeze %dma_wait3A_171 : memref<1x128x128xf32, #tpu.memory_space<hbm>> -> memref<128x128xf32, #tpu.memory_space<hbm>>
    %dma_wait3A_173 = arith.constant 0 : i32
    %dma_wait3A_174 = tpu.memref_slice %arg15[%add3A_165, %dma_wait3A_173] : memref<10240x128xf32, #tpu.memory_space<vmem_shared>> -> memref<128x128xf32, #tpu.memory_space<vmem_shared>>
    tpu.wait_dma2 semaphore(%arg11 : memref<!tpu.dma_semaphore, #tpu.memory_space<semaphore_mem>>) src(%dma_wait3A_174 : memref<128x128xf32, #tpu.memory_space<vmem_shared>>) dst(%dma_wait3A_172 : memref<128x128xf32, #tpu.memory_space<hbm>>)
    %mul3A_175 = arith.constant 640 : i32
    %mul3A_176 = arith.muli %arg1, %mul3A_175 : i32
    %add3A_177 = arith.constant 128 : i32
    %add3A_178 = arith.addi %mul3A_176, %add3A_177 : i32
    %mul3A_179 = arith.constant 640 : i32
    %mul3A_180 = arith.muli %arg1, %mul3A_179 : i32
    %add3A_181 = arith.constant 128 : i32
    %add3A_182 = arith.addi %mul3A_180, %add3A_181 : i32
    %dma_wait3A_183 = arith.constant 0 : i32
    %dma_wait3A_184 = tpu.memref_slice %arg5[%arg0, %add3A_182, %dma_wait3A_183] : memref<2x10240x128xf32, #tpu.memory_space<hbm>> -> memref<1x128x128xf32, #tpu.memory_space<hbm>>
    %dma_wait3A_185 = tpu.memref_squeeze %dma_wait3A_184 : memref<1x128x128xf32, #tpu.memory_space<hbm>> -> memref<128x128xf32, #tpu.memory_space<hbm>>
    %dma_wait3A_186 = arith.constant 0 : i32
    %dma_wait3A_187 = tpu.memref_slice %arg15[%add3A_178, %dma_wait3A_186] : memref<10240x128xf32, #tpu.memory_space<vmem_shared>> -> memref<128x128xf32, #tpu.memory_space<vmem_shared>>
    tpu.wait_dma2 semaphore(%arg11 : memref<!tpu.dma_semaphore, #tpu.memory_space<semaphore_mem>>) src(%dma_wait3A_187 : memref<128x128xf32, #tpu.memory_space<vmem_shared>>) dst(%dma_wait3A_185 : memref<128x128xf32, #tpu.memory_space<hbm>>)
    %mul3A_188 = arith.constant 640 : i32
    %mul3A_189 = arith.muli %arg1, %mul3A_188 : i32
    %add3A_190 = arith.constant 256 : i32
    %add3A_191 = arith.addi %mul3A_189, %add3A_190 : i32
    %mul3A_192 = arith.constant 640 : i32
    %mul3A_193 = arith.muli %arg1, %mul3A_192 : i32
    %add3A_194 = arith.constant 256 : i32
    %add3A_195 = arith.addi %mul3A_193, %add3A_194 : i32
    %dma_wait3A_196 = arith.constant 0 : i32
    %dma_wait3A_197 = tpu.memref_slice %arg5[%arg0, %add3A_195, %dma_wait3A_196] : memref<2x10240x128xf32, #tpu.memory_space<hbm>> -> memref<1x128x128xf32, #tpu.memory_space<hbm>>
    %dma_wait3A_198 = tpu.memref_squeeze %dma_wait3A_197 : memref<1x128x128xf32, #tpu.memory_space<hbm>> -> memref<128x128xf32, #tpu.memory_space<hbm>>
    %dma_wait3A_199 = arith.constant 0 : i32
    %dma_wait3A_200 = tpu.memref_slice %arg15[%add3A_191, %dma_wait3A_199] : memref<10240x128xf32, #tpu.memory_space<vmem_shared>> -> memref<128x128xf32, #tpu.memory_space<vmem_shared>>
    tpu.wait_dma2 semaphore(%arg11 : memref<!tpu.dma_semaphore, #tpu.memory_space<semaphore_mem>>) src(%dma_wait3A_200 : memref<128x128xf32, #tpu.memory_space<vmem_shared>>) dst(%dma_wait3A_198 : memref<128x128xf32, #tpu.memory_space<hbm>>)
    %mul3A_201 = arith.constant 640 : i32
    %mul3A_202 = arith.muli %arg1, %mul3A_201 : i32
    %add3A_203 = arith.constant 384 : i32
    %add3A_204 = arith.addi %mul3A_202, %add3A_203 : i32
    %mul3A_205 = arith.constant 640 : i32
    %mul3A_206 = arith.muli %arg1, %mul3A_205 : i32
    %add3A_207 = arith.constant 384 : i32
    %add3A_208 = arith.addi %mul3A_206, %add3A_207 : i32
    %dma_wait3A_209 = arith.constant 0 : i32
    %dma_wait3A_210 = tpu.memref_slice %arg5[%arg0, %add3A_208, %dma_wait3A_209] : memref<2x10240x128xf32, #tpu.memory_space<hbm>> -> memref<1x128x128xf32, #tpu.memory_space<hbm>>
    %dma_wait3A_211 = tpu.memref_squeeze %dma_wait3A_210 : memref<1x128x128xf32, #tpu.memory_space<hbm>> -> memref<128x128xf32, #tpu.memory_space<hbm>>
    %dma_wait3A_212 = arith.constant 0 : i32
    %dma_wait3A_213 = tpu.memref_slice %arg15[%add3A_204, %dma_wait3A_212] : memref<10240x128xf32, #tpu.memory_space<vmem_shared>> -> memref<128x128xf32, #tpu.memory_space<vmem_shared>>
    tpu.wait_dma2 semaphore(%arg11 : memref<!tpu.dma_semaphore, #tpu.memory_space<semaphore_mem>>) src(%dma_wait3A_213 : memref<128x128xf32, #tpu.memory_space<vmem_shared>>) dst(%dma_wait3A_211 : memref<128x128xf32, #tpu.memory_space<hbm>>)
    %mul3A_214 = arith.constant 640 : i32
    %mul3A_215 = arith.muli %arg1, %mul3A_214 : i32
    %add3A_216 = arith.constant 512 : i32
    %add3A_217 = arith.addi %mul3A_215, %add3A_216 : i32
    %mul3A_218 = arith.constant 640 : i32
    %mul3A_219 = arith.muli %arg1, %mul3A_218 : i32
    %add3A_220 = arith.constant 512 : i32
    %add3A_221 = arith.addi %mul3A_219, %add3A_220 : i32
    %dma_wait3A_222 = arith.constant 0 : i32
    %dma_wait3A_223 = tpu.memref_slice %arg5[%arg0, %add3A_221, %dma_wait3A_222] : memref<2x10240x128xf32, #tpu.memory_space<hbm>> -> memref<1x128x128xf32, #tpu.memory_space<hbm>>
    %dma_wait3A_224 = tpu.memref_squeeze %dma_wait3A_223 : memref<1x128x128xf32, #tpu.memory_space<hbm>> -> memref<128x128xf32, #tpu.memory_space<hbm>>
    %dma_wait3A_225 = arith.constant 0 : i32
    %dma_wait3A_226 = tpu.memref_slice %arg15[%add3A_217, %dma_wait3A_225] : memref<10240x128xf32, #tpu.memory_space<vmem_shared>> -> memref<128x128xf32, #tpu.memory_space<vmem_shared>>
    tpu.wait_dma2 semaphore(%arg11 : memref<!tpu.dma_semaphore, #tpu.memory_space<semaphore_mem>>) src(%dma_wait3A_226 : memref<128x128xf32, #tpu.memory_space<vmem_shared>>) dst(%dma_wait3A_224 : memref<128x128xf32, #tpu.memory_space<hbm>>)
    return
  }
}

#map = affine_map<(d0, d1) -> (0, 0, 0)>
#map1 = affine_map<(d0, d1) -> (0, 0)>
module attributes {stable_mosaic.version = 14 : i64} {
  func.func @deg_kernel(%arg0: i32, %arg1: i32, %arg2: memref<32x79x128xi32, #tpu.memory_space<hbm>>, %arg3: memref<2x10240xf32, #tpu.memory_space<hbm>>, %arg4: memref<79x128xi32, #tpu.memory_space<vmem>>, %arg5: memref<128xf32, #tpu.memory_space<vmem>>, %arg6: memref<640xf32, #tpu.memory_space<vmem>>, %arg7: memref<!tpu.dma_semaphore, #tpu.memory_space<semaphore_mem>>, %arg8: memref<10240xf32, #tpu.memory_space<vmem_shared>>) attributes {dimension_semantics = [#tpu.dimension_semantics<core_parallel>, #tpu.dimension_semantics<subcore_parallel>], iteration_bounds = array<i64: 2, 16>, scalar_prefetch = 0 : i64, scratch_operands = 5 : i64, tpu.core_type = #tpu.core_type<sc_vector_subcore>, window_params = [{transform_indices = #map}, {transform_indices = #map1}]} {
    %mul3A = arith.constant 16 : i32
    %mul3A_0 = arith.muli %arg0, %mul3A : i32
    %add3A = arith.addi %mul3A_0, %arg1 : i32
    %dma_start3A = arith.constant 0 : i32
    %dma_start3A_1 = arith.constant 0 : i32
    %dma_start3A_2 = tpu.memref_slice %arg2[%add3A, %dma_start3A, %dma_start3A_1] : memref<32x79x128xi32, #tpu.memory_space<hbm>> -> memref<1x79x128xi32, #tpu.memory_space<hbm>>
    %dma_start3A_3 = tpu.memref_squeeze %dma_start3A_2 : memref<1x79x128xi32, #tpu.memory_space<hbm>> -> memref<79x128xi32, #tpu.memory_space<hbm>>
    %dma_start3A_4 = arith.constant 0 : i32
    %dma_start3A_5 = arith.constant 0 : i32
    %dma_start3A_6 = tpu.memref_slice %arg2[%add3A, %dma_start3A_4, %dma_start3A_5] : memref<32x79x128xi32, #tpu.memory_space<hbm>> -> memref<1x79x128xi32, #tpu.memory_space<hbm>>
    %dma_start3A_7 = tpu.memref_squeeze %dma_start3A_6 : memref<1x79x128xi32, #tpu.memory_space<hbm>> -> memref<79x128xi32, #tpu.memory_space<hbm>>
    tpu.enqueue_dma source(%dma_start3A_7 : memref<79x128xi32, #tpu.memory_space<hbm>>) target(%arg4 : memref<79x128xi32, #tpu.memory_space<vmem>>) target_semaphore(%arg7 : memref<!tpu.dma_semaphore, #tpu.memory_space<semaphore_mem>>)
    %broadcast_in_dim3A = arith.constant 1.000000e+00 : f32
    %broadcast_in_dim3A_8 = vector.broadcast %broadcast_in_dim3A : f32 to vector<16xf32>
    %swap3A = arith.constant 0 : index
    %swap3A_9 = tpu.vector_load %arg5[%swap3A] {strides = array<i32>} : memref<128xf32, #tpu.memory_space<vmem>>, vector<16xf32>,
    %swap3A_10 = vector.shape_cast %swap3A_9 : vector<16xf32> to vector<16xf32>
    %swap3A_11 = vector.shape_cast %broadcast_in_dim3A_8 : vector<16xf32> to vector<16xf32>
    tpu.vector_store %arg5[%swap3A], %swap3A_11 {strides = array<i32>} : memref<128xf32, #tpu.memory_space<vmem>>, vector<16xf32>,
    %broadcast_in_dim3A_12 = arith.constant 1.000000e+00 : f32
    %broadcast_in_dim3A_13 = vector.broadcast %broadcast_in_dim3A_12 : f32 to vector<16xf32>
    %swap3A_14 = arith.constant 16 : index
    %swap3A_15 = tpu.vector_load %arg5[%swap3A_14] {strides = array<i32>} : memref<128xf32, #tpu.memory_space<vmem>>, vector<16xf32>,
    %swap3A_16 = vector.shape_cast %swap3A_15 : vector<16xf32> to vector<16xf32>
    %swap3A_17 = vector.shape_cast %broadcast_in_dim3A_13 : vector<16xf32> to vector<16xf32>
    tpu.vector_store %arg5[%swap3A_14], %swap3A_17 {strides = array<i32>} : memref<128xf32, #tpu.memory_space<vmem>>, vector<16xf32>,
    %broadcast_in_dim3A_18 = arith.constant 1.000000e+00 : f32
    %broadcast_in_dim3A_19 = vector.broadcast %broadcast_in_dim3A_18 : f32 to vector<16xf32>
    %swap3A_20 = arith.constant 32 : index
    %swap3A_21 = tpu.vector_load %arg5[%swap3A_20] {strides = array<i32>} : memref<128xf32, #tpu.memory_space<vmem>>, vector<16xf32>,
    %swap3A_22 = vector.shape_cast %swap3A_21 : vector<16xf32> to vector<16xf32>
    %swap3A_23 = vector.shape_cast %broadcast_in_dim3A_19 : vector<16xf32> to vector<16xf32>
    tpu.vector_store %arg5[%swap3A_20], %swap3A_23 {strides = array<i32>} : memref<128xf32, #tpu.memory_space<vmem>>, vector<16xf32>,
    %broadcast_in_dim3A_24 = arith.constant 1.000000e+00 : f32
    %broadcast_in_dim3A_25 = vector.broadcast %broadcast_in_dim3A_24 : f32 to vector<16xf32>
    %swap3A_26 = arith.constant 48 : index
    %swap3A_27 = tpu.vector_load %arg5[%swap3A_26] {strides = array<i32>} : memref<128xf32, #tpu.memory_space<vmem>>, vector<16xf32>,
    %swap3A_28 = vector.shape_cast %swap3A_27 : vector<16xf32> to vector<16xf32>
    %swap3A_29 = vector.shape_cast %broadcast_in_dim3A_25 : vector<16xf32> to vector<16xf32>
    tpu.vector_store %arg5[%swap3A_26], %swap3A_29 {strides = array<i32>} : memref<128xf32, #tpu.memory_space<vmem>>, vector<16xf32>,
    %broadcast_in_dim3A_30 = arith.constant 1.000000e+00 : f32
    %broadcast_in_dim3A_31 = vector.broadcast %broadcast_in_dim3A_30 : f32 to vector<16xf32>
    %swap3A_32 = arith.constant 64 : index
    %swap3A_33 = tpu.vector_load %arg5[%swap3A_32] {strides = array<i32>} : memref<128xf32, #tpu.memory_space<vmem>>, vector<16xf32>,
    %swap3A_34 = vector.shape_cast %swap3A_33 : vector<16xf32> to vector<16xf32>
    %swap3A_35 = vector.shape_cast %broadcast_in_dim3A_31 : vector<16xf32> to vector<16xf32>
    tpu.vector_store %arg5[%swap3A_32], %swap3A_35 {strides = array<i32>} : memref<128xf32, #tpu.memory_space<vmem>>, vector<16xf32>,
    %broadcast_in_dim3A_36 = arith.constant 1.000000e+00 : f32
    %broadcast_in_dim3A_37 = vector.broadcast %broadcast_in_dim3A_36 : f32 to vector<16xf32>
    %swap3A_38 = arith.constant 80 : index
    %swap3A_39 = tpu.vector_load %arg5[%swap3A_38] {strides = array<i32>} : memref<128xf32, #tpu.memory_space<vmem>>, vector<16xf32>,
    %swap3A_40 = vector.shape_cast %swap3A_39 : vector<16xf32> to vector<16xf32>
    %swap3A_41 = vector.shape_cast %broadcast_in_dim3A_37 : vector<16xf32> to vector<16xf32>
    tpu.vector_store %arg5[%swap3A_38], %swap3A_41 {strides = array<i32>} : memref<128xf32, #tpu.memory_space<vmem>>, vector<16xf32>,
    %broadcast_in_dim3A_42 = arith.constant 1.000000e+00 : f32
    %broadcast_in_dim3A_43 = vector.broadcast %broadcast_in_dim3A_42 : f32 to vector<16xf32>
    %swap3A_44 = arith.constant 96 : index
    %swap3A_45 = tpu.vector_load %arg5[%swap3A_44] {strides = array<i32>} : memref<128xf32, #tpu.memory_space<vmem>>, vector<16xf32>,
    %swap3A_46 = vector.shape_cast %swap3A_45 : vector<16xf32> to vector<16xf32>
    %swap3A_47 = vector.shape_cast %broadcast_in_dim3A_43 : vector<16xf32> to vector<16xf32>
    tpu.vector_store %arg5[%swap3A_44], %swap3A_47 {strides = array<i32>} : memref<128xf32, #tpu.memory_space<vmem>>, vector<16xf32>,
    %broadcast_in_dim3A_48 = arith.constant 1.000000e+00 : f32
    %broadcast_in_dim3A_49 = vector.broadcast %broadcast_in_dim3A_48 : f32 to vector<16xf32>
    %swap3A_50 = arith.constant 112 : index
    %swap3A_51 = tpu.vector_load %arg5[%swap3A_50] {strides = array<i32>} : memref<128xf32, #tpu.memory_space<vmem>>, vector<16xf32>,
    %swap3A_52 = vector.shape_cast %swap3A_51 : vector<16xf32> to vector<16xf32>
    %swap3A_53 = vector.shape_cast %broadcast_in_dim3A_49 : vector<16xf32> to vector<16xf32>
    tpu.vector_store %arg5[%swap3A_50], %swap3A_53 {strides = array<i32>} : memref<128xf32, #tpu.memory_space<vmem>>, vector<16xf32>,
    %scan3A = arith.constant 0 : i32
    %scan3A_54 = arith.constant 0 : i32
    %scan3A_55 = arith.constant 40 : i32
    %scan3A_56 = arith.addi %scan3A_54, %scan3A_55 : i32
    %scan3A_57 = arith.constant 1 : i32
    scf.for %scan3A_85 = %scan3A_54 to %scan3A_56 step %scan3A_57  : i32 {
      %broadcast_in_dim3A_86 = arith.constant 0.000000e+00 : f32
      %broadcast_in_dim3A_87 = vector.broadcast %broadcast_in_dim3A_86 : f32 to vector<16xf32>
      %mul3A_88 = arith.constant 16 : i32
      %mul3A_89 = arith.muli %scan3A_85, %mul3A_88 : i32
      %swap3A_90 = arith.index_cast %mul3A_89 : i32 to index
      %swap3A_91 = tpu.vector_load %arg6[%swap3A_90] {strides = array<i32>} : memref<640xf32, #tpu.memory_space<vmem>>, vector<16xf32>,
      %swap3A_92 = vector.shape_cast %swap3A_91 : vector<16xf32> to vector<16xf32>
      %swap3A_93 = vector.shape_cast %broadcast_in_dim3A_87 : vector<16xf32> to vector<16xf32>
      tpu.vector_store %arg6[%swap3A_90], %swap3A_93 {strides = array<i32>} : memref<640xf32, #tpu.memory_space<vmem>>, vector<16xf32>,
    }
    %scan3A_58 = arith.constant 40 : i32
    %mul3A_59 = arith.constant 640 : i32
    %mul3A_60 = arith.muli %arg1, %mul3A_59 : i32
    "tpu.region"() ({
      %run_scoped3A = tpu.sem_alloc : memref<!tpu.dma_semaphore, #tpu.memory_space<semaphore_mem>>
      %dma_start3A_85 = tpu.memref_slice %arg8[%mul3A_60] : memref<10240xf32, #tpu.memory_space<vmem_shared>> -> memref<640xf32, #tpu.memory_space<vmem_shared>>
      %dma_start3A_86 = tpu.memref_slice %arg8[%mul3A_60] : memref<10240xf32, #tpu.memory_space<vmem_shared>> -> memref<640xf32, #tpu.memory_space<vmem_shared>>
      tpu.enqueue_dma source(%arg6 : memref<640xf32, #tpu.memory_space<vmem>>) target(%dma_start3A_86 : memref<640xf32, #tpu.memory_space<vmem_shared>>) target_semaphore(%run_scoped3A : memref<!tpu.dma_semaphore, #tpu.memory_space<semaphore_mem>>)
      %dma_wait3A_87 = tpu.memref_slice %arg8[%mul3A_60] : memref<10240xf32, #tpu.memory_space<vmem_shared>> -> memref<640xf32, #tpu.memory_space<vmem_shared>>
      %dma_wait3A_88 = tpu.memref_slice %arg8[%mul3A_60] : memref<10240xf32, #tpu.memory_space<vmem_shared>> -> memref<640xf32, #tpu.memory_space<vmem_shared>>
      tpu.wait_dma2 semaphore(%run_scoped3A : memref<!tpu.dma_semaphore, #tpu.memory_space<semaphore_mem>>) src(%arg6 : memref<640xf32, #tpu.memory_space<vmem>>) dst(%dma_wait3A_88 : memref<640xf32, #tpu.memory_space<vmem_shared>>)
      tpu.yield
    }) : () -> ()
    %dma_wait3A = arith.constant 0 : i32
    %dma_wait3A_61 = arith.constant 0 : i32
    %dma_wait3A_62 = tpu.memref_slice %arg2[%add3A, %dma_wait3A, %dma_wait3A_61] : memref<32x79x128xi32, #tpu.memory_space<hbm>> -> memref<1x79x128xi32, #tpu.memory_space<hbm>>
    %dma_wait3A_63 = tpu.memref_squeeze %dma_wait3A_62 : memref<1x79x128xi32, #tpu.memory_space<hbm>> -> memref<79x128xi32, #tpu.memory_space<hbm>>
    %dma_wait3A_64 = arith.constant 0 : i32
    %dma_wait3A_65 = arith.constant 0 : i32
    %dma_wait3A_66 = tpu.memref_slice %arg2[%add3A, %dma_wait3A_64, %dma_wait3A_65] : memref<32x79x128xi32, #tpu.memory_space<hbm>> -> memref<1x79x128xi32, #tpu.memory_space<hbm>>
    %dma_wait3A_67 = tpu.memref_squeeze %dma_wait3A_66 : memref<1x79x128xi32, #tpu.memory_space<hbm>> -> memref<79x128xi32, #tpu.memory_space<hbm>>
    tpu.wait_dma2 semaphore(%arg7 : memref<!tpu.dma_semaphore, #tpu.memory_space<semaphore_mem>>) src(%dma_wait3A_67 : memref<79x128xi32, #tpu.memory_space<hbm>>) dst(%arg4 : memref<79x128xi32, #tpu.memory_space<vmem>>)
    %barrier3A = arith.constant 0 : index
    tpu.barrier barrier_id(%barrier3A)
    %scan3A_68 = arith.constant 0 : i32
    %scan3A_69 = arith.constant 0 : i32
    %scan3A_70 = arith.constant 79 : i32
    %scan3A_71 = arith.addi %scan3A_69, %scan3A_70 : i32
    %scan3A_72 = arith.constant 1 : i32
    scf.for %scan3A_85 = %scan3A_69 to %scan3A_71 step %scan3A_72  : i32 {
      %dma_start3A_86 = arith.constant 0 : i32
      %dma_start3A_87 = tpu.memref_slice %arg4[%scan3A_85, %dma_start3A_86] : memref<79x128xi32, #tpu.memory_space<vmem>> -> memref<1x128xi32, #tpu.memory_space<vmem>>
      %dma_start3A_88 = tpu.memref_squeeze %dma_start3A_87 : memref<1x128xi32, #tpu.memory_space<vmem>> -> memref<128xi32, #tpu.memory_space<vmem>>
      %dma_start3A_89 = arith.constant 0 : i32
      %dma_start3A_90 = tpu.memref_slice %arg8[%dma_start3A_89] : memref<10240xf32, #tpu.memory_space<vmem_shared>> -> memref<10240xf32, #tpu.memory_space<vmem_shared>>
      tpu.enqueue_indirect_dma source(%arg5 : memref<128xf32, #tpu.memory_space<vmem>>) target(%dma_start3A_90 : memref<10240xf32, #tpu.memory_space<vmem_shared>>) offsets(%dma_start3A_88 : memref<128xi32, #tpu.memory_space<vmem>>) semaphore(%arg7 : memref<!tpu.dma_semaphore, #tpu.memory_space<semaphore_mem>>) {add = true}
    }
    %scan3A_73 = arith.constant 79 : i32
    %scan3A_74 = arith.constant 0 : i32
    %scan3A_75 = arith.constant 0 : i32
    %scan3A_76 = arith.constant 79 : i32
    %scan3A_77 = arith.addi %scan3A_75, %scan3A_76 : i32
    %scan3A_78 = arith.constant 1 : i32
    scf.for %scan3A_85 = %scan3A_75 to %scan3A_77 step %scan3A_78  : i32 {
      %dma_wait3A_86 = arith.constant 0 : i32
      %dma_wait3A_87 = tpu.memref_slice %arg4[%scan3A_85, %dma_wait3A_86] : memref<79x128xi32, #tpu.memory_space<vmem>> -> memref<1x128xi32, #tpu.memory_space<vmem>>
      %dma_wait3A_88 = tpu.memref_squeeze %dma_wait3A_87 : memref<1x128xi32, #tpu.memory_space<vmem>> -> memref<128xi32, #tpu.memory_space<vmem>>
      %dma_wait3A_89 = arith.constant 0 : i32
      %dma_wait3A_90 = tpu.memref_slice %arg8[%dma_wait3A_89] : memref<10240xf32, #tpu.memory_space<vmem_shared>> -> memref<10240xf32, #tpu.memory_space<vmem_shared>>
      tpu.wait_indirect_dma semaphore(%arg7 : memref<!tpu.dma_semaphore, #tpu.memory_space<semaphore_mem>>) src(%arg5 : memref<128xf32, #tpu.memory_space<vmem>>) dst(%dma_wait3A_90 : memref<10240xf32, #tpu.memory_space<vmem_shared>>)
    }
    %scan3A_79 = arith.constant 79 : i32
    %barrier3A_80 = arith.constant 0 : index
    tpu.barrier barrier_id(%barrier3A_80)
    %mul3A_81 = arith.constant 640 : i32
    %mul3A_82 = arith.muli %arg1, %mul3A_81 : i32
    %mul3A_83 = arith.constant 640 : i32
    %mul3A_84 = arith.muli %arg1, %mul3A_83 : i32
    "tpu.region"() ({
      %run_scoped3A = tpu.sem_alloc : memref<!tpu.dma_semaphore, #tpu.memory_space<semaphore_mem>>
      %dma_start3A_85 = tpu.memref_slice %arg3[%arg0, %mul3A_84] : memref<2x10240xf32, #tpu.memory_space<hbm>> -> memref<1x640xf32, #tpu.memory_space<hbm>>
      %dma_start3A_86 = tpu.memref_squeeze %dma_start3A_85 : memref<1x640xf32, #tpu.memory_space<hbm>> -> memref<640xf32, #tpu.memory_space<hbm>>
      %dma_start3A_87 = tpu.memref_slice %arg8[%mul3A_82] : memref<10240xf32, #tpu.memory_space<vmem_shared>> -> memref<640xf32, #tpu.memory_space<vmem_shared>>
      tpu.enqueue_dma source(%dma_start3A_87 : memref<640xf32, #tpu.memory_space<vmem_shared>>) target(%dma_start3A_86 : memref<640xf32, #tpu.memory_space<hbm>>) target_semaphore(%run_scoped3A : memref<!tpu.dma_semaphore, #tpu.memory_space<semaphore_mem>>)
      %dma_wait3A_88 = tpu.memref_slice %arg3[%arg0, %mul3A_84] : memref<2x10240xf32, #tpu.memory_space<hbm>> -> memref<1x640xf32, #tpu.memory_space<hbm>>
      %dma_wait3A_89 = tpu.memref_squeeze %dma_wait3A_88 : memref<1x640xf32, #tpu.memory_space<hbm>> -> memref<640xf32, #tpu.memory_space<hbm>>
      %dma_wait3A_90 = tpu.memref_slice %arg8[%mul3A_82] : memref<10240xf32, #tpu.memory_space<vmem_shared>> -> memref<640xf32, #tpu.memory_space<vmem_shared>>
      tpu.wait_dma2 semaphore(%run_scoped3A : memref<!tpu.dma_semaphore, #tpu.memory_space<semaphore_mem>>) src(%dma_wait3A_90 : memref<640xf32, #tpu.memory_space<vmem_shared>>) dst(%dma_wait3A_89 : memref<640xf32, #tpu.memory_space<hbm>>)
      tpu.yield
    }) : () -> ()
    return
  }
}

#map = affine_map<(d0, d1) -> (0, 0)>
#map1 = affine_map<(d0, d1) -> (0, 0, 0)>
module attributes {stable_mosaic.version = 14 : i64} {
  func.func @edge_pass(%arg0: i32, %arg1: i32, %arg2: memref<10240x128xf32, #tpu.memory_space<hbm>>, %arg3: memref<32x79x128xi32, #tpu.memory_space<hbm>>, %arg4: memref<2528x1x128xi32, #tpu.memory_space<hbm>>, %arg5: memref<2x10240x128xf32, #tpu.memory_space<hbm>>, %arg6: memref<79x128xi32, #tpu.memory_space<vmem>>, %arg7: memref<1x128xi32, #tpu.memory_space<vmem>>, %arg8: memref<1x128xi32, #tpu.memory_space<vmem>>, %arg9: memref<128x128xf32, #tpu.memory_space<vmem>>, %arg10: memref<128x128xf32, #tpu.memory_space<vmem>>, %arg11: memref<!tpu.dma_semaphore, #tpu.memory_space<semaphore_mem>>, %arg12: memref<!tpu.dma_semaphore, #tpu.memory_space<semaphore_mem>>, %arg13: memref<!tpu.dma_semaphore, #tpu.memory_space<semaphore_mem>>, %arg14: memref<!tpu.dma_semaphore, #tpu.memory_space<semaphore_mem>>, %arg15: memref<10240x128xf32, #tpu.memory_space<vmem_shared>>) attributes {dimension_semantics = [#tpu.dimension_semantics<core_parallel>, #tpu.dimension_semantics<subcore_parallel>], iteration_bounds = array<i64: 2, 16>, scalar_prefetch = 0 : i64, scratch_operands = 10 : i64, tpu.core_type = #tpu.core_type<sc_vector_subcore>, window_params = [{transform_indices = #map}, {transform_indices = #map1}, {transform_indices = #map1}, {transform_indices = #map1}]} {
    %mul3A = arith.constant 16 : i32
    %mul3A_0 = arith.muli %arg0, %mul3A : i32
    %add3A = arith.addi %mul3A_0, %arg1 : i32
    %dma_start3A = arith.constant 0 : i32
    %dma_start3A_1 = arith.constant 0 : i32
    %dma_start3A_2 = tpu.memref_slice %arg3[%add3A, %dma_start3A, %dma_start3A_1] : memref<32x79x128xi32, #tpu.memory_space<hbm>> -> memref<1x79x128xi32, #tpu.memory_space<hbm>>
    %dma_start3A_3 = tpu.memref_squeeze %dma_start3A_2 : memref<1x79x128xi32, #tpu.memory_space<hbm>> -> memref<79x128xi32, #tpu.memory_space<hbm>>
    %dma_start3A_4 = arith.constant 0 : i32
    %dma_start3A_5 = arith.constant 0 : i32
    %dma_start3A_6 = tpu.memref_slice %arg3[%add3A, %dma_start3A_4, %dma_start3A_5] : memref<32x79x128xi32, #tpu.memory_space<hbm>> -> memref<1x79x128xi32, #tpu.memory_space<hbm>>
    %dma_start3A_7 = tpu.memref_squeeze %dma_start3A_6 : memref<1x79x128xi32, #tpu.memory_space<hbm>> -> memref<79x128xi32, #tpu.memory_space<hbm>>
    tpu.enqueue_dma source(%dma_start3A_7 : memref<79x128xi32, #tpu.memory_space<hbm>>) target(%arg6 : memref<79x128xi32, #tpu.memory_space<vmem>>) target_semaphore(%arg11 : memref<!tpu.dma_semaphore, #tpu.memory_space<semaphore_mem>>)
    %scan3A = arith.constant 0 : i32
    %scan3A_8 = arith.constant 0 : i32
    %scan3A_9 = arith.constant 128 : i32
    %scan3A_10 = arith.addi %scan3A_8, %scan3A_9 : i32
    %scan3A_11 = arith.constant 1 : i32
    scf.for %scan3A_227 = %scan3A_8 to %scan3A_10 step %scan3A_11  : i32 {
      %broadcast_in_dim3A = arith.constant 0.000000e+00 : f32
      %broadcast_in_dim3A_228 = vector.broadcast %broadcast_in_dim3A : f32 to vector<16xf32>
      %swap3A = arith.index_cast %scan3A_227 : i32 to index
      %swap3A_229 = arith.constant 0 : index
      %swap3A_230 = tpu.vector_load %arg9[%swap3A, %swap3A_229] {strides = array<i32>} : memref<128x128xf32, #tpu.memory_space<vmem>>, vector<1x16xf32>,
      %swap3A_231 = vector.shape_cast %swap3A_230 : vector<1x16xf32> to vector<16xf32>
      %swap3A_232 = vector.shape_cast %broadcast_in_dim3A_228 : vector<16xf32> to vector<1x16xf32>
      tpu.vector_store %arg9[%swap3A, %swap3A_229], %swap3A_232 {strides = array<i32>} : memref<128x128xf32, #tpu.memory_space<vmem>>, vector<1x16xf32>,
      %broadcast_in_dim3A_233 = arith.constant 0.000000e+00 : f32
      %broadcast_in_dim3A_234 = vector.broadcast %broadcast_in_dim3A_233 : f32 to vector<16xf32>
      %swap3A_235 = arith.index_cast %scan3A_227 : i32 to index
      %swap3A_236 = arith.constant 16 : index
      %swap3A_237 = tpu.vector_load %arg9[%swap3A_235, %swap3A_236] {strides = array<i32>} : memref<128x128xf32, #tpu.memory_space<vmem>>, vector<1x16xf32>,
      %swap3A_238 = vector.shape_cast %swap3A_237 : vector<1x16xf32> to vector<16xf32>
      %swap3A_239 = vector.shape_cast %broadcast_in_dim3A_234 : vector<16xf32> to vector<1x16xf32>
      tpu.vector_store %arg9[%swap3A_235, %swap3A_236], %swap3A_239 {strides = array<i32>} : memref<128x128xf32, #tpu.memory_space<vmem>>, vector<1x16xf32>,
      %broadcast_in_dim3A_240 = arith.constant 0.000000e+00 : f32
      %broadcast_in_dim3A_241 = vector.broadcast %broadcast_in_dim3A_240 : f32 to vector<16xf32>
      %swap3A_242 = arith.index_cast %scan3A_227 : i32 to index
      %swap3A_243 = arith.constant 32 : index
      %swap3A_244 = tpu.vector_load %arg9[%swap3A_242, %swap3A_243] {strides = array<i32>} : memref<128x128xf32, #tpu.memory_space<vmem>>, vector<1x16xf32>,
      %swap3A_245 = vector.shape_cast %swap3A_244 : vector<1x16xf32> to vector<16xf32>
      %swap3A_246 = vector.shape_cast %broadcast_in_dim3A_241 : vector<16xf32> to vector<1x16xf32>
      tpu.vector_store %arg9[%swap3A_242, %swap3A_243], %swap3A_246 {strides = array<i32>} : memref<128x128xf32, #tpu.memory_space<vmem>>, vector<1x16xf32>,
      %broadcast_in_dim3A_247 = arith.constant 0.000000e+00 : f32
      %broadcast_in_dim3A_248 = vector.broadcast %broadcast_in_dim3A_247 : f32 to vector<16xf32>
      %swap3A_249 = arith.index_cast %scan3A_227 : i32 to index
      %swap3A_250 = arith.constant 48 : index
      %swap3A_251 = tpu.vector_load %arg9[%swap3A_249, %swap3A_250] {strides = array<i32>} : memref<128x128xf32, #tpu.memory_space<vmem>>, vector<1x16xf32>,
      %swap3A_252 = vector.shape_cast %swap3A_251 : vector<1x16xf32> to vector<16xf32>
      %swap3A_253 = vector.shape_cast %broadcast_in_dim3A_248 : vector<16xf32> to vector<1x16xf32>
      tpu.vector_store %arg9[%swap3A_249, %swap3A_250], %swap3A_253 {strides = array<i32>} : memref<128x128xf32, #tpu.memory_space<vmem>>, vector<1x16xf32>,
      %broadcast_in_dim3A_254 = arith.constant 0.000000e+00 : f32
      %broadcast_in_dim3A_255 = vector.broadcast %broadcast_in_dim3A_254 : f32 to vector<16xf32>
      %swap3A_256 = arith.index_cast %scan3A_227 : i32 to index
      %swap3A_257 = arith.constant 64 : index
      %swap3A_258 = tpu.vector_load %arg9[%swap3A_256, %swap3A_257] {strides = array<i32>} : memref<128x128xf32, #tpu.memory_space<vmem>>, vector<1x16xf32>,
      %swap3A_259 = vector.shape_cast %swap3A_258 : vector<1x16xf32> to vector<16xf32>
      %swap3A_260 = vector.shape_cast %broadcast_in_dim3A_255 : vector<16xf32> to vector<1x16xf32>
      tpu.vector_store %arg9[%swap3A_256, %swap3A_257], %swap3A_260 {strides = array<i32>} : memref<128x128xf32, #tpu.memory_space<vmem>>, vector<1x16xf32>,
      %broadcast_in_dim3A_261 = arith.constant 0.000000e+00 : f32
      %broadcast_in_dim3A_262 = vector.broadcast %broadcast_in_dim3A_261 : f32 to vector<16xf32>
      %swap3A_263 = arith.index_cast %scan3A_227 : i32 to index
      %swap3A_264 = arith.constant 80 : index
      %swap3A_265 = tpu.vector_load %arg9[%swap3A_263, %swap3A_264] {strides = array<i32>} : memref<128x128xf32, #tpu.memory_space<vmem>>, vector<1x16xf32>,
      %swap3A_266 = vector.shape_cast %swap3A_265 : vector<1x16xf32> to vector<16xf32>
      %swap3A_267 = vector.shape_cast %broadcast_in_dim3A_262 : vector<16xf32> to vector<1x16xf32>
      tpu.vector_store %arg9[%swap3A_263, %swap3A_264], %swap3A_267 {strides = array<i32>} : memref<128x128xf32, #tpu.memory_space<vmem>>, vector<1x16xf32>,
      %broadcast_in_dim3A_268 = arith.constant 0.000000e+00 : f32
      %broadcast_in_dim3A_269 = vector.broadcast %broadcast_in_dim3A_268 : f32 to vector<16xf32>
      %swap3A_270 = arith.index_cast %scan3A_227 : i32 to index
      %swap3A_271 = arith.constant 96 : index
      %swap3A_272 = tpu.vector_load %arg9[%swap3A_270, %swap3A_271] {strides = array<i32>} : memref<128x128xf32, #tpu.memory_space<vmem>>, vector<1x16xf32>,
      %swap3A_273 = vector.shape_cast %swap3A_272 : vector<1x16xf32> to vector<16xf32>
      %swap3A_274 = vector.shape_cast %broadcast_in_dim3A_269 : vector<16xf32> to vector<1x16xf32>
      tpu.vector_store %arg9[%swap3A_270, %swap3A_271], %swap3A_274 {strides = array<i32>} : memref<128x128xf32, #tpu.memory_space<vmem>>, vector<1x16xf32>,
      %broadcast_in_dim3A_275 = arith.constant 0.000000e+00 : f32
      %broadcast_in_dim3A_276 = vector.broadcast %broadcast_in_dim3A_275 : f32 to vector<16xf32>
      %swap3A_277 = arith.index_cast %scan3A_227 : i32 to index
      %swap3A_278 = arith.constant 112 : index
      %swap3A_279 = tpu.vector_load %arg9[%swap3A_277, %swap3A_278] {strides = array<i32>} : memref<128x128xf32, #tpu.memory_space<vmem>>, vector<1x16xf32>,
      %swap3A_280 = vector.shape_cast %swap3A_279 : vector<1x16xf32> to vector<16xf32>
      %swap3A_281 = vector.shape_cast %broadcast_in_dim3A_276 : vector<16xf32> to vector<1x16xf32>
      tpu.vector_store %arg9[%swap3A_277, %swap3A_278], %swap3A_281 {strides = array<i32>} : memref<128x128xf32, #tpu.memory_space<vmem>>, vector<1x16xf32>,
    }
    %scan3A_12 = arith.constant 128 : i32
    %mul3A_13 = arith.constant 640 : i32
    %mul3A_14 = arith.muli %arg1, %mul3A_13 : i32
    %add3A_15 = arith.constant 0 : i32
    %add3A_16 = arith.addi %mul3A_14, %add3A_15 : i32
    "tpu.region"() ({
      %run_scoped3A_227 = tpu.sem_alloc : memref<!tpu.dma_semaphore, #tpu.memory_space<semaphore_mem>>
      %dma_start3A_228 = arith.constant 0 : i32
      %dma_start3A_229 = tpu.memref_slice %arg15[%add3A_16, %dma_start3A_228] : memref<10240x128xf32, #tpu.memory_space<vmem_shared>> -> memref<128x128xf32, #tpu.memory_space<vmem_shared>>
      %dma_start3A_230 = arith.constant 0 : i32
      %dma_start3A_231 = tpu.memref_slice %arg15[%add3A_16, %dma_start3A_230] : memref<10240x128xf32, #tpu.memory_space<vmem_shared>> -> memref<128x128xf32, #tpu.memory_space<vmem_shared>>
      tpu.enqueue_dma source(%arg9 : memref<128x128xf32, #tpu.memory_space<vmem>>) target(%dma_start3A_231 : memref<128x128xf32, #tpu.memory_space<vmem_shared>>) target_semaphore(%run_scoped3A_227 : memref<!tpu.dma_semaphore, #tpu.memory_space<semaphore_mem>>)
      %dma_wait3A_232 = arith.constant 0 : i32
      %dma_wait3A_233 = tpu.memref_slice %arg15[%add3A_16, %dma_wait3A_232] : memref<10240x128xf32, #tpu.memory_space<vmem_shared>> -> memref<128x128xf32, #tpu.memory_space<vmem_shared>>
      %dma_wait3A_234 = arith.constant 0 : i32
      %dma_wait3A_235 = tpu.memref_slice %arg15[%add3A_16, %dma_wait3A_234] : memref<10240x128xf32, #tpu.memory_space<vmem_shared>> -> memref<128x128xf32, #tpu.memory_space<vmem_shared>>
      tpu.wait_dma2 semaphore(%run_scoped3A_227 : memref<!tpu.dma_semaphore, #tpu.memory_space<semaphore_mem>>) src(%arg9 : memref<128x128xf32, #tpu.memory_space<vmem>>) dst(%dma_wait3A_235 : memref<128x128xf32, #tpu.memory_space<vmem_shared>>)
      tpu.yield
    }) : () -> ()
    %mul3A_17 = arith.constant 640 : i32
    %mul3A_18 = arith.muli %arg1, %mul3A_17 : i32
    %add3A_19 = arith.constant 128 : i32
    %add3A_20 = arith.addi %mul3A_18, %add3A_19 : i32
    "tpu.region"() ({
      %run_scoped3A_227 = tpu.sem_alloc : memref<!tpu.dma_semaphore, #tpu.memory_space<semaphore_mem>>
      %dma_start3A_228 = arith.constant 0 : i32
      %dma_start3A_229 = tpu.memref_slice %arg15[%add3A_20, %dma_start3A_228] : memref<10240x128xf32, #tpu.memory_space<vmem_shared>> -> memref<128x128xf32, #tpu.memory_space<vmem_shared>>
      %dma_start3A_230 = arith.constant 0 : i32
      %dma_start3A_231 = tpu.memref_slice %arg15[%add3A_20, %dma_start3A_230] : memref<10240x128xf32, #tpu.memory_space<vmem_shared>> -> memref<128x128xf32, #tpu.memory_space<vmem_shared>>
      tpu.enqueue_dma source(%arg9 : memref<128x128xf32, #tpu.memory_space<vmem>>) target(%dma_start3A_231 : memref<128x128xf32, #tpu.memory_space<vmem_shared>>) target_semaphore(%run_scoped3A_227 : memref<!tpu.dma_semaphore, #tpu.memory_space<semaphore_mem>>)
      %dma_wait3A_232 = arith.constant 0 : i32
      %dma_wait3A_233 = tpu.memref_slice %arg15[%add3A_20, %dma_wait3A_232] : memref<10240x128xf32, #tpu.memory_space<vmem_shared>> -> memref<128x128xf32, #tpu.memory_space<vmem_shared>>
      %dma_wait3A_234 = arith.constant 0 : i32
      %dma_wait3A_235 = tpu.memref_slice %arg15[%add3A_20, %dma_wait3A_234] : memref<10240x128xf32, #tpu.memory_space<vmem_shared>> -> memref<128x128xf32, #tpu.memory_space<vmem_shared>>
      tpu.wait_dma2 semaphore(%run_scoped3A_227 : memref<!tpu.dma_semaphore, #tpu.memory_space<semaphore_mem>>) src(%arg9 : memref<128x128xf32, #tpu.memory_space<vmem>>) dst(%dma_wait3A_235 : memref<128x128xf32, #tpu.memory_space<vmem_shared>>)
      tpu.yield
    }) : () -> ()
    %mul3A_21 = arith.constant 640 : i32
    %mul3A_22 = arith.muli %arg1, %mul3A_21 : i32
    %add3A_23 = arith.constant 256 : i32
    %add3A_24 = arith.addi %mul3A_22, %add3A_23 : i32
    "tpu.region"() ({
      %run_scoped3A_227 = tpu.sem_alloc : memref<!tpu.dma_semaphore, #tpu.memory_space<semaphore_mem>>
      %dma_start3A_228 = arith.constant 0 : i32
      %dma_start3A_229 = tpu.memref_slice %arg15[%add3A_24, %dma_start3A_228] : memref<10240x128xf32, #tpu.memory_space<vmem_shared>> -> memref<128x128xf32, #tpu.memory_space<vmem_shared>>
      %dma_start3A_230 = arith.constant 0 : i32
      %dma_start3A_231 = tpu.memref_slice %arg15[%add3A_24, %dma_start3A_230] : memref<10240x128xf32, #tpu.memory_space<vmem_shared>> -> memref<128x128xf32, #tpu.memory_space<vmem_shared>>
      tpu.enqueue_dma source(%arg9 : memref<128x128xf32, #tpu.memory_space<vmem>>) target(%dma_start3A_231 : memref<128x128xf32, #tpu.memory_space<vmem_shared>>) target_semaphore(%run_scoped3A_227 : memref<!tpu.dma_semaphore, #tpu.memory_space<semaphore_mem>>)
      %dma_wait3A_232 = arith.constant 0 : i32
      %dma_wait3A_233 = tpu.memref_slice %arg15[%add3A_24, %dma_wait3A_232] : memref<10240x128xf32, #tpu.memory_space<vmem_shared>> -> memref<128x128xf32, #tpu.memory_space<vmem_shared>>
      %dma_wait3A_234 = arith.constant 0 : i32
      %dma_wait3A_235 = tpu.memref_slice %arg15[%add3A_24, %dma_wait3A_234] : memref<10240x128xf32, #tpu.memory_space<vmem_shared>> -> memref<128x128xf32, #tpu.memory_space<vmem_shared>>
      tpu.wait_dma2 semaphore(%run_scoped3A_227 : memref<!tpu.dma_semaphore, #tpu.memory_space<semaphore_mem>>) src(%arg9 : memref<128x128xf32, #tpu.memory_space<vmem>>) dst(%dma_wait3A_235 : memref<128x128xf32, #tpu.memory_space<vmem_shared>>)
      tpu.yield
    }) : () -> ()
    %mul3A_25 = arith.constant 640 : i32
    %mul3A_26 = arith.muli %arg1, %mul3A_25 : i32
    %add3A_27 = arith.constant 384 : i32
    %add3A_28 = arith.addi %mul3A_26, %add3A_27 : i32
    "tpu.region"() ({
      %run_scoped3A_227 = tpu.sem_alloc : memref<!tpu.dma_semaphore, #tpu.memory_space<semaphore_mem>>
      %dma_start3A_228 = arith.constant 0 : i32
      %dma_start3A_229 = tpu.memref_slice %arg15[%add3A_28, %dma_start3A_228] : memref<10240x128xf32, #tpu.memory_space<vmem_shared>> -> memref<128x128xf32, #tpu.memory_space<vmem_shared>>
      %dma_start3A_230 = arith.constant 0 : i32
      %dma_start3A_231 = tpu.memref_slice %arg15[%add3A_28, %dma_start3A_230] : memref<10240x128xf32, #tpu.memory_space<vmem_shared>> -> memref<128x128xf32, #tpu.memory_space<vmem_shared>>
      tpu.enqueue_dma source(%arg9 : memref<128x128xf32, #tpu.memory_space<vmem>>) target(%dma_start3A_231 : memref<128x128xf32, #tpu.memory_space<vmem_shared>>) target_semaphore(%run_scoped3A_227 : memref<!tpu.dma_semaphore, #tpu.memory_space<semaphore_mem>>)
      %dma_wait3A_232 = arith.constant 0 : i32
      %dma_wait3A_233 = tpu.memref_slice %arg15[%add3A_28, %dma_wait3A_232] : memref<10240x128xf32, #tpu.memory_space<vmem_shared>> -> memref<128x128xf32, #tpu.memory_space<vmem_shared>>
      %dma_wait3A_234 = arith.constant 0 : i32
      %dma_wait3A_235 = tpu.memref_slice %arg15[%add3A_28, %dma_wait3A_234] : memref<10240x128xf32, #tpu.memory_space<vmem_shared>> -> memref<128x128xf32, #tpu.memory_space<vmem_shared>>
      tpu.wait_dma2 semaphore(%run_scoped3A_227 : memref<!tpu.dma_semaphore, #tpu.memory_space<semaphore_mem>>) src(%arg9 : memref<128x128xf32, #tpu.memory_space<vmem>>) dst(%dma_wait3A_235 : memref<128x128xf32, #tpu.memory_space<vmem_shared>>)
      tpu.yield
    }) : () -> ()
    %mul3A_29 = arith.constant 640 : i32
    %mul3A_30 = arith.muli %arg1, %mul3A_29 : i32
    %add3A_31 = arith.constant 512 : i32
    %add3A_32 = arith.addi %mul3A_30, %add3A_31 : i32
    "tpu.region"() ({
      %run_scoped3A_227 = tpu.sem_alloc : memref<!tpu.dma_semaphore, #tpu.memory_space<semaphore_mem>>
      %dma_start3A_228 = arith.constant 0 : i32
      %dma_start3A_229 = tpu.memref_slice %arg15[%add3A_32, %dma_start3A_228] : memref<10240x128xf32, #tpu.memory_space<vmem_shared>> -> memref<128x128xf32, #tpu.memory_space<vmem_shared>>
      %dma_start3A_230 = arith.constant 0 : i32
      %dma_start3A_231 = tpu.memref_slice %arg15[%add3A_32, %dma_start3A_230] : memref<10240x128xf32, #tpu.memory_space<vmem_shared>> -> memref<128x128xf32, #tpu.memory_space<vmem_shared>>
      tpu.enqueue_dma source(%arg9 : memref<128x128xf32, #tpu.memory_space<vmem>>) target(%dma_start3A_231 : memref<128x128xf32, #tpu.memory_space<vmem_shared>>) target_semaphore(%run_scoped3A_227 : memref<!tpu.dma_semaphore, #tpu.memory_space<semaphore_mem>>)
      %dma_wait3A_232 = arith.constant 0 : i32
      %dma_wait3A_233 = tpu.memref_slice %arg15[%add3A_32, %dma_wait3A_232] : memref<10240x128xf32, #tpu.memory_space<vmem_shared>> -> memref<128x128xf32, #tpu.memory_space<vmem_shared>>
      %dma_wait3A_234 = arith.constant 0 : i32
      %dma_wait3A_235 = tpu.memref_slice %arg15[%add3A_32, %dma_wait3A_234] : memref<10240x128xf32, #tpu.memory_space<vmem_shared>> -> memref<128x128xf32, #tpu.memory_space<vmem_shared>>
      tpu.wait_dma2 semaphore(%run_scoped3A_227 : memref<!tpu.dma_semaphore, #tpu.memory_space<semaphore_mem>>) src(%arg9 : memref<128x128xf32, #tpu.memory_space<vmem>>) dst(%dma_wait3A_235 : memref<128x128xf32, #tpu.memory_space<vmem_shared>>)
      tpu.yield
    }) : () -> ()
    %dma_wait3A = arith.constant 0 : i32
    %dma_wait3A_33 = arith.constant 0 : i32
    %dma_wait3A_34 = tpu.memref_slice %arg3[%add3A, %dma_wait3A, %dma_wait3A_33] : memref<32x79x128xi32, #tpu.memory_space<hbm>> -> memref<1x79x128xi32, #tpu.memory_space<hbm>>
    %dma_wait3A_35 = tpu.memref_squeeze %dma_wait3A_34 : memref<1x79x128xi32, #tpu.memory_space<hbm>> -> memref<79x128xi32, #tpu.memory_space<hbm>>
    %dma_wait3A_36 = arith.constant 0 : i32
    %dma_wait3A_37 = arith.constant 0 : i32
    %dma_wait3A_38 = tpu.memref_slice %arg3[%add3A, %dma_wait3A_36, %dma_wait3A_37] : memref<32x79x128xi32, #tpu.memory_space<hbm>> -> memref<1x79x128xi32, #tpu.memory_space<hbm>>
    %dma_wait3A_39 = tpu.memref_squeeze %dma_wait3A_38 : memref<1x79x128xi32, #tpu.memory_space<hbm>> -> memref<79x128xi32, #tpu.memory_space<hbm>>
    tpu.wait_dma2 semaphore(%arg11 : memref<!tpu.dma_semaphore, #tpu.memory_space<semaphore_mem>>) src(%dma_wait3A_39 : memref<79x128xi32, #tpu.memory_space<hbm>>) dst(%arg6 : memref<79x128xi32, #tpu.memory_space<vmem>>)
    %barrier3A = arith.constant 0 : index
    tpu.barrier barrier_id(%barrier3A)
    %mul3A_40 = arith.constant 79 : i32
    %mul3A_41 = arith.muli %add3A, %mul3A_40 : i32
    %add3A_42 = arith.constant 0 : i32
    %add3A_43 = arith.addi %mul3A_41, %add3A_42 : i32
    %dma_start3A_44 = arith.constant 0 : i32
    %dma_start3A_45 = arith.constant 0 : i32
    %dma_start3A_46 = tpu.memref_slice %arg4[%add3A_43, %dma_start3A_44, %dma_start3A_45] : memref<2528x1x128xi32, #tpu.memory_space<hbm>> -> memref<1x1x128xi32, #tpu.memory_space<hbm>>
    %dma_start3A_47 = tpu.memref_squeeze %dma_start3A_46 : memref<1x1x128xi32, #tpu.memory_space<hbm>> -> memref<1x128xi32, #tpu.memory_space<hbm>>
    %dma_start3A_48 = arith.constant 0 : i32
    %dma_start3A_49 = arith.constant 0 : i32
    %dma_start3A_50 = tpu.memref_slice %arg4[%add3A_43, %dma_start3A_48, %dma_start3A_49] : memref<2528x1x128xi32, #tpu.memory_space<hbm>> -> memref<1x1x128xi32, #tpu.memory_space<hbm>>
    %dma_start3A_51 = tpu.memref_squeeze %dma_start3A_50 : memref<1x1x128xi32, #tpu.memory_space<hbm>> -> memref<1x128xi32, #tpu.memory_space<hbm>>
    tpu.enqueue_dma source(%dma_start3A_51 : memref<1x128xi32, #tpu.memory_space<hbm>>) target(%arg7 : memref<1x128xi32, #tpu.memory_space<vmem>>) target_semaphore(%arg13 : memref<!tpu.dma_semaphore, #tpu.memory_space<semaphore_mem>>)
    %dma_start3A_52 = arith.constant 0 : i32
    %dma_start3A_53 = arith.constant 0 : i32
    %dma_start3A_54 = tpu.memref_slice %arg6[%dma_start3A_52, %dma_start3A_53] : memref<79x128xi32, #tpu.memory_space<vmem>> -> memref<1x128xi32, #tpu.memory_space<vmem>>
    %dma_start3A_55 = tpu.memref_squeeze %dma_start3A_54 : memref<1x128xi32, #tpu.memory_space<vmem>> -> memref<128xi32, #tpu.memory_space<vmem>>
    %dma_start3A_56 = arith.constant 0 : i32
    %dma_start3A_57 = arith.constant 0 : i32
    %dma_start3A_58 = tpu.memref_slice %arg2[%dma_start3A_56, %dma_start3A_57] : memref<10240x128xf32, #tpu.memory_space<hbm>> -> memref<10240x128xf32, #tpu.memory_space<hbm>>
    tpu.enqueue_indirect_dma source(%dma_start3A_58 : memref<10240x128xf32, #tpu.memory_space<hbm>>) target(%arg9 : memref<128x128xf32, #tpu.memory_space<vmem>>) offsets(%dma_start3A_55 : memref<128xi32, #tpu.memory_space<vmem>>) semaphore(%arg11 : memref<!tpu.dma_semaphore, #tpu.memory_space<semaphore_mem>>)
    %mul3A_59 = arith.constant 79 : i32
    %mul3A_60 = arith.muli %add3A, %mul3A_59 : i32
    %add3A_61 = arith.constant 1 : i32
    %add3A_62 = arith.addi %mul3A_60, %add3A_61 : i32
    %dma_start3A_63 = arith.constant 0 : i32
    %dma_start3A_64 = arith.constant 0 : i32
    %dma_start3A_65 = tpu.memref_slice %arg4[%add3A_62, %dma_start3A_63, %dma_start3A_64] : memref<2528x1x128xi32, #tpu.memory_space<hbm>> -> memref<1x1x128xi32, #tpu.memory_space<hbm>>
    %dma_start3A_66 = tpu.memref_squeeze %dma_start3A_65 : memref<1x1x128xi32, #tpu.memory_space<hbm>> -> memref<1x128xi32, #tpu.memory_space<hbm>>
    %dma_start3A_67 = arith.constant 0 : i32
    %dma_start3A_68 = arith.constant 0 : i32
    %dma_start3A_69 = tpu.memref_slice %arg4[%add3A_62, %dma_start3A_67, %dma_start3A_68] : memref<2528x1x128xi32, #tpu.memory_space<hbm>> -> memref<1x1x128xi32, #tpu.memory_space<hbm>>
    %dma_start3A_70 = tpu.memref_squeeze %dma_start3A_69 : memref<1x1x128xi32, #tpu.memory_space<hbm>> -> memref<1x128xi32, #tpu.memory_space<hbm>>
    tpu.enqueue_dma source(%dma_start3A_70 : memref<1x128xi32, #tpu.memory_space<hbm>>) target(%arg8 : memref<1x128xi32, #tpu.memory_space<vmem>>) target_semaphore(%arg14 : memref<!tpu.dma_semaphore, #tpu.memory_space<semaphore_mem>>)
    %scan3A_71 = arith.constant 0 : i32
    %scan3A_72 = arith.constant 0 : i32
    %scan3A_73 = arith.constant 39 : i32
    %scan3A_74 = arith.addi %scan3A_72, %scan3A_73 : i32
    %scan3A_75 = arith.constant 1 : i32
    scf.for %scan3A_227 = %scan3A_72 to %scan3A_74 step %scan3A_75  : i32 {
      %mul3A_228 = arith.constant 2 : i32
      %mul3A_229 = arith.muli %mul3A_228, %scan3A_227 : i32
      %add3A_230 = arith.constant 1 : i32
      %add3A_231 = arith.addi %mul3A_229, %add3A_230 : i32
      %dma_start3A_232 = arith.constant 0 : i32
      %dma_start3A_233 = tpu.memref_slice %arg6[%add3A_231, %dma_start3A_232] : memref<79x128xi32, #tpu.memory_space<vmem>> -> memref<1x128xi32, #tpu.memory_space<vmem>>
      %dma_start3A_234 = tpu.memref_squeeze %dma_start3A_233 : memref<1x128xi32, #tpu.memory_space<vmem>> -> memref<128xi32, #tpu.memory_space<vmem>>
      %dma_start3A_235 = arith.constant 0 : i32
      %dma_start3A_236 = arith.constant 0 : i32
      %dma_start3A_237 = tpu.memref_slice %arg2[%dma_start3A_235, %dma_start3A_236] : memref<10240x128xf32, #tpu.memory_space<hbm>> -> memref<10240x128xf32, #tpu.memory_space<hbm>>
      tpu.enqueue_indirect_dma source(%dma_start3A_237 : memref<10240x128xf32, #tpu.memory_space<hbm>>) target(%arg10 : memref<128x128xf32, #tpu.memory_space<vmem>>) offsets(%dma_start3A_234 : memref<128xi32, #tpu.memory_space<vmem>>) semaphore(%arg12 : memref<!tpu.dma_semaphore, #tpu.memory_space<semaphore_mem>>)
      %dma_wait3A_238 = arith.constant 0 : i32
      %dma_wait3A_239 = tpu.memref_slice %arg6[%mul3A_229, %dma_wait3A_238] : memref<79x128xi32, #tpu.memory_space<vmem>> -> memref<1x128xi32, #tpu.memory_space<vmem>>
      %dma_wait3A_240 = tpu.memref_squeeze %dma_wait3A_239 : memref<1x128xi32, #tpu.memory_space<vmem>> -> memref<128xi32, #tpu.memory_space<vmem>>
      %dma_wait3A_241 = arith.constant 0 : i32
      %dma_wait3A_242 = arith.constant 0 : i32
      %dma_wait3A_243 = tpu.memref_slice %arg2[%dma_wait3A_241, %dma_wait3A_242] : memref<10240x128xf32, #tpu.memory_space<hbm>> -> memref<10240x128xf32, #tpu.memory_space<hbm>>
      tpu.wait_indirect_dma semaphore(%arg11 : memref<!tpu.dma_semaphore, #tpu.memory_space<semaphore_mem>>) src(%dma_wait3A_243 : memref<10240x128xf32, #tpu.memory_space<hbm>>) dst(%arg9 : memref<128x128xf32, #tpu.memory_space<vmem>>)
      %mul3A_244 = arith.constant 79 : i32
      %mul3A_245 = arith.muli %add3A, %mul3A_244 : i32
      %add3A_246 = arith.addi %mul3A_245, %mul3A_229 : i32
      %dma_wait3A_247 = arith.constant 0 : i32
      %dma_wait3A_248 = arith.constant 0 : i32
      %dma_wait3A_249 = tpu.memref_slice %arg4[%add3A_246, %dma_wait3A_247, %dma_wait3A_248] : memref<2528x1x128xi32, #tpu.memory_space<hbm>> -> memref<1x1x128xi32, #tpu.memory_space<hbm>>
      %dma_wait3A_250 = tpu.memref_squeeze %dma_wait3A_249 : memref<1x1x128xi32, #tpu.memory_space<hbm>> -> memref<1x128xi32, #tpu.memory_space<hbm>>
      %dma_wait3A_251 = arith.constant 0 : i32
      %dma_wait3A_252 = arith.constant 0 : i32
      %dma_wait3A_253 = tpu.memref_slice %arg4[%add3A_246, %dma_wait3A_251, %dma_wait3A_252] : memref<2528x1x128xi32, #tpu.memory_space<hbm>> -> memref<1x1x128xi32, #tpu.memory_space<hbm>>
      %dma_wait3A_254 = tpu.memref_squeeze %dma_wait3A_253 : memref<1x1x128xi32, #tpu.memory_space<hbm>> -> memref<1x128xi32, #tpu.memory_space<hbm>>
      tpu.wait_dma2 semaphore(%arg13 : memref<!tpu.dma_semaphore, #tpu.memory_space<semaphore_mem>>) src(%dma_wait3A_254 : memref<1x128xi32, #tpu.memory_space<hbm>>) dst(%arg7 : memref<1x128xi32, #tpu.memory_space<vmem>>)
      %run_scoped3A_255 = arith.constant 0 : i32
      "tpu.region"() ({
        %run_scoped3A_305 = tpu.sem_alloc : memref<!tpu.dma_semaphore, #tpu.memory_space<semaphore_mem>>
        %dma_start3A_306 = arith.constant 0 : i32
        %dma_start3A_307 = tpu.memref_slice %arg7[%run_scoped3A_255, %dma_start3A_306] : memref<1x128xi32, #tpu.memory_space<vmem>> -> memref<1x128xi32, #tpu.memory_space<vmem>>
        %dma_start3A_308 = tpu.memref_squeeze %dma_start3A_307 : memref<1x128xi32, #tpu.memory_space<vmem>> -> memref<128xi32, #tpu.memory_space<vmem>>
        %dma_start3A_309 = arith.constant 0 : i32
        %dma_start3A_310 = arith.constant 0 : i32
        %dma_start3A_311 = tpu.memref_slice %arg15[%dma_start3A_309, %dma_start3A_310] : memref<10240x128xf32, #tpu.memory_space<vmem_shared>> -> memref<10240x128xf32, #tpu.memory_space<vmem_shared>>
        tpu.enqueue_indirect_dma source(%arg9 : memref<128x128xf32, #tpu.memory_space<vmem>>) target(%dma_start3A_311 : memref<10240x128xf32, #tpu.memory_space<vmem_shared>>) offsets(%dma_start3A_308 : memref<128xi32, #tpu.memory_space<vmem>>) semaphore(%run_scoped3A_305 : memref<!tpu.dma_semaphore, #tpu.memory_space<semaphore_mem>>) {add = true}
        %dma_wait3A_312 = arith.constant 0 : i32
        %dma_wait3A_313 = tpu.memref_slice %arg7[%run_scoped3A_255, %dma_wait3A_312] : memref<1x128xi32, #tpu.memory_space<vmem>> -> memref<1x128xi32, #tpu.memory_space<vmem>>
        %dma_wait3A_314 = tpu.memref_squeeze %dma_wait3A_313 : memref<1x128xi32, #tpu.memory_space<vmem>> -> memref<128xi32, #tpu.memory_space<vmem>>
        %dma_wait3A_315 = arith.constant 0 : i32
        %dma_wait3A_316 = arith.constant 0 : i32
        %dma_wait3A_317 = tpu.memref_slice %arg15[%dma_wait3A_315, %dma_wait3A_316] : memref<10240x128xf32, #tpu.memory_space<vmem_shared>> -> memref<10240x128xf32, #tpu.memory_space<vmem_shared>>
        tpu.wait_indirect_dma semaphore(%run_scoped3A_305 : memref<!tpu.dma_semaphore, #tpu.memory_space<semaphore_mem>>) src(%arg9 : memref<128x128xf32, #tpu.memory_space<vmem>>) dst(%dma_wait3A_317 : memref<10240x128xf32, #tpu.memory_space<vmem_shared>>)
        tpu.yield
      }) : () -> ()
      %add3A_256 = arith.constant 2 : i32
      %add3A_257 = arith.addi %mul3A_229, %add3A_256 : i32
      %dma_start3A_258 = arith.constant 0 : i32
      %dma_start3A_259 = tpu.memref_slice %arg6[%add3A_257, %dma_start3A_258] : memref<79x128xi32, #tpu.memory_space<vmem>> -> memref<1x128xi32, #tpu.memory_space<vmem>>
      %dma_start3A_260 = tpu.memref_squeeze %dma_start3A_259 : memref<1x128xi32, #tpu.memory_space<vmem>> -> memref<128xi32, #tpu.memory_space<vmem>>
      %dma_start3A_261 = arith.constant 0 : i32
      %dma_start3A_262 = arith.constant 0 : i32
      %dma_start3A_263 = tpu.memref_slice %arg2[%dma_start3A_261, %dma_start3A_262] : memref<10240x128xf32, #tpu.memory_space<hbm>> -> memref<10240x128xf32, #tpu.memory_space<hbm>>
      tpu.enqueue_indirect_dma source(%dma_start3A_263 : memref<10240x128xf32, #tpu.memory_space<hbm>>) target(%arg9 : memref<128x128xf32, #tpu.memory_space<vmem>>) offsets(%dma_start3A_260 : memref<128xi32, #tpu.memory_space<vmem>>) semaphore(%arg11 : memref<!tpu.dma_semaphore, #tpu.memory_space<semaphore_mem>>)
      %add3A_264 = arith.constant 2 : i32
      %add3A_265 = arith.addi %mul3A_229, %add3A_264 : i32
      %mul3A_266 = arith.constant 79 : i32
      %mul3A_267 = arith.muli %add3A, %mul3A_266 : i32
      %add3A_268 = arith.addi %mul3A_267, %add3A_265 : i32
      %dma_start3A_269 = arith.constant 0 : i32
      %dma_start3A_270 = arith.constant 0 : i32
      %dma_start3A_271 = tpu.memref_slice %arg4[%add3A_268, %dma_start3A_269, %dma_start3A_270] : memref<2528x1x128xi32, #tpu.memory_space<hbm>> -> memref<1x1x128xi32, #tpu.memory_space<hbm>>
      %dma_start3A_272 = tpu.memref_squeeze %dma_start3A_271 : memref<1x1x128xi32, #tpu.memory_space<hbm>> -> memref<1x128xi32, #tpu.memory_space<hbm>>
      %dma_start3A_273 = arith.constant 0 : i32
      %dma_start3A_274 = arith.constant 0 : i32
      %dma_start3A_275 = tpu.memref_slice %arg4[%add3A_268, %dma_start3A_273, %dma_start3A_274] : memref<2528x1x128xi32, #tpu.memory_space<hbm>> -> memref<1x1x128xi32, #tpu.memory_space<hbm>>
      %dma_start3A_276 = tpu.memref_squeeze %dma_start3A_275 : memref<1x1x128xi32, #tpu.memory_space<hbm>> -> memref<1x128xi32, #tpu.memory_space<hbm>>
      tpu.enqueue_dma source(%dma_start3A_276 : memref<1x128xi32, #tpu.memory_space<hbm>>) target(%arg7 : memref<1x128xi32, #tpu.memory_space<vmem>>) target_semaphore(%arg13 : memref<!tpu.dma_semaphore, #tpu.memory_space<semaphore_mem>>)
      %add3A_277 = arith.constant 1 : i32
      %add3A_278 = arith.addi %mul3A_229, %add3A_277 : i32
      %dma_wait3A_279 = arith.constant 0 : i32
      %dma_wait3A_280 = tpu.memref_slice %arg6[%add3A_278, %dma_wait3A_279] : memref<79x128xi32, #tpu.memory_space<vmem>> -> memref<1x128xi32, #tpu.memory_space<vmem>>
      %dma_wait3A_281 = tpu.memref_squeeze %dma_wait3A_280 : memref<1x128xi32, #tpu.memory_space<vmem>> -> memref<128xi32, #tpu.memory_space<vmem>>
      %dma_wait3A_282 = arith.constant 0 : i32
      %dma_wait3A_283 = arith.constant 0 : i32
      %dma_wait3A_284 = tpu.memref_slice %arg2[%dma_wait3A_282, %dma_wait3A_283] : memref<10240x128xf32, #tpu.memory_space<hbm>> -> memref<10240x128xf32, #tpu.memory_space<hbm>>
      tpu.wait_indirect_dma semaphore(%arg12 : memref<!tpu.dma_semaphore, #tpu.memory_space<semaphore_mem>>) src(%dma_wait3A_284 : memref<10240x128xf32, #tpu.memory_space<hbm>>) dst(%arg10 : memref<128x128xf32, #tpu.memory_space<vmem>>)
      %add3A_285 = arith.constant 1 : i32
      %add3A_286 = arith.addi %mul3A_229, %add3A_285 : i32
      %mul3A_287 = arith.constant 79 : i32
      %mul3A_288 = arith.muli %add3A, %mul3A_287 : i32
      %add3A_289 = arith.addi %mul3A_288, %add3A_286 : i32
      %dma_wait3A_290 = arith.constant 0 : i32
      %dma_wait3A_291 = arith.constant 0 : i32
      %dma_wait3A_292 = tpu.memref_slice %arg4[%add3A_289, %dma_wait3A_290, %dma_wait3A_291] : memref<2528x1x128xi32, #tpu.memory_space<hbm>> -> memref<1x1x128xi32, #tpu.memory_space<hbm>>
      %dma_wait3A_293 = tpu.memref_squeeze %dma_wait3A_292 : memref<1x1x128xi32, #tpu.memory_space<hbm>> -> memref<1x128xi32, #tpu.memory_space<hbm>>
      %dma_wait3A_294 = arith.constant 0 : i32
      %dma_wait3A_295 = arith.constant 0 : i32
      %dma_wait3A_296 = tpu.memref_slice %arg4[%add3A_289, %dma_wait3A_294, %dma_wait3A_295] : memref<2528x1x128xi32, #tpu.memory_space<hbm>> -> memref<1x1x128xi32, #tpu.memory_space<hbm>>
      %dma_wait3A_297 = tpu.memref_squeeze %dma_wait3A_296 : memref<1x1x128xi32, #tpu.memory_space<hbm>> -> memref<1x128xi32, #tpu.memory_space<hbm>>
      tpu.wait_dma2 semaphore(%arg14 : memref<!tpu.dma_semaphore, #tpu.memory_space<semaphore_mem>>) src(%dma_wait3A_297 : memref<1x128xi32, #tpu.memory_space<hbm>>) dst(%arg8 : memref<1x128xi32, #tpu.memory_space<vmem>>)
      %add3A_298 = arith.constant 1 : i32
      %add3A_299 = arith.addi %mul3A_229, %add3A_298 : i32
      %run_scoped3A_300 = arith.constant 0 : i32
      "tpu.region"() ({
        %run_scoped3A_305 = tpu.sem_alloc : memref<!tpu.dma_semaphore, #tpu.memory_space<semaphore_mem>>
        %dma_start3A_306 = arith.constant 0 : i32
        %dma_start3A_307 = tpu.memref_slice %arg8[%run_scoped3A_300, %dma_start3A_306] : memref<1x128xi32, #tpu.memory_space<vmem>> -> memref<1x128xi32, #tpu.memory_space<vmem>>
        %dma_start3A_308 = tpu.memref_squeeze %dma_start3A_307 : memref<1x128xi32, #tpu.memory_space<vmem>> -> memref<128xi32, #tpu.memory_space<vmem>>
        %dma_start3A_309 = arith.constant 0 : i32
        %dma_start3A_310 = arith.constant 0 : i32
        %dma_start3A_311 = tpu.memref_slice %arg15[%dma_start3A_309, %dma_start3A_310] : memref<10240x128xf32, #tpu.memory_space<vmem_shared>> -> memref<10240x128xf32, #tpu.memory_space<vmem_shared>>
        tpu.enqueue_indirect_dma source(%arg10 : memref<128x128xf32, #tpu.memory_space<vmem>>) target(%dma_start3A_311 : memref<10240x128xf32, #tpu.memory_space<vmem_shared>>) offsets(%dma_start3A_308 : memref<128xi32, #tpu.memory_space<vmem>>) semaphore(%run_scoped3A_305 : memref<!tpu.dma_semaphore, #tpu.memory_space<semaphore_mem>>) {add = true}
        %dma_wait3A_312 = arith.constant 0 : i32
        %dma_wait3A_313 = tpu.memref_slice %arg8[%run_scoped3A_300, %dma_wait3A_312] : memref<1x128xi32, #tpu.memory_space<vmem>> -> memref<1x128xi32, #tpu.memory_space<vmem>>
        %dma_wait3A_314 = tpu.memref_squeeze %dma_wait3A_313 : memref<1x128xi32, #tpu.memory_space<vmem>> -> memref<128xi32, #tpu.memory_space<vmem>>
        %dma_wait3A_315 = arith.constant 0 : i32
        %dma_wait3A_316 = arith.constant 0 : i32
        %dma_wait3A_317 = tpu.memref_slice %arg15[%dma_wait3A_315, %dma_wait3A_316] : memref<10240x128xf32, #tpu.memory_space<vmem_shared>> -> memref<10240x128xf32, #tpu.memory_space<vmem_shared>>
        tpu.wait_indirect_dma semaphore(%run_scoped3A_305 : memref<!tpu.dma_semaphore, #tpu.memory_space<semaphore_mem>>) src(%arg10 : memref<128x128xf32, #tpu.memory_space<vmem>>) dst(%dma_wait3A_317 : memref<10240x128xf32, #tpu.memory_space<vmem_shared>>)
        tpu.yield
      }) : () -> ()
      %add3A_301 = arith.constant 3 : i32
      %add3A_302 = arith.addi %mul3A_229, %add3A_301 : i32
      %lt3A = arith.constant 79 : i32
      %lt3A_303 = arith.cmpi slt, %add3A_302, %lt3A : i32
      %convert_element_type3A = arith.extui %lt3A_303 : i1 to i32
      %cond3A = arith.constant 0 : i32
      %cond3A_304 = arith.cmpi ne, %convert_element_type3A, %cond3A : i32
      scf.if %cond3A_304 {
        %add3A_305 = arith.constant 3 : i32
        %add3A_306 = arith.addi %mul3A_229, %add3A_305 : i32
        %mul3A_307 = arith.constant 79 : i32
        %mul3A_308 = arith.muli %add3A, %mul3A_307 : i32
        %add3A_309 = arith.addi %mul3A_308, %add3A_306 : i32
        %dma_start3A_310 = arith.constant 0 : i32
        %dma_start3A_311 = arith.constant 0 : i32
        %dma_start3A_312 = tpu.memref_slice %arg4[%add3A_309, %dma_start3A_310, %dma_start3A_311] : memref<2528x1x128xi32, #tpu.memory_space<hbm>> -> memref<1x1x128xi32, #tpu.memory_space<hbm>>
        %dma_start3A_313 = tpu.memref_squeeze %dma_start3A_312 : memref<1x1x128xi32, #tpu.memory_space<hbm>> -> memref<1x128xi32, #tpu.memory_space<hbm>>
        %dma_start3A_314 = arith.constant 0 : i32
        %dma_start3A_315 = arith.constant 0 : i32
        %dma_start3A_316 = tpu.memref_slice %arg4[%add3A_309, %dma_start3A_314, %dma_start3A_315] : memref<2528x1x128xi32, #tpu.memory_space<hbm>> -> memref<1x1x128xi32, #tpu.memory_space<hbm>>
        %dma_start3A_317 = tpu.memref_squeeze %dma_start3A_316 : memref<1x1x128xi32, #tpu.memory_space<hbm>> -> memref<1x128xi32, #tpu.memory_space<hbm>>
        tpu.enqueue_dma source(%dma_start3A_317 : memref<1x128xi32, #tpu.memory_space<hbm>>) target(%arg8 : memref<1x128xi32, #tpu.memory_space<vmem>>) target_semaphore(%arg14 : memref<!tpu.dma_semaphore, #tpu.memory_space<semaphore_mem>>)
      } else {
      }
    }
    %scan3A_76 = arith.constant 39 : i32
    %dma_wait3A_77 = arith.constant 78 : i32
    %dma_wait3A_78 = arith.constant 0 : i32
    %dma_wait3A_79 = tpu.memref_slice %arg6[%dma_wait3A_77, %dma_wait3A_78] : memref<79x128xi32, #tpu.memory_space<vmem>> -> memref<1x128xi32, #tpu.memory_space<vmem>>
    %dma_wait3A_80 = tpu.memref_squeeze %dma_wait3A_79 : memref<1x128xi32, #tpu.memory_space<vmem>> -> memref<128xi32, #tpu.memory_space<vmem>>
    %dma_wait3A_81 = arith.constant 0 : i32
    %dma_wait3A_82 = arith.constant 0 : i32
    %dma_wait3A_83 = tpu.memref_slice %arg2[%dma_wait3A_81, %dma_wait3A_82] : memref<10240x128xf32, #tpu.memory_space<hbm>> -> memref<10240x128xf32, #tpu.memory_space<hbm>>
    tpu.wait_indirect_dma semaphore(%arg11 : memref<!tpu.dma_semaphore, #tpu.memory_space<semaphore_mem>>) src(%dma_wait3A_83 : memref<10240x128xf32, #tpu.memory_space<hbm>>) dst(%arg9 : memref<128x128xf32, #tpu.memory_space<vmem>>)
    %mul3A_84 = arith.constant 79 : i32
    %mul3A_85 = arith.muli %add3A, %mul3A_84 : i32
    %add3A_86 = arith.constant 78 : i32
    %add3A_87 = arith.addi %mul3A_85, %add3A_86 : i32
    %dma_wait3A_88 = arith.constant 0 : i32
    %dma_wait3A_89 = arith.constant 0 : i32
    %dma_wait3A_90 = tpu.memref_slice %arg4[%add3A_87, %dma_wait3A_88, %dma_wait3A_89] : memref<2528x1x128xi32, #tpu.memory_space<hbm>> -> memref<1x1x128xi32, #tpu.memory_space<hbm>>
    %dma_wait3A_91 = tpu.memref_squeeze %dma_wait3A_90 : memref<1x1x128xi32, #tpu.memory_space<hbm>> -> memref<1x128xi32, #tpu.memory_space<hbm>>
    %dma_wait3A_92 = arith.constant 0 : i32
    %dma_wait3A_93 = arith.constant 0 : i32
    %dma_wait3A_94 = tpu.memref_slice %arg4[%add3A_87, %dma_wait3A_92, %dma_wait3A_93] : memref<2528x1x128xi32, #tpu.memory_space<hbm>> -> memref<1x1x128xi32, #tpu.memory_space<hbm>>
    %dma_wait3A_95 = tpu.memref_squeeze %dma_wait3A_94 : memref<1x1x128xi32, #tpu.memory_space<hbm>> -> memref<1x128xi32, #tpu.memory_space<hbm>>
    tpu.wait_dma2 semaphore(%arg13 : memref<!tpu.dma_semaphore, #tpu.memory_space<semaphore_mem>>) src(%dma_wait3A_95 : memref<1x128xi32, #tpu.memory_space<hbm>>) dst(%arg7 : memref<1x128xi32, #tpu.memory_space<vmem>>)
    %run_scoped3A = arith.constant 0 : i32
    "tpu.region"() ({
      %run_scoped3A_227 = tpu.sem_alloc : memref<!tpu.dma_semaphore, #tpu.memory_space<semaphore_mem>>
      %dma_start3A_228 = arith.constant 0 : i32
      %dma_start3A_229 = tpu.memref_slice %arg7[%run_scoped3A, %dma_start3A_228] : memref<1x128xi32, #tpu.memory_space<vmem>> -> memref<1x128xi32, #tpu.memory_space<vmem>>
      %dma_start3A_230 = tpu.memref_squeeze %dma_start3A_229 : memref<1x128xi32, #tpu.memory_space<vmem>> -> memref<128xi32, #tpu.memory_space<vmem>>
      %dma_start3A_231 = arith.constant 0 : i32
      %dma_start3A_232 = arith.constant 0 : i32
      %dma_start3A_233 = tpu.memref_slice %arg15[%dma_start3A_231, %dma_start3A_232] : memref<10240x128xf32, #tpu.memory_space<vmem_shared>> -> memref<10240x128xf32, #tpu.memory_space<vmem_shared>>
      tpu.enqueue_indirect_dma source(%arg9 : memref<128x128xf32, #tpu.memory_space<vmem>>) target(%dma_start3A_233 : memref<10240x128xf32, #tpu.memory_space<vmem_shared>>) offsets(%dma_start3A_230 : memref<128xi32, #tpu.memory_space<vmem>>) semaphore(%run_scoped3A_227 : memref<!tpu.dma_semaphore, #tpu.memory_space<semaphore_mem>>) {add = true}
      %dma_wait3A_234 = arith.constant 0 : i32
      %dma_wait3A_235 = tpu.memref_slice %arg7[%run_scoped3A, %dma_wait3A_234] : memref<1x128xi32, #tpu.memory_space<vmem>> -> memref<1x128xi32, #tpu.memory_space<vmem>>
      %dma_wait3A_236 = tpu.memref_squeeze %dma_wait3A_235 : memref<1x128xi32, #tpu.memory_space<vmem>> -> memref<128xi32, #tpu.memory_space<vmem>>
      %dma_wait3A_237 = arith.constant 0 : i32
      %dma_wait3A_238 = arith.constant 0 : i32
      %dma_wait3A_239 = tpu.memref_slice %arg15[%dma_wait3A_237, %dma_wait3A_238] : memref<10240x128xf32, #tpu.memory_space<vmem_shared>> -> memref<10240x128xf32, #tpu.memory_space<vmem_shared>>
      tpu.wait_indirect_dma semaphore(%run_scoped3A_227 : memref<!tpu.dma_semaphore, #tpu.memory_space<semaphore_mem>>) src(%arg9 : memref<128x128xf32, #tpu.memory_space<vmem>>) dst(%dma_wait3A_239 : memref<10240x128xf32, #tpu.memory_space<vmem_shared>>)
      tpu.yield
    }) : () -> ()
    %barrier3A_96 = arith.constant 0 : index
    tpu.barrier barrier_id(%barrier3A_96)
    %mul3A_97 = arith.constant 640 : i32
    %mul3A_98 = arith.muli %arg1, %mul3A_97 : i32
    %add3A_99 = arith.constant 0 : i32
    %add3A_100 = arith.addi %mul3A_98, %add3A_99 : i32
    %mul3A_101 = arith.constant 640 : i32
    %mul3A_102 = arith.muli %arg1, %mul3A_101 : i32
    %add3A_103 = arith.constant 0 : i32
    %add3A_104 = arith.addi %mul3A_102, %add3A_103 : i32
    %dma_start3A_105 = arith.constant 0 : i32
    %dma_start3A_106 = tpu.memref_slice %arg5[%arg0, %add3A_104, %dma_start3A_105] : memref<2x10240x128xf32, #tpu.memory_space<hbm>> -> memref<1x128x128xf32, #tpu.memory_space<hbm>>
    %dma_start3A_107 = tpu.memref_squeeze %dma_start3A_106 : memref<1x128x128xf32, #tpu.memory_space<hbm>> -> memref<128x128xf32, #tpu.memory_space<hbm>>
    %dma_start3A_108 = arith.constant 0 : i32
    %dma_start3A_109 = tpu.memref_slice %arg15[%add3A_100, %dma_start3A_108] : memref<10240x128xf32, #tpu.memory_space<vmem_shared>> -> memref<128x128xf32, #tpu.memory_space<vmem_shared>>
    tpu.enqueue_dma source(%dma_start3A_109 : memref<128x128xf32, #tpu.memory_space<vmem_shared>>) target(%dma_start3A_107 : memref<128x128xf32, #tpu.memory_space<hbm>>) target_semaphore(%arg11 : memref<!tpu.dma_semaphore, #tpu.memory_space<semaphore_mem>>)
    %mul3A_110 = arith.constant 640 : i32
    %mul3A_111 = arith.muli %arg1, %mul3A_110 : i32
    %add3A_112 = arith.constant 128 : i32
    %add3A_113 = arith.addi %mul3A_111, %add3A_112 : i32
    %mul3A_114 = arith.constant 640 : i32
    %mul3A_115 = arith.muli %arg1, %mul3A_114 : i32
    %add3A_116 = arith.constant 128 : i32
    %add3A_117 = arith.addi %mul3A_115, %add3A_116 : i32
    %dma_start3A_118 = arith.constant 0 : i32
    %dma_start3A_119 = tpu.memref_slice %arg5[%arg0, %add3A_117, %dma_start3A_118] : memref<2x10240x128xf32, #tpu.memory_space<hbm>> -> memref<1x128x128xf32, #tpu.memory_space<hbm>>
    %dma_start3A_120 = tpu.memref_squeeze %dma_start3A_119 : memref<1x128x128xf32, #tpu.memory_space<hbm>> -> memref<128x128xf32, #tpu.memory_space<hbm>>
    %dma_start3A_121 = arith.constant 0 : i32
    %dma_start3A_122 = tpu.memref_slice %arg15[%add3A_113, %dma_start3A_121] : memref<10240x128xf32, #tpu.memory_space<vmem_shared>> -> memref<128x128xf32, #tpu.memory_space<vmem_shared>>
    tpu.enqueue_dma source(%dma_start3A_122 : memref<128x128xf32, #tpu.memory_space<vmem_shared>>) target(%dma_start3A_120 : memref<128x128xf32, #tpu.memory_space<hbm>>) target_semaphore(%arg11 : memref<!tpu.dma_semaphore, #tpu.memory_space<semaphore_mem>>)
    %mul3A_123 = arith.constant 640 : i32
    %mul3A_124 = arith.muli %arg1, %mul3A_123 : i32
    %add3A_125 = arith.constant 256 : i32
    %add3A_126 = arith.addi %mul3A_124, %add3A_125 : i32
    %mul3A_127 = arith.constant 640 : i32
    %mul3A_128 = arith.muli %arg1, %mul3A_127 : i32
    %add3A_129 = arith.constant 256 : i32
    %add3A_130 = arith.addi %mul3A_128, %add3A_129 : i32
    %dma_start3A_131 = arith.constant 0 : i32
    %dma_start3A_132 = tpu.memref_slice %arg5[%arg0, %add3A_130, %dma_start3A_131] : memref<2x10240x128xf32, #tpu.memory_space<hbm>> -> memref<1x128x128xf32, #tpu.memory_space<hbm>>
    %dma_start3A_133 = tpu.memref_squeeze %dma_start3A_132 : memref<1x128x128xf32, #tpu.memory_space<hbm>> -> memref<128x128xf32, #tpu.memory_space<hbm>>
    %dma_start3A_134 = arith.constant 0 : i32
    %dma_start3A_135 = tpu.memref_slice %arg15[%add3A_126, %dma_start3A_134] : memref<10240x128xf32, #tpu.memory_space<vmem_shared>> -> memref<128x128xf32, #tpu.memory_space<vmem_shared>>
    tpu.enqueue_dma source(%dma_start3A_135 : memref<128x128xf32, #tpu.memory_space<vmem_shared>>) target(%dma_start3A_133 : memref<128x128xf32, #tpu.memory_space<hbm>>) target_semaphore(%arg11 : memref<!tpu.dma_semaphore, #tpu.memory_space<semaphore_mem>>)
    %mul3A_136 = arith.constant 640 : i32
    %mul3A_137 = arith.muli %arg1, %mul3A_136 : i32
    %add3A_138 = arith.constant 384 : i32
    %add3A_139 = arith.addi %mul3A_137, %add3A_138 : i32
    %mul3A_140 = arith.constant 640 : i32
    %mul3A_141 = arith.muli %arg1, %mul3A_140 : i32
    %add3A_142 = arith.constant 384 : i32
    %add3A_143 = arith.addi %mul3A_141, %add3A_142 : i32
    %dma_start3A_144 = arith.constant 0 : i32
    %dma_start3A_145 = tpu.memref_slice %arg5[%arg0, %add3A_143, %dma_start3A_144] : memref<2x10240x128xf32, #tpu.memory_space<hbm>> -> memref<1x128x128xf32, #tpu.memory_space<hbm>>
    %dma_start3A_146 = tpu.memref_squeeze %dma_start3A_145 : memref<1x128x128xf32, #tpu.memory_space<hbm>> -> memref<128x128xf32, #tpu.memory_space<hbm>>
    %dma_start3A_147 = arith.constant 0 : i32
    %dma_start3A_148 = tpu.memref_slice %arg15[%add3A_139, %dma_start3A_147] : memref<10240x128xf32, #tpu.memory_space<vmem_shared>> -> memref<128x128xf32, #tpu.memory_space<vmem_shared>>
    tpu.enqueue_dma source(%dma_start3A_148 : memref<128x128xf32, #tpu.memory_space<vmem_shared>>) target(%dma_start3A_146 : memref<128x128xf32, #tpu.memory_space<hbm>>) target_semaphore(%arg11 : memref<!tpu.dma_semaphore, #tpu.memory_space<semaphore_mem>>)
    %mul3A_149 = arith.constant 640 : i32
    %mul3A_150 = arith.muli %arg1, %mul3A_149 : i32
    %add3A_151 = arith.constant 512 : i32
    %add3A_152 = arith.addi %mul3A_150, %add3A_151 : i32
    %mul3A_153 = arith.constant 640 : i32
    %mul3A_154 = arith.muli %arg1, %mul3A_153 : i32
    %add3A_155 = arith.constant 512 : i32
    %add3A_156 = arith.addi %mul3A_154, %add3A_155 : i32
    %dma_start3A_157 = arith.constant 0 : i32
    %dma_start3A_158 = tpu.memref_slice %arg5[%arg0, %add3A_156, %dma_start3A_157] : memref<2x10240x128xf32, #tpu.memory_space<hbm>> -> memref<1x128x128xf32, #tpu.memory_space<hbm>>
    %dma_start3A_159 = tpu.memref_squeeze %dma_start3A_158 : memref<1x128x128xf32, #tpu.memory_space<hbm>> -> memref<128x128xf32, #tpu.memory_space<hbm>>
    %dma_start3A_160 = arith.constant 0 : i32
    %dma_start3A_161 = tpu.memref_slice %arg15[%add3A_152, %dma_start3A_160] : memref<10240x128xf32, #tpu.memory_space<vmem_shared>> -> memref<128x128xf32, #tpu.memory_space<vmem_shared>>
    tpu.enqueue_dma source(%dma_start3A_161 : memref<128x128xf32, #tpu.memory_space<vmem_shared>>) target(%dma_start3A_159 : memref<128x128xf32, #tpu.memory_space<hbm>>) target_semaphore(%arg11 : memref<!tpu.dma_semaphore, #tpu.memory_space<semaphore_mem>>)
    %mul3A_162 = arith.constant 640 : i32
    %mul3A_163 = arith.muli %arg1, %mul3A_162 : i32
    %add3A_164 = arith.constant 0 : i32
    %add3A_165 = arith.addi %mul3A_163, %add3A_164 : i32
    %mul3A_166 = arith.constant 640 : i32
    %mul3A_167 = arith.muli %arg1, %mul3A_166 : i32
    %add3A_168 = arith.constant 0 : i32
    %add3A_169 = arith.addi %mul3A_167, %add3A_168 : i32
    %dma_wait3A_170 = arith.constant 0 : i32
    %dma_wait3A_171 = tpu.memref_slice %arg5[%arg0, %add3A_169, %dma_wait3A_170] : memref<2x10240x128xf32, #tpu.memory_space<hbm>> -> memref<1x128x128xf32, #tpu.memory_space<hbm>>
    %dma_wait3A_172 = tpu.memref_squeeze %dma_wait3A_171 : memref<1x128x128xf32, #tpu.memory_space<hbm>> -> memref<128x128xf32, #tpu.memory_space<hbm>>
    %dma_wait3A_173 = arith.constant 0 : i32
    %dma_wait3A_174 = tpu.memref_slice %arg15[%add3A_165, %dma_wait3A_173] : memref<10240x128xf32, #tpu.memory_space<vmem_shared>> -> memref<128x128xf32, #tpu.memory_space<vmem_shared>>
    tpu.wait_dma2 semaphore(%arg11 : memref<!tpu.dma_semaphore, #tpu.memory_space<semaphore_mem>>) src(%dma_wait3A_174 : memref<128x128xf32, #tpu.memory_space<vmem_shared>>) dst(%dma_wait3A_172 : memref<128x128xf32, #tpu.memory_space<hbm>>)
    %mul3A_175 = arith.constant 640 : i32
    %mul3A_176 = arith.muli %arg1, %mul3A_175 : i32
    %add3A_177 = arith.constant 128 : i32
    %add3A_178 = arith.addi %mul3A_176, %add3A_177 : i32
    %mul3A_179 = arith.constant 640 : i32
    %mul3A_180 = arith.muli %arg1, %mul3A_179 : i32
    %add3A_181 = arith.constant 128 : i32
    %add3A_182 = arith.addi %mul3A_180, %add3A_181 : i32
    %dma_wait3A_183 = arith.constant 0 : i32
    %dma_wait3A_184 = tpu.memref_slice %arg5[%arg0, %add3A_182, %dma_wait3A_183] : memref<2x10240x128xf32, #tpu.memory_space<hbm>> -> memref<1x128x128xf32, #tpu.memory_space<hbm>>
    %dma_wait3A_185 = tpu.memref_squeeze %dma_wait3A_184 : memref<1x128x128xf32, #tpu.memory_space<hbm>> -> memref<128x128xf32, #tpu.memory_space<hbm>>
    %dma_wait3A_186 = arith.constant 0 : i32
    %dma_wait3A_187 = tpu.memref_slice %arg15[%add3A_178, %dma_wait3A_186] : memref<10240x128xf32, #tpu.memory_space<vmem_shared>> -> memref<128x128xf32, #tpu.memory_space<vmem_shared>>
    tpu.wait_dma2 semaphore(%arg11 : memref<!tpu.dma_semaphore, #tpu.memory_space<semaphore_mem>>) src(%dma_wait3A_187 : memref<128x128xf32, #tpu.memory_space<vmem_shared>>) dst(%dma_wait3A_185 : memref<128x128xf32, #tpu.memory_space<hbm>>)
    %mul3A_188 = arith.constant 640 : i32
    %mul3A_189 = arith.muli %arg1, %mul3A_188 : i32
    %add3A_190 = arith.constant 256 : i32
    %add3A_191 = arith.addi %mul3A_189, %add3A_190 : i32
    %mul3A_192 = arith.constant 640 : i32
    %mul3A_193 = arith.muli %arg1, %mul3A_192 : i32
    %add3A_194 = arith.constant 256 : i32
    %add3A_195 = arith.addi %mul3A_193, %add3A_194 : i32
    %dma_wait3A_196 = arith.constant 0 : i32
    %dma_wait3A_197 = tpu.memref_slice %arg5[%arg0, %add3A_195, %dma_wait3A_196] : memref<2x10240x128xf32, #tpu.memory_space<hbm>> -> memref<1x128x128xf32, #tpu.memory_space<hbm>>
    %dma_wait3A_198 = tpu.memref_squeeze %dma_wait3A_197 : memref<1x128x128xf32, #tpu.memory_space<hbm>> -> memref<128x128xf32, #tpu.memory_space<hbm>>
    %dma_wait3A_199 = arith.constant 0 : i32
    %dma_wait3A_200 = tpu.memref_slice %arg15[%add3A_191, %dma_wait3A_199] : memref<10240x128xf32, #tpu.memory_space<vmem_shared>> -> memref<128x128xf32, #tpu.memory_space<vmem_shared>>
    tpu.wait_dma2 semaphore(%arg11 : memref<!tpu.dma_semaphore, #tpu.memory_space<semaphore_mem>>) src(%dma_wait3A_200 : memref<128x128xf32, #tpu.memory_space<vmem_shared>>) dst(%dma_wait3A_198 : memref<128x128xf32, #tpu.memory_space<hbm>>)
    %mul3A_201 = arith.constant 640 : i32
    %mul3A_202 = arith.muli %arg1, %mul3A_201 : i32
    %add3A_203 = arith.constant 384 : i32
    %add3A_204 = arith.addi %mul3A_202, %add3A_203 : i32
    %mul3A_205 = arith.constant 640 : i32
    %mul3A_206 = arith.muli %arg1, %mul3A_205 : i32
    %add3A_207 = arith.constant 384 : i32
    %add3A_208 = arith.addi %mul3A_206, %add3A_207 : i32
    %dma_wait3A_209 = arith.constant 0 : i32
    %dma_wait3A_210 = tpu.memref_slice %arg5[%arg0, %add3A_208, %dma_wait3A_209] : memref<2x10240x128xf32, #tpu.memory_space<hbm>> -> memref<1x128x128xf32, #tpu.memory_space<hbm>>
    %dma_wait3A_211 = tpu.memref_squeeze %dma_wait3A_210 : memref<1x128x128xf32, #tpu.memory_space<hbm>> -> memref<128x128xf32, #tpu.memory_space<hbm>>
    %dma_wait3A_212 = arith.constant 0 : i32
    %dma_wait3A_213 = tpu.memref_slice %arg15[%add3A_204, %dma_wait3A_212] : memref<10240x128xf32, #tpu.memory_space<vmem_shared>> -> memref<128x128xf32, #tpu.memory_space<vmem_shared>>
    tpu.wait_dma2 semaphore(%arg11 : memref<!tpu.dma_semaphore, #tpu.memory_space<semaphore_mem>>) src(%dma_wait3A_213 : memref<128x128xf32, #tpu.memory_space<vmem_shared>>) dst(%dma_wait3A_211 : memref<128x128xf32, #tpu.memory_space<hbm>>)
    %mul3A_214 = arith.constant 640 : i32
    %mul3A_215 = arith.muli %arg1, %mul3A_214 : i32
    %add3A_216 = arith.constant 512 : i32
    %add3A_217 = arith.addi %mul3A_215, %add3A_216 : i32
    %mul3A_218 = arith.constant 640 : i32
    %mul3A_219 = arith.muli %arg1, %mul3A_218 : i32
    %add3A_220 = arith.constant 512 : i32
    %add3A_221 = arith.addi %mul3A_219, %add3A_220 : i32
    %dma_wait3A_222 = arith.constant 0 : i32
    %dma_wait3A_223 = tpu.memref_slice %arg5[%arg0, %add3A_221, %dma_wait3A_222] : memref<2x10240x128xf32, #tpu.memory_space<hbm>> -> memref<1x128x128xf32, #tpu.memory_space<hbm>>
    %dma_wait3A_224 = tpu.memref_squeeze %dma_wait3A_223 : memref<1x128x128xf32, #tpu.memory_space<hbm>> -> memref<128x128xf32, #tpu.memory_space<hbm>>
    %dma_wait3A_225 = arith.constant 0 : i32
    %dma_wait3A_226 = tpu.memref_slice %arg15[%add3A_217, %dma_wait3A_225] : memref<10240x128xf32, #tpu.memory_space<vmem_shared>> -> memref<128x128xf32, #tpu.memory_space<vmem_shared>>
    tpu.wait_dma2 semaphore(%arg11 : memref<!tpu.dma_semaphore, #tpu.memory_space<semaphore_mem>>) src(%dma_wait3A_226 : memref<128x128xf32, #tpu.memory_space<vmem_shared>>) dst(%dma_wait3A_224 : memref<128x128xf32, #tpu.memory_space<hbm>>)
    return
  }
}

module attributes {stable_mosaic.version = 14 : i64} {
  func.func @body(%arg0: i32, %arg1: memref<2x1280x1xf32, #tpu.memory_space<vmem>>, %arg2: memref<1280x128xf32, #tpu.memory_space<vmem>>, %arg3: memref<128x128xf32, #tpu.memory_space<vmem>>, %arg4: memref<1280x128xf32, #tpu.memory_space<vmem>>) attributes {dimension_semantics = [#tpu.dimension_semantics<arbitrary>], iteration_bounds = array<i64: 8>, scalar_prefetch = 0 : i64, scratch_operands = 0 : i64, tpu.core_type = #tpu.core_type<tc>, window_params = [{transform_indices = @transform_0, window_bounds = array<i64: 2, 1280, 1>}, {transform_indices = @transform_1, window_bounds = array<i64: 1280, 128>}, {pipeline_mode = #tpu.pipeline_mode<synchronous>, transform_indices = @transform_2, window_bounds = array<i64: 128, 128>}, {transform_indices = @transform_3, window_bounds = array<i64: 1280, 128>}]} {
    %get3A = arith.constant 0 : index
    %get3A_0 = arith.constant 0 : index
    %get3A_1 = vector.load %arg2[%get3A, %get3A_0] : memref<1280x128xf32, #tpu.memory_space<vmem>>, vector<1280x128xf32>
    %get3A_2 = arith.constant 0 : index
    %get3A_3 = arith.constant 0 : index
    %get3A_4 = vector.load %arg3[%get3A_2, %get3A_3] : memref<128x128xf32, #tpu.memory_space<vmem>>, vector<128x128xf32>
    %dot_general3A = arith.constant dense<0.000000e+00> : vector<1280x128xf32>
    %dot_general3A_5 = tpu.matmul %get3A_1, %get3A_4, %dot_general3A {dimension_numbers = #tpu.dot_dimension_numbers<[1], [0], [0], [1], [0, 0, 1, 1], [], []>, transpose_lhs_hint = false} : vector<1280x128xf32>, vector<128x128xf32>, vector<1280x128xf32> -> vector<1280x128xf32>
    %get3A_6 = arith.constant 0 : index
    %get3A_7 = arith.constant 0 : index
    %get3A_8 = arith.constant 0 : index
    %get3A_9 = vector.load %arg1[%get3A_6, %get3A_7, %get3A_8] : memref<2x1280x1xf32, #tpu.memory_space<vmem>>, vector<1x1280x1xf32>
    %get3A_10 = vector.shape_cast %get3A_9 : vector<1x1280x1xf32> to vector<1280x1xf32>
    %get3A_11 = arith.constant 1 : index
    %get3A_12 = arith.constant 0 : index
    %get3A_13 = arith.constant 0 : index
    %get3A_14 = vector.load %arg1[%get3A_11, %get3A_12, %get3A_13] : memref<2x1280x1xf32, #tpu.memory_space<vmem>>, vector<1x1280x1xf32>
    %get3A_15 = vector.shape_cast %get3A_14 : vector<1x1280x1xf32> to vector<1280x1xf32>
    %add3A = arith.addf %get3A_10, %get3A_15 : vector<1280x1xf32>
    %add3A_16 = arith.constant 1.000000e+00 : f32
    %add3A_17 = vector.broadcast %add3A_16 : f32 to vector<1280x1xf32>
    %add3A_18 = arith.addf %add3A, %add3A_17 : vector<1280x1xf32>
    %rsqrt3A = math.rsqrt %add3A_18 : vector<1280x1xf32>
    %mul3A = vector.broadcast %rsqrt3A : vector<1280x1xf32> to vector<1280x128xf32>
    %mul3A_19 = arith.mulf %dot_general3A_5, %mul3A : vector<1280x128xf32>
    %swap3A = arith.constant 0 : index
    %swap3A_20 = arith.constant 0 : index
    %swap3A_21 = vector.load %arg4[%swap3A, %swap3A_20] : memref<1280x128xf32, #tpu.memory_space<vmem>>, vector<1280x128xf32>
    tpu.vector_store %arg4[%swap3A, %swap3A_20], %mul3A_19 {strides = array<i32>} : memref<1280x128xf32, #tpu.memory_space<vmem>>, vector<1280x128xf32>,
    return
  }
  func.func @transform_0(%arg0: i32) -> (i32, i32, i32) {
    %c0_i32 = arith.constant 0 : i32
    %c0_i32_0 = arith.constant 0 : i32
    %c0_i32_1 = arith.constant 0 : i32
    return %c0_i32, %arg0, %c0_i32_0 : i32, i32, i32
  }
  func.func @transform_1(%arg0: i32) -> (i32, i32) {
    %c0_i32 = arith.constant 0 : i32
    %c0_i32_0 = arith.constant 0 : i32
    return %arg0, %c0_i32 : i32, i32
  }
  func.func @transform_2(%arg0: i32) -> (i32, i32) {
    %c0_i32 = arith.constant 0 : i32
    %c0_i32_0 = arith.constant 0 : i32
    %c0_i32_1 = arith.constant 0 : i32
    return %c0_i32, %c0_i32_0 : i32, i32
  }
  func.func @transform_3(%arg0: i32) -> (i32, i32) {
    %c0_i32 = arith.constant 0 : i32
    %c0_i32_0 = arith.constant 0 : i32
    return %arg0, %c0_i32 : i32, i32
  }
}

module attributes {stable_mosaic.version = 14 : i64} {
  func.func @body(%arg0: i32, %arg1: memref<2x1280x128xf32, #tpu.memory_space<vmem>>, %arg2: memref<1280x128xf32, #tpu.memory_space<vmem>>, %arg3: memref<2x1280x1xf32, #tpu.memory_space<vmem>>, %arg4: memref<1x128xf32, #tpu.memory_space<vmem>>, %arg5: memref<128x128xf32, #tpu.memory_space<vmem>>, %arg6: memref<1280x128xf32, #tpu.memory_space<vmem>>) attributes {dimension_semantics = [#tpu.dimension_semantics<arbitrary>], iteration_bounds = array<i64: 8>, scalar_prefetch = 0 : i64, scratch_operands = 0 : i64, tpu.core_type = #tpu.core_type<tc>, window_params = [{transform_indices = @transform_0, window_bounds = array<i64: 2, 1280, 128>}, {transform_indices = @transform_1, window_bounds = array<i64: 1280, 128>}, {transform_indices = @transform_2, window_bounds = array<i64: 2, 1280, 1>}, {pipeline_mode = #tpu.pipeline_mode<synchronous>, transform_indices = @transform_3, window_bounds = array<i64: 1, 128>}, {pipeline_mode = #tpu.pipeline_mode<synchronous>, transform_indices = @transform_4, window_bounds = array<i64: 128, 128>}, {transform_indices = @transform_5, window_bounds = array<i64: 1280, 128>}]} {
    %get3A = arith.constant 0 : index
    %get3A_0 = arith.constant 0 : index
    %get3A_1 = arith.constant 0 : index
    %get3A_2 = vector.load %arg3[%get3A, %get3A_0, %get3A_1] : memref<2x1280x1xf32, #tpu.memory_space<vmem>>, vector<1x1280x1xf32>
    %get3A_3 = vector.shape_cast %get3A_2 : vector<1x1280x1xf32> to vector<1280x1xf32>
    %get3A_4 = arith.constant 1 : index
    %get3A_5 = arith.constant 0 : index
    %get3A_6 = arith.constant 0 : index
    %get3A_7 = vector.load %arg3[%get3A_4, %get3A_5, %get3A_6] : memref<2x1280x1xf32, #tpu.memory_space<vmem>>, vector<1x1280x1xf32>
    %get3A_8 = vector.shape_cast %get3A_7 : vector<1x1280x1xf32> to vector<1280x1xf32>
    %add3A = arith.addf %get3A_3, %get3A_8 : vector<1280x1xf32>
    %add3A_9 = arith.constant 1.000000e+00 : f32
    %add3A_10 = vector.broadcast %add3A_9 : f32 to vector<1280x1xf32>
    %add3A_11 = arith.addf %add3A, %add3A_10 : vector<1280x1xf32>
    %rsqrt3A = math.rsqrt %add3A_11 : vector<1280x1xf32>
    %get3A_12 = arith.constant 0 : index
    %get3A_13 = arith.constant 0 : index
    %get3A_14 = arith.constant 0 : index
    %get3A_15 = vector.load %arg1[%get3A_12, %get3A_13, %get3A_14] : memref<2x1280x128xf32, #tpu.memory_space<vmem>>, vector<1x1280x128xf32>
    %get3A_16 = vector.shape_cast %get3A_15 : vector<1x1280x128xf32> to vector<1280x128xf32>
    %get3A_17 = arith.constant 1 : index
    %get3A_18 = arith.constant 0 : index
    %get3A_19 = arith.constant 0 : index
    %get3A_20 = vector.load %arg1[%get3A_17, %get3A_18, %get3A_19] : memref<2x1280x128xf32, #tpu.memory_space<vmem>>, vector<1x1280x128xf32>
    %get3A_21 = vector.shape_cast %get3A_20 : vector<1x1280x128xf32> to vector<1280x128xf32>
    %add3A_22 = arith.addf %get3A_16, %get3A_21 : vector<1280x128xf32>
    %get3A_23 = arith.constant 0 : index
    %get3A_24 = arith.constant 0 : index
    %get3A_25 = vector.load %arg2[%get3A_23, %get3A_24] : memref<1280x128xf32, #tpu.memory_space<vmem>>, vector<1280x128xf32>
    %add3A_26 = arith.addf %add3A_22, %get3A_25 : vector<1280x128xf32>
    %mul3A = vector.broadcast %rsqrt3A : vector<1280x1xf32> to vector<1280x128xf32>
    %mul3A_27 = arith.mulf %add3A_26, %mul3A : vector<1280x128xf32>
    %get3A_28 = arith.constant 0 : index
    %get3A_29 = arith.constant 0 : index
    %get3A_30 = vector.load %arg4[%get3A_28, %get3A_29] : memref<1x128xf32, #tpu.memory_space<vmem>>, vector<1x128xf32>
    %add3A_31 = vector.broadcast %get3A_30 : vector<1x128xf32> to vector<1280x128xf32>
    %add3A_32 = arith.addf %mul3A_27, %add3A_31 : vector<1280x128xf32>
    %mul3A_33 = arith.constant 5.000000e-01 : f32
    %mul3A_34 = vector.broadcast %mul3A_33 : f32 to vector<1280x128xf32>
    %mul3A_35 = arith.mulf %mul3A_34, %add3A_32 : vector<1280x128xf32>
    %mul3A_36 = arith.constant 0.707106769 : f32
    %mul3A_37 = vector.broadcast %mul3A_36 : f32 to vector<1280x128xf32>
    %mul3A_38 = arith.mulf %add3A_32, %mul3A_37 : vector<1280x128xf32>
    %erf3A = math.erf %mul3A_38 : vector<1280x128xf32>
    %add3A_39 = arith.constant 1.000000e+00 : f32
    %add3A_40 = vector.broadcast %add3A_39 : f32 to vector<1280x128xf32>
    %add3A_41 = arith.addf %add3A_40, %erf3A : vector<1280x128xf32>
    %mul3A_42 = arith.mulf %mul3A_35, %add3A_41 : vector<1280x128xf32>
    %get3A_43 = arith.constant 0 : index
    %get3A_44 = arith.constant 0 : index
    %get3A_45 = vector.load %arg5[%get3A_43, %get3A_44] : memref<128x128xf32, #tpu.memory_space<vmem>>, vector<128x128xf32>
    %dot_general3A = arith.constant dense<0.000000e+00> : vector<1280x128xf32>
    %dot_general3A_46 = tpu.matmul %mul3A_42, %get3A_45, %dot_general3A {dimension_numbers = #tpu.dot_dimension_numbers<[1], [0], [0], [1], [0, 0, 1, 1], [], []>, transpose_lhs_hint = false} : vector<1280x128xf32>, vector<128x128xf32>, vector<1280x128xf32> -> vector<1280x128xf32>
    %mul3A_47 = vector.broadcast %rsqrt3A : vector<1280x1xf32> to vector<1280x128xf32>
    %mul3A_48 = arith.mulf %dot_general3A_46, %mul3A_47 : vector<1280x128xf32>
    %swap3A = arith.constant 0 : index
    %swap3A_49 = arith.constant 0 : index
    %swap3A_50 = vector.load %arg6[%swap3A, %swap3A_49] : memref<1280x128xf32, #tpu.memory_space<vmem>>, vector<1280x128xf32>
    tpu.vector_store %arg6[%swap3A, %swap3A_49], %mul3A_48 {strides = array<i32>} : memref<1280x128xf32, #tpu.memory_space<vmem>>, vector<1280x128xf32>,
    return
  }
  func.func @transform_0(%arg0: i32) -> (i32, i32, i32) {
    %c0_i32 = arith.constant 0 : i32
    %c0_i32_0 = arith.constant 0 : i32
    %c0_i32_1 = arith.constant 0 : i32
    return %c0_i32, %arg0, %c0_i32_0 : i32, i32, i32
  }
  func.func @transform_1(%arg0: i32) -> (i32, i32) {
    %c0_i32 = arith.constant 0 : i32
    %c0_i32_0 = arith.constant 0 : i32
    return %arg0, %c0_i32 : i32, i32
  }
  func.func @transform_2(%arg0: i32) -> (i32, i32, i32) {
    %c0_i32 = arith.constant 0 : i32
    %c0_i32_0 = arith.constant 0 : i32
    %c0_i32_1 = arith.constant 0 : i32
    return %c0_i32, %arg0, %c0_i32_0 : i32, i32, i32
  }
  func.func @transform_3(%arg0: i32) -> (i32, i32) {
    %c0_i32 = arith.constant 0 : i32
    %c0_i32_0 = arith.constant 0 : i32
    %c0_i32_1 = arith.constant 0 : i32
    return %c0_i32, %c0_i32_0 : i32, i32
  }
  func.func @transform_4(%arg0: i32) -> (i32, i32) {
    %c0_i32 = arith.constant 0 : i32
    %c0_i32_0 = arith.constant 0 : i32
    %c0_i32_1 = arith.constant 0 : i32
    return %c0_i32, %c0_i32_0 : i32, i32
  }
  func.func @transform_5(%arg0: i32) -> (i32, i32) {
    %c0_i32 = arith.constant 0 : i32
    %c0_i32_0 = arith.constant 0 : i32
    return %arg0, %c0_i32 : i32, i32
  }
}

module attributes {stable_mosaic.version = 14 : i64} {
  func.func @body(%arg0: i32, %arg1: memref<2x1280x128xf32, #tpu.memory_space<vmem>>, %arg2: memref<1280x128xf32, #tpu.memory_space<vmem>>, %arg3: memref<2x1280x1xf32, #tpu.memory_space<vmem>>, %arg4: memref<1x128xf32, #tpu.memory_space<vmem>>, %arg5: memref<1280x128xf32, #tpu.memory_space<vmem>>) attributes {dimension_semantics = [#tpu.dimension_semantics<arbitrary>], iteration_bounds = array<i64: 8>, scalar_prefetch = 0 : i64, scratch_operands = 0 : i64, tpu.core_type = #tpu.core_type<tc>, window_params = [{transform_indices = @transform_0, window_bounds = array<i64: 2, 1280, 128>}, {transform_indices = @transform_1, window_bounds = array<i64: 1280, 128>}, {transform_indices = @transform_2, window_bounds = array<i64: 2, 1280, 1>}, {pipeline_mode = #tpu.pipeline_mode<synchronous>, transform_indices = @transform_3, window_bounds = array<i64: 1, 128>}, {transform_indices = @transform_4, window_bounds = array<i64: 1280, 128>}]} {
    %get3A = arith.constant 0 : index
    %get3A_0 = arith.constant 0 : index
    %get3A_1 = arith.constant 0 : index
    %get3A_2 = vector.load %arg1[%get3A, %get3A_0, %get3A_1] : memref<2x1280x128xf32, #tpu.memory_space<vmem>>, vector<1x1280x128xf32>
    %get3A_3 = vector.shape_cast %get3A_2 : vector<1x1280x128xf32> to vector<1280x128xf32>
    %get3A_4 = arith.constant 1 : index
    %get3A_5 = arith.constant 0 : index
    %get3A_6 = arith.constant 0 : index
    %get3A_7 = vector.load %arg1[%get3A_4, %get3A_5, %get3A_6] : memref<2x1280x128xf32, #tpu.memory_space<vmem>>, vector<1x1280x128xf32>
    %get3A_8 = vector.shape_cast %get3A_7 : vector<1x1280x128xf32> to vector<1280x128xf32>
    %add3A = arith.addf %get3A_3, %get3A_8 : vector<1280x128xf32>
    %get3A_9 = arith.constant 0 : index
    %get3A_10 = arith.constant 0 : index
    %get3A_11 = vector.load %arg2[%get3A_9, %get3A_10] : memref<1280x128xf32, #tpu.memory_space<vmem>>, vector<1280x128xf32>
    %add3A_12 = arith.addf %add3A, %get3A_11 : vector<1280x128xf32>
    %get3A_13 = arith.constant 0 : index
    %get3A_14 = arith.constant 0 : index
    %get3A_15 = arith.constant 0 : index
    %get3A_16 = vector.load %arg3[%get3A_13, %get3A_14, %get3A_15] : memref<2x1280x1xf32, #tpu.memory_space<vmem>>, vector<1x1280x1xf32>
    %get3A_17 = vector.shape_cast %get3A_16 : vector<1x1280x1xf32> to vector<1280x1xf32>
    %get3A_18 = arith.constant 1 : index
    %get3A_19 = arith.constant 0 : index
    %get3A_20 = arith.constant 0 : index
    %get3A_21 = vector.load %arg3[%get3A_18, %get3A_19, %get3A_20] : memref<2x1280x1xf32, #tpu.memory_space<vmem>>, vector<1x1280x1xf32>
    %get3A_22 = vector.shape_cast %get3A_21 : vector<1x1280x1xf32> to vector<1280x1xf32>
    %add3A_23 = arith.addf %get3A_17, %get3A_22 : vector<1280x1xf32>
    %add3A_24 = arith.constant 1.000000e+00 : f32
    %add3A_25 = vector.broadcast %add3A_24 : f32 to vector<1280x1xf32>
    %add3A_26 = arith.addf %add3A_23, %add3A_25 : vector<1280x1xf32>
    %rsqrt3A = math.rsqrt %add3A_26 : vector<1280x1xf32>
    %mul3A = vector.broadcast %rsqrt3A : vector<1280x1xf32> to vector<1280x128xf32>
    %mul3A_27 = arith.mulf %add3A_12, %mul3A : vector<1280x128xf32>
    %get3A_28 = arith.constant 0 : index
    %get3A_29 = arith.constant 0 : index
    %get3A_30 = vector.load %arg4[%get3A_28, %get3A_29] : memref<1x128xf32, #tpu.memory_space<vmem>>, vector<1x128xf32>
    %add3A_31 = vector.broadcast %get3A_30 : vector<1x128xf32> to vector<1280x128xf32>
    %add3A_32 = arith.addf %mul3A_27, %add3A_31 : vector<1280x128xf32>
    %mul3A_33 = arith.constant 5.000000e-01 : f32
    %mul3A_34 = vector.broadcast %mul3A_33 : f32 to vector<1280x128xf32>
    %mul3A_35 = arith.mulf %mul3A_34, %add3A_32 : vector<1280x128xf32>
    %mul3A_36 = arith.constant 0.707106769 : f32
    %mul3A_37 = vector.broadcast %mul3A_36 : f32 to vector<1280x128xf32>
    %mul3A_38 = arith.mulf %add3A_32, %mul3A_37 : vector<1280x128xf32>
    %erf3A = math.erf %mul3A_38 : vector<1280x128xf32>
    %add3A_39 = arith.constant 1.000000e+00 : f32
    %add3A_40 = vector.broadcast %add3A_39 : f32 to vector<1280x128xf32>
    %add3A_41 = arith.addf %add3A_40, %erf3A : vector<1280x128xf32>
    %mul3A_42 = arith.mulf %mul3A_35, %add3A_41 : vector<1280x128xf32>
    %swap3A = arith.constant 0 : index
    %swap3A_43 = arith.constant 0 : index
    %swap3A_44 = vector.load %arg5[%swap3A, %swap3A_43] : memref<1280x128xf32, #tpu.memory_space<vmem>>, vector<1280x128xf32>
    tpu.vector_store %arg5[%swap3A, %swap3A_43], %mul3A_42 {strides = array<i32>} : memref<1280x128xf32, #tpu.memory_space<vmem>>, vector<1280x128xf32>,
    return
  }
  func.func @transform_0(%arg0: i32) -> (i32, i32, i32) {
    %c0_i32 = arith.constant 0 : i32
    %c0_i32_0 = arith.constant 0 : i32
    %c0_i32_1 = arith.constant 0 : i32
    return %c0_i32, %arg0, %c0_i32_0 : i32, i32, i32
  }
  func.func @transform_1(%arg0: i32) -> (i32, i32) {
    %c0_i32 = arith.constant 0 : i32
    %c0_i32_0 = arith.constant 0 : i32
    return %arg0, %c0_i32 : i32, i32
  }
  func.func @transform_2(%arg0: i32) -> (i32, i32, i32) {
    %c0_i32 = arith.constant 0 : i32
    %c0_i32_0 = arith.constant 0 : i32
    %c0_i32_1 = arith.constant 0 : i32
    return %c0_i32, %arg0, %c0_i32_0 : i32, i32, i32
  }
  func.func @transform_3(%arg0: i32) -> (i32, i32) {
    %c0_i32 = arith.constant 0 : i32
    %c0_i32_0 = arith.constant 0 : i32
    %c0_i32_1 = arith.constant 0 : i32
    return %c0_i32, %c0_i32_0 : i32, i32
  }
  func.func @transform_4(%arg0: i32) -> (i32, i32) {
    %c0_i32 = arith.constant 0 : i32
    %c0_i32_0 = arith.constant 0 : i32
    return %arg0, %c0_i32 : i32, i32
  }
}

</mosaic_0001>

<sc_bundles>
// kernel: kernel.11.cloned.1.call-start
scs
__scs_entry_jumppad:
0x0: {  	(pc) =	sbr.rel $0x88, $3  }
0x1: {  	(tag) =	ssettag $0x0;
	lr =	simm.s32 $0x1  }
0x2: {  	[smem:$0x3F9B] =	sst lr;
	_ =	strace $0xD0000000  }
0x3: {  	_ = 	snop  }
0x4: {  	_ = 	snop  }
0x5: {  	_ = 	snop  }
0x6: {  	_ = 	snop  }
0x7: {  	_ = 	snop  }
__scs_overlays_trampoline_lowered:
0x8: {  	[smem:$0x3FAA] =	sst s0  }
0x9: {  	[smem:$0x3FAB] =	sst s1  }
0xa: {  	[smem:$0x3FAC] =	sst s2  }
0xb: {  	[smem:$0x3FAD] =	sst s3  }
0xc: {  	[smem:$0x3FAE] =	sst s4  }
0xd: {  	[smem:$0x3FAF] =	sst s5  }
0xe: {  	[smem:$0x3FB0] =	sst s6  }
0xf: {  	[smem:$0x3FB1] =	sst s7  }
0x10: {  	[smem:$0x3FB2] =	sst s8  }
0x11: {  	[smem:$0x3FB3] =	sst s9;
	s0 =	simm.s32 @!p0 $0x0  }
0x12: {  	s1 =	sld [smem:$0x3F99];
	s0 =	simm.s32 @p0 $0x1  }
0x13: {  	[smem:$0x3FB4] =	sst s0;
	s0 =	simm.s32 @!p1 $0x0  }
0x14: {  	s2 =	sld [smem:$0x3F98];
	s0 =	simm.s32 @p1 $0x1  }
0x15: {  	[smem:$0x3FB5] =	sst s0;
	s0 =	simm.s32 @!p2 $0x0  }
0x16: {  	s3 =	sld [smem:$0x3FDB];
	s0 =	simm.s32 @p2 $0x1  }
0x17: {  	s4 =	simm.s32 $0x1BF5;
	[smem:$0x3FB7] =	sst s0  }
0x18: {  	s0 =	sld [smem:$0x3F9A];
	_ =	swait.ge [sflag:s4], $0x0  }
0x19: {  	s7 =	sld [smem:$0x3F9B]  }
0x1a: {  	s8 =	sadd.s32 $0xFFFFE003, lr  }
0x1b: {  	s9 =	sadd.s32 $0xFFFFFEF7, lr;
	s5 =	simm.s32 $0xFFFFFFFF;
	p2 =	slt.u32 s8, $0xFFFFF086  }
0x1c: {  	p1 =	slt.u32 s9, $0xF7A;
	s5 =	simm.s32 @!p2 $0x0  }
0x1d: {  	s5 =	simm.s32 @p1 $0x1;
	p0 =	seq.s32 s7, s2  }
0x1e: {  	s7 =	smul.u32 @!p0 $0xF7A, s2;
	p2 =	seq.s32 @!p0 s5, $0x0  }
0x1f: {  	s9 =	smul.u32 $0xF7A, s1;
	s8 =	simm.s32 @!p0 $0x1BF5;
	p2 =	por !p2, p0  }
0x20: {  	[sflag:s8] =	ssyncset.s32 @!p0 $0xFFFFF086;
	s6 =	sadd.s32 @!p0 s3, s7;
	s7 =	simm.s32 @!p0 $0x108  }
0x21: {  	s3 =	sadd.s32 s3, s9;
	s6 =	sadd.s32 @!p0 $0x88, s6;
	s7 =	simm.s32 @p2 $0x1082  }
0x22: {  	[simem:s7], [sflag:s8] =	dma.local @!p0 [hbm:s6], $0xF7A  }
0x23: {  	s9 =	sor.u32 $0xD0000000, s2;
	s6 =	simm.s32 $0x108;
	_ =	swait.ge @!p0 [sflag:s8], $0x0  }
0x24: {  	s3 =	sadd.s32 $0x88, s3;
	s6 =	simm.s32 @!p1 $0x1082;
	[sflag:s4] =	ssyncset.s32 $0xFFFFF086  }
0x25: {  	[simem:s6], [sflag:s4] =	dma.local [hbm:s3], $0xF7A  }
0x26: {  	[smem:$0x3F9B] =	sst s1;
	(tag) =	ssettag s2;
	_ =	strace s9  }
0x27: {  	s1 =	sld [smem:$0x3FAB]  }
0x28: {  	s2 =	sld [smem:$0x3FAC]  }
0x29: {  	s4 =	sld [smem:$0x3FAE]  }
0x2a: {  	p0 =	seq.s32 s5, $0x0;
	s5 =	sld [smem:$0x3FAF]  }
0x2b: {  	s6 =	sld [smem:$0x3FB0]  }
0x2c: {  	s7 =	sld [smem:$0x3FB1]  }
0x2d: {  	s3 =	simm.s32 $0x108;
	s8 =	sld [smem:$0x3FB2]  }
0x2e: {  	s3 =	simm.s32 @!p0 $0x1082;
	s9 =	sld [smem:$0x3FB3]  }
0x2f: {  	lr =	sadd.s32 s0, s3;
	s0 =	sld [smem:$0x3FAA]  }
0x30: {  	s3 =	sld [smem:$0x3FAD]  }
0x31: {  	[smem:$0x3FB6] =	sst s10  }
0x32: {  	s10 =	sld [smem:$0x3FB4];
	_ =	sdelay $0x3  }
0x33: {  	p0 =	seq.s32 s10, $0x1;
	s10 =	sld [smem:$0x3FB6];
	_ =	sdelay $0x3  }
0x34: {  	[smem:$0x3FB6] =	sst s10  }
0x35: {  	s10 =	sld [smem:$0x3FB5];
	_ =	sdelay $0x3  }
0x36: {  	p1 =	seq.s32 s10, $0x1;
	s10 =	sld [smem:$0x3FB6];
	_ =	sdelay $0x3  }
0x37: {  	[smem:$0x3FB6] =	sst s10  }
0x38: {  	s10 =	sld [smem:$0x3FB7]  }
0x39: {  	_ = 	snop;
	(pc) =	sbr.ind lr, $3  }
0x3a: {  	_ = 	snop  }
0x3b: {  	_ = 	snop  }
0x3c: {  	p2 =	seq.s32 s10, $0x1;
	s10 =	sld [smem:$0x3FB6]  }
0x3d: {  	_ =	shalt  }
0x3e: {  	_ =	shalt  }
0x3f: {  	_ =	shalt  }
0x40: {  	_ =	shalt  }
0x41: {  	_ =	shalt  }
0x42: {  	_ =	shalt  }
0x43: {  	_ =	shalt  }
0x44: {  	_ =	shalt  }
0x45: {  	_ =	shalt  }
0x46: {  	_ =	shalt  }
0x47: {  	_ =	shalt  }
0x48: {  	_ =	shalt  }
0x49: {  	_ =	shalt  }
0x4a: {  	_ =	shalt  }
0x4b: {  	_ =	shalt  }
0x4c: {  	_ =	shalt  }
0x4d: {  	_ =	shalt  }
0x4e: {  	_ =	shalt  }
0x4f: {  	_ =	shalt  }
0x50: {  	_ =	shalt  }
0x51: {  	_ =	shalt  }
0x52: {  	_ =	shalt  }
0x53: {  	_ =	shalt  }
0x54: {  	_ =	shalt  }
0x55: {  	_ =	shalt  }
0x56: {  	_ =	shalt  }
0x57: {  	_ =	shalt  }
0x58: {  	_ =	shalt  }
0x59: {  	_ =	shalt  }
0x5a: {  	_ =	shalt  }
0x5b: {  	_ =	shalt  }
0x5c: {  	_ =	shalt  }
0x5d: {  	_ =	shalt  }
0x5e: {  	_ =	shalt  }
0x5f: {  	_ =	shalt  }
0x60: {  	_ =	shalt  }
0x61: {  	_ =	shalt  }
0x62: {  	_ =	shalt  }
0x63: {  	_ =	shalt  }
0x64: {  	_ =	shalt  }
0x65: {  	_ =	shalt  }
0x66: {  	_ =	shalt  }
0x67: {  	_ =	shalt  }
0x68: {  	_ =	shalt  }
0x69: {  	_ =	shalt  }
0x6a: {  	_ =	shalt  }
0x6b: {  	_ =	shalt  }
0x6c: {  	_ =	shalt  }
0x6d: {  	_ =	shalt  }
0x6e: {  	_ =	shalt  }
0x6f: {  	_ =	shalt  }
0x70: {  	_ =	shalt  }
0x71: {  	_ =	shalt  }
0x72: {  	_ =	shalt  }
0x73: {  	_ =	shalt  }
0x74: {  	_ =	shalt  }
0x75: {  	_ =	shalt  }
0x76: {  	_ =	shalt  }
0x77: {  	_ =	shalt  }
0x78: {  	_ =	shalt  }
0x79: {  	_ =	shalt  }
0x7a: {  	_ =	shalt  }
0x7b: {  	_ =	shalt  }
0x7c: {  	_ =	shalt  }
0x7d: {  	_ =	shalt  }
0x7e: {  	_ =	shalt  }
0x7f: {  	_ =	shalt  }
0x80: {  	_ =	shalt  }
0x81: {  	_ =	shalt  }
0x82: {  	_ =	shalt  }
0x83: {  	_ =	shalt  }
0x84: {  	_ =	shalt  }
0x85: {  	_ =	shalt  }
0x86: {  	_ =	shalt  }
0x87: {  	_ =	shalt  }
.Lfunc_end0:
.L_simem_size_0:
called_computation.1_lowered:
.L_overlay_start_0:
0x88: {  	s2 =	sld [smem:$0x3FD9]  }
0x89: {  	s3 =	sld [smem:$0x3FFE];
	_ =	sdelay $0x1  }
0x8a: {  	s1 =	srdreg.scid  }
0x8b: {  	s0 =	sand.u32 $0x1, s1  }
0x8c: {  	s16 =	sshll.u32 s0, $0xA;
	s2 =	sadd.s32 s3, s2  }
0x8d: {  	s2 =	sadd.s32 s2, s16  }
0x8e: {  	[smem:$0x3FC2] =	sst s2  }
0x8f: {  	_ = 	snop  }
0x90: {  	(tm) =	ssettm $0x1  }
0x91: {  	s17 =	sld [smem:$0x3FFB];
	_ =	sdelay $0x3  }
0x92: {  	_ =	strace s17  }
0x93: {  	s2 =	sld [smem:$0x3FFC];
	_ =	sdelay $0x3  }
0x94: {  	_ =	strace s2  }
0x95: {  	s2 =	sld [smem:$0x3FFD];
	_ =	sdelay $0x3  }
0x96: {  	_ =	strace s2  }
0x97: {  	_ =	strace $0x8FFFFFFF  }
0x98: {  	s18 =	sld [smem:$0x3FDB];
	_ =	sdelay $0x1  }
0x99: {  	s19 =	simm.s32 $_scs_section_size  }
0x9a: {  	s4 =	simm.s32 $_size__tile_overlayer_lowered;
	s5 =	simm.s32 $_tile_overlayer_lowered  }
0x9b: {  	s22 =	simm.s32 $0x1BFF;
	s21 =	sshll.u32 s5, $0x1;
	s2 =	sadd.s32 s19, s18  }
0x9c: {  	s6 =	simm.s32 $0x0;
	s20 =	sshll.u32 s4, $0x1;
	s4 =	sadd.s32 s21, s2  }
0x9d: {  	[timem:s6], [sflag:s22] =	dma.local [hbm:s4], s20  }
0x9e: {  	_ =	swait.ge [sflag:s22], s20  }
0x9f: {  	s3 =	ssub.s32 $0x0, s20;
	[sflag:s22] =	ssyncset.done $0x0  }
0xa0: {  	[sflag:s22] =	ssyncadd.s32 s3;
	_ =	sdelay $0x1  }
0xa1: {  	s23 =	simm.s32 $0x1B8B  }
0xa2: {  	_ =	swait.ge [sflag:s23], $0x1  }
0xa3: {  	[sflag:s23] =	ssyncset.done $0x0  }
0xa4: {  	s25 =	simm.s32 $0x1B8E;
	s24 =	sld [smem:$0x3FFE];
	[sflag:s23] =	ssyncadd.s32 $0xFFFFFFFF  }
0xa5: {  	s26 =	simm.s32 $execute0_lowered;
	[smem:$0x3FD2] =	sst s25  }
0xa6: {  	s4 =	sshll.u32 s26, $0x1;
	_ =	strace $0x80000049;
	[dreg:$0x1] =	wrdreg $0xFFFFFFFF  }
0xa7: {  	s28 =	simm.s32 $_size_execute0_lowered;
	s2 =	sadd.s32 s2, s4;
	[dreg:$0x0] =	wrdreg $0x0  }
0xa8: {  	s4 =	sshll.u32 s28, $0x1;
	[dreg:$0x2] =	wrdreg s2  }
0xa9: {  	[dreg:$0x3] =	wrdreg s4  }
0xaa: {  	[dreg:$0x4] =	wrdreg $0xC0  }
0xab: {  	_ =	task [dreg:s6], $0x5FFFF  }
0xac: {  	[dreg:$0x1] =	wrdreg $0xFFFFFFFF  }
0xad: {  	[dreg:$0x0] =	wrdreg $0x60  }
0xae: {  	[dreg:$0x2] =	wrdreg s24  }
0xaf: {  	[dreg:$0x3] =	wrdreg $0xA9000  }
0xb0: {  	[dreg:$0x4] =	wrdreg $0x9  }
0xb1: {  	_ =	task.clear_ibuf [dreg:s6], $0x5FFFF;
	_ =	strace $0x90000049  }
0xb2: {  	s29 =	simm.s32 $0x9;
	_ =	strace $0x8000004B  }
0xb3: {  	_ =	swait.ge [sflag:s29], $0x1  }
0xb4: {  	[sflag:s29] =	ssyncadd.s32 $0xFFFFFFFF  }
0xb5: {  	_ =	strace $0x9000004B  }
0xb6: {  	_ =	sfence  }
0xb7: {  	s30 =	sld [smem:$0x0];
	_ =	sdelay $0x2  }
0xb8: {  	s31 =	sshll.u32 s1, $0xD;
	s1 =	sshrl.u32 s1, $0x2  }
0xb9: {  	s3 =	sand.u32 $0x4000, s31;
	s1 =	sadd.s32 s1, s30  }
0xba: {  	s0 =	sor.u32 s3, s0;
	s1 =	sshll.u32 s1, $0x11  }
0xbb: {  	s0 =	sor.u32 s1, s0  }
0xbc: {  	s0 =	sadd.s32 $0x8F2B, s0  }
0xbd: {  	[sflag:s0] =	ssyncadd.remote.s32 $0x1  }
0xbe: {  	_ =	sfence.sel $0xFFFF  }
0xbf: {  	[dreg:$0x0] =	wrdreg $0xFFFFFFFF;
	(pc) =	sbr.abs _section_cstart, $3  }
0xc0: {  	[dreg:$0x1] =	wrdreg $0xFFFFFFFF  }
0xc1: {  	_ =	task.clear_ibuf [dreg:s6], $0x2FFFF;
	_ =	strace $0x9FFFFFFF  }
0xc2: {  	(tm) =	ssettm $0x7FFFFFFF  }
0xc3: {  	_ =	shalt  }
tec
execute0_lowered:
.L_overlay_start_1:
0x0: {  	(tag) =	ssettag $0x1  }
0x1: {  	s1 =	rddreg [dreg:$0x0]  }
0x2: {  	s0 =	srdreg.scid;
	s2 =	rddreg [dreg:$0x1]  }
0x3: {  	s21 =	stileid.u32;
	s3 =	simm.s32 $0x0;
	s28 =	simm.s32 $0x80  }
0x4: {  	s29 =	simm.s32 $0x6900;
	s30 =	simm.s32 $0x3;
	s31 =	simm.s32 $0x2  }
0x5: {  	s0 =	sand.u32 $0x1, s0;
	[smem:$0x7FF] =	sst s3;
	s8 =	smul.u32 $0x50000, s21  }
0x6: {  	s12 =	sadd.s32 $0x2400, s1;
	s11 =	smul.u32 $0x14000, s21;
	s4 =	sshll.u32 s0, $0x4  }
0x7: {  	_ =	strace $0x8000004A;
	s7 =	ssub.s32 $0x2, s0;
	s18 =	smul.u32 $0x140000, s0  }
0x8: {  	s0 =	smul.u32 $0x4F0, s0;
	s5 =	sor.u32 s21, s4;
	s4 =	sadd.s32 $0x66C00, s1  }
0x9: {  	s9 =	sshrl.u32 s7, $0x1;
	s24 =	sshrl.u32 s8, $0x2;
	s14 =	sadd.s32 $0x4000, s11  }
0xa: {  	s15 =	sadd.s32 $0x8000, s11;
	s17 =	sadd.s32 $0xC000, s11;
	s19 =	sadd.s32 $0x10000, s11  }
0xb: {  	s6 =	smul.u32 $0x500, s5;
	s13 =	ssub.s32 s7, s9;
	s7 =	sadd.s32 s14, s2  }
0xc: {  	s16 =	smul.u32 $0x2780, s5;
	s8 =	sadd.s32 s15, s2;
	s9 =	sadd.s32 s17, s2  }
0xd: {  	s5 =	smul.u32 $0x4F0, s5;
	s10 =	sadd.s32 s19, s2;
	s20 =	sadd.s32 s11, s18  }
0xe: {  	s22 =	sadd.s32 s18, s14;
	s15 =	sadd.s32 s18, s15;
	s26 =	sshrl.u32 s20, $0x3  }
0xf: {  	s23 =	sshrl.u32 s15, $0x3;
	s6 =	sadd.s32 s6, s1;
	s1 =	sadd.s32 $0x8EC00, s1  }
0x10: {  	s16 =	sshrl.u32 s16, $0x3;
	s11 =	sadd.s32 s12, s5;
	s6 =	sadd.s32 $0xCC00, s6  }
0x11: {  	s25 =	sadd.s32 s12, s16;
	s20 =	sadd.s32 s1, s26;
	s15 =	sadd.s32 s1, s23  }
0x12: {  	s26 =	sadd.s32 s18, s19;
	s14 =	smov.u32 s11;
	s19 =	sadd.s32 $0x4E0, s11  }
0x13: {  	s23 =	simm.s32 $0x5;
	[dreg:$0x3] =	wrdreg s6;
	s6 =	sadd.s32 s24, s2  }
0x14: {  	s5 =	sadd.s32 $0x10, s25;
	[dreg:$0x5] =	wrdreg s20;
	s24 =	smul.u32 $0x4F, s21  }
0x15: {  	s25 =	sadd.s32 s18, s17;
	s17 =	sshrl.u32 s26, $0x3;
	s18 =	smax.u32 s13, $0x1  }
0x16: {  	s26 =	simm.s32 $0x2880;
	[dreg:$0x4] =	wrdreg s5;
	s5 =	sshrl.u32 s22, $0x3  }
0x17: {  	s17 =	sadd.s32 s1, s17;
	s22 =	simm.s32 $0x2900;
	s5 =	sadd.s32 s1, s5  }
0x18: {  	s0 =	sadd.s32 s24, s0;
	s24 =	simm.s32 $0x1;
	[dreg:$0x6] =	wrdreg s5  }
0x19: {  	s5 =	sshrl.u32 s25, $0x3;
	s0 =	sshll.u32 s0, $0x4;
	s25 =	simm.s32 $0x2800  }
0x1a: {  	s16 =	sadd.s32 s1, s5;
	s0 =	sadd.s32 s0, s12;
	s1 =	simm.s32 $0x0  }
0x1b: {  	v0 =	vimm.f32 $0.0e+00;
	s20 =	sadd.s32 $0x30, s0;
	s21 =	sadd.s32 $0x20, s0;
	s0 =	simm.s32 $0x4  }
.LBB2_1:
0x1c: {  	s5 =	rddreg [dreg:$0x3]  }
0x1d: {  	[tilespmem:s3], [sflag:$0x1] =	stream.linear.gather [hbm4b:s5+s3], $0x2780, $0x38;
	[tilespmem:$0x1E900] =	vst v63  }
0x1e: {  	s12 =	simm.s32 $0x200;
	s5 =	simm.s32 $0x0  }
.LBB2_2:
0x1f: {  	p0 =	sne.s32 s12, $0xFE00;
	[tilespmem:s5+$0x2970] =	vst v0  }
0x20: {  	[tilespmem:s5+$0x2900] =	vst v0  }
0x21: {  	[tilespmem:s5+$0x2910] =	vst v0  }
.Ltmp0:
0x22: {  	[tilespmem:s5+$0x2920] =	vst v0;
	(pc) =	sbr.rel @p0 .LBB2_2-.Ltmp0, $4  }
0x23: {  	[tilespmem:s5+$0x2930] =	vst v0  }
0x24: {  	[tilespmem:s5+$0x2940] =	vst v0  }
0x25: {  	[tilespmem:s5+$0x2950] =	vst v0  }
0x26: {  	[tilespmem:s5+$0x2960] =	vst v0;
	s5 =	sshra.s32 s12, $0x2;
	s12 =	sadd.s32 $0x200, s12  }
0x27: {  	[tilespmem:s5+$0x2970] =	vst v0  }
0x28: {  	[tilespmem:s5+$0x2900] =	vst v0  }
0x29: {  	[tilespmem:s5+$0x2910] =	vst v0  }
0x2a: {  	[tilespmem:s5+$0x2920] =	vst v0  }
0x2b: {  	[tilespmem:s5+$0x2930] =	vst v0  }
0x2c: {  	[tilespmem:s5+$0x2940] =	vst v0  }
0x2d: {  	[tilespmem:s5+$0x2950] =	vst v0  }
0x2e: {  	[tilespmem:s5+$0x2960] =	vst v0  }
0x2f: {  	[spmem:s6] =	stream.linear.scatter [tilespmem:s22], [sflag:$0x5], $0x4000, $0x38;
	[tilespmem:$0x1E900] =	vst v63  }
0x30: {  	_ =	swait.ge [sflag:s23], $0x4000  }
0x31: {  	[sflag:s23] =	ssyncset.done $0x0  }
0x32: {  	[sflag:s23] =	ssyncadd.s32 $0xFFFFC000  }
0x33: {  	[spmem:s7] =	stream.linear.scatter [tilespmem:s22], [sflag:$0x5], $0x4000, $0x38;
	[tilespmem:$0x1E900] =	vst v63  }
0x34: {  	_ =	swait.ge [sflag:s23], $0x4000  }
0x35: {  	[sflag:s23] =	ssyncset.done $0x0  }
0x36: {  	[sflag:s23] =	ssyncadd.s32 $0xFFFFC000  }
0x37: {  	[spmem:s8] =	stream.linear.scatter [tilespmem:s22], [sflag:$0x5], $0x4000, $0x38;
	[tilespmem:$0x1E900] =	vst v63  }
0x38: {  	_ =	swait.ge [sflag:s23], $0x4000  }
0x39: {  	[sflag:s23] =	ssyncset.done $0x0  }
0x3a: {  	[sflag:s23] =	ssyncadd.s32 $0xFFFFC000  }
0x3b: {  	[spmem:s9] =	stream.linear.scatter [tilespmem:s22], [sflag:$0x5], $0x4000, $0x38;
	[tilespmem:$0x1E900] =	vst v63  }
0x3c: {  	_ =	swait.ge [sflag:s23], $0x4000  }
0x3d: {  	[sflag:s23] =	ssyncset.done $0x0  }
0x3e: {  	[sflag:s23] =	ssyncadd.s32 $0xFFFFC000  }
0x3f: {  	[spmem:s10] =	stream.linear.scatter [tilespmem:s22], [sflag:$0x5], $0x4000, $0x38;
	[tilespmem:$0x1E900] =	vst v63  }
0x40: {  	_ =	swait.ge [sflag:s23], $0x4000  }
0x41: {  	[sflag:s23] =	ssyncset.done $0x0  }
0x42: {  	[sflag:s23] =	ssyncadd.s32 $0xFFFFC000  }
0x43: {  	_ =	swait.ge [sflag:s24], $0x2780  }
0x44: {  	[sflag:s24] =	ssyncset.done $0x0  }
0x45: {  	[sflag:s24] =	ssyncadd.s32 $0xFFFFD880  }
0x46: {  	s13 =	simm.s32 $0x0;
	[bflag:$0x0] =	sbarrier.arrive $0xFFFF  }
0x47: {  	[tilespmem:s25], [sflag:$0x3] =	stream.linear.gather [hbm4b:s14+s13], $0x80, $0x38;
	[tilespmem:$0x1E900] =	vst v63  }
0x48: {  	s12 =	simm.s32 $0x80  }
0x49: {  	[tilespmem:s22], [sflag:$0x1] =	stream.indirect.gather [hbm4b:s4+s12], $0x80, s13, s12, $0xb8;
	[tilespmem:$0x1E900] =	vst v63  }
0x4a: {  	s11 =	rddreg [dreg:$0x4]  }
0x4b: {  	[tilespmem:s26], [sflag:$0x4] =	stream.linear.gather [hbm4b:s11+s13], $0x80, $0x38;
	[tilespmem:$0x1E900] =	vst v63  }
0x4c: {  	_ = 	snop  }
0x4d: {  	[tilespmem:s29], [sflag:$0x2] =	stream.indirect.gather [hbm4b:s4+s28], $0x80, s12, s28, $0xb8;
	[tilespmem:$0x1E900] =	vst v63  }
0x4e: {  	_ =	swait.ge [sflag:s24], $0x4000  }
0x4f: {  	[sflag:s24] =	ssyncset.done $0x0  }
0x50: {  	[sflag:s24] =	ssyncadd.s32 $0xFFFFC000  }
0x51: {  	_ =	swait.ge [sflag:s30], $0x80  }
0x52: {  	[sflag:s30] =	ssyncset.done $0x0  }
0x53: {  	[sflag:s30] =	ssyncadd.s32 $0xFFFFFF80  }
0x54: {  	[spmem:s2] =	stream.indirect.scatter.add.f32 [tilespmem:s22], [sflag:$0x5], $0x80, s25, s28, $0xb8;
	[tilespmem:$0x1E900] =	vst v63  }
0x55: {  	_ =	swait.ge [sflag:s23], $0x4000  }
0x56: {  	[sflag:s23] =	ssyncset.done $0x0  }
0x57: {  	s12 =	simm.s32 $0x100;
	[sflag:s23] =	ssyncadd.s32 $0xFFFFC000  }
0x58: {  	[tilespmem:s22], [sflag:$0x1] =	stream.indirect.gather [hbm4b:s4+s28], $0x80, s12, s28, $0xb8;
	[tilespmem:$0x1E900] =	vst v63  }
0x59: {  	s13 =	sadd.s32 $0x0, s21  }
0x5a: {  	[tilespmem:s25], [sflag:$0x3] =	stream.linear.gather [hbm4b:s13+s3], $0x80, $0x38;
	[tilespmem:$0x1E900] =	vst v63  }
0x5b: {  	_ =	swait.ge [sflag:s31], $0x4000  }
0x5c: {  	[sflag:s31] =	ssyncset.done $0x0  }
0x5d: {  	[sflag:s31] =	ssyncadd.s32 $0xFFFFC000  }
0x5e: {  	_ =	swait.ge [sflag:s0], $0x80  }
0x5f: {  	[sflag:s0] =	ssyncset.done $0x0  }
0x60: {  	[sflag:s0] =	ssyncadd.s32 $0xFFFFFF80  }
0x61: {  	[spmem:s2] =	stream.indirect.scatter.add.f32 [tilespmem:s29], [sflag:$0x5], $0x80, s26, s28, $0xb8;
	[tilespmem:$0x1E900] =	vst v63  }
0x62: {  	_ =	swait.ge [sflag:s23], $0x4000  }
0x63: {  	s5 =	simm.s32 $0x20;
	[sflag:s23] =	ssyncset.done $0x0  }
0x64: {  	s12 =	simm.s32 $0x180;
	s13 =	sadd.s32 $0x0, s20;
	[sflag:s23] =	ssyncadd.s32 $0xFFFFC000  }
.LBB2_4:
0x65: {  	[tilespmem:s26], [sflag:$0x4] =	stream.linear.gather [hbm4b:s13+s3], $0x80, $0x38;
	[tilespmem:$0x1E900] =	vst v63  }
0x66: {  	p0 =	sne.s32 s5, $0x4A0;
	s13 =	smov.u32 s5;
	s5 =	sadd.s32 $0x20, s5  }
0x67: {  	[tilespmem:s29], [sflag:$0x2] =	stream.indirect.gather [hbm4b:s4+s28], $0x80, s12, s28, $0xb8;
	[tilespmem:$0x1E900] =	vst v63  }
0x68: {  	_ =	swait.ge [sflag:s24], $0x4000  }
0x69: {  	[sflag:s24] =	ssyncset.done $0x0  }
0x6a: {  	[sflag:s24] =	ssyncadd.s32 $0xFFFFC000  }
0x6b: {  	_ =	swait.ge [sflag:s30], $0x80  }
0x6c: {  	[sflag:s30] =	ssyncset.done $0x0  }
0x6d: {  	[sflag:s30] =	ssyncadd.s32 $0xFFFFFF80  }
0x6e: {  	[spmem:s2] =	stream.indirect.scatter.add.f32 [tilespmem:s22], [sflag:$0x5], $0x80, s25, s28, $0xb8;
	[tilespmem:$0x1E900] =	vst v63  }
0x6f: {  	_ =	swait.ge [sflag:s23], $0x4000  }
0x70: {  	[sflag:s23] =	ssyncset.done $0x0  }
0x71: {  	s11 =	sadd.s32 $0x80, s12;
	[sflag:s23] =	ssyncadd.s32 $0xFFFFC000  }
0x72: {  	[tilespmem:s22], [sflag:$0x1] =	stream.indirect.gather [hbm4b:s4+s28], $0x80, s11, s28, $0xb8;
	[tilespmem:$0x1E900] =	vst v63  }
0x73: {  	s11 =	sadd.s32 s13, s21  }
0x74: {  	[tilespmem:s25], [sflag:$0x3] =	stream.linear.gather [hbm4b:s11+s3], $0x80, $0x38;
	[tilespmem:$0x1E900] =	vst v63  }
0x75: {  	_ =	swait.ge [sflag:s31], $0x4000  }
0x76: {  	[sflag:s31] =	ssyncset.done $0x0  }
0x77: {  	[sflag:s31] =	ssyncadd.s32 $0xFFFFC000  }
0x78: {  	_ =	swait.ge [sflag:s0], $0x80  }
0x79: {  	[sflag:s0] =	ssyncset.done $0x0  }
.Ltmp1:
0x7a: {  	[sflag:s0] =	ssyncadd.s32 $0xFFFFFF80;
	(pc) =	sbr.rel @p0 .LBB2_4-.Ltmp1, $4  }
0x7b: {  	[spmem:s2] =	stream.indirect.scatter.add.f32 [tilespmem:s29], [sflag:$0x5], $0x80, s26, s28, $0xb8;
	[tilespmem:$0x1E900] =	vst v63  }
0x7c: {  	_ =	swait.ge [sflag:s23], $0x4000  }
0x7d: {  	[sflag:s23] =	ssyncset.done $0x0  }
0x7e: {  	s12 =	sadd.s32 $0x100, s12;
	s13 =	sadd.s32 s13, s20;
	[sflag:s23] =	ssyncadd.s32 $0xFFFFC000  }
0x7f: {  	[tilespmem:s26], [sflag:$0x4] =	stream.linear.gather [hbm4b:s13+s3], $0x80, $0x38;
	[tilespmem:$0x1E900] =	vst v63  }
0x80: {  	s5 =	simm.s32 $0x2680  }
0x81: {  	[tilespmem:s29], [sflag:$0x2] =	stream.indirect.gather [hbm4b:s4+s28], $0x80, s5, s28, $0xb8;
	[tilespmem:$0x1E900] =	vst v63  }
0x82: {  	_ =	swait.ge [sflag:s24], $0x4000  }
0x83: {  	[sflag:s24] =	ssyncset.done $0x0  }
0x84: {  	[sflag:s24] =	ssyncadd.s32 $0xFFFFC000  }
0x85: {  	_ =	swait.ge [sflag:s30], $0x80  }
0x86: {  	[sflag:s30] =	ssyncset.done $0x0  }
0x87: {  	[sflag:s30] =	ssyncadd.s32 $0xFFFFFF80  }
0x88: {  	[spmem:s2] =	stream.indirect.scatter.add.f32 [tilespmem:s22], [sflag:$0x5], $0x80, s25, s28, $0xb8;
	[tilespmem:$0x1E900] =	vst v63  }
0x89: {  	_ =	swait.ge [sflag:s23], $0x4000  }
0x8a: {  	[sflag:s23] =	ssyncset.done $0x0  }
0x8b: {  	s11 =	simm.s32 $0x2700;
	[sflag:s23] =	ssyncadd.s32 $0xFFFFC000  }
0x8c: {  	[tilespmem:s22], [sflag:$0x1] =	stream.indirect.gather [hbm4b:s4+s28], $0x80, s11, s28, $0xb8;
	[tilespmem:$0x1E900] =	vst v63  }
0x8d: {  	_ = 	snop  }
0x8e: {  	[tilespmem:s25], [sflag:$0x3] =	stream.linear.gather [hbm4b:s19+s3], $0x80, $0x38;
	[tilespmem:$0x1E900] =	vst v63  }
0x8f: {  	_ =	swait.ge [sflag:s31], $0x4000  }
0x90: {  	[sflag:s31] =	ssyncset.done $0x0  }
0x91: {  	[sflag:s31] =	ssyncadd.s32 $0xFFFFC000  }
0x92: {  	_ =	swait.ge [sflag:s0], $0x80  }
0x93: {  	[sflag:s0] =	ssyncset.done $0x0  }
0x94: {  	[sflag:s0] =	ssyncadd.s32 $0xFFFFFF80  }
0x95: {  	[spmem:s2] =	stream.indirect.scatter.add.f32 [tilespmem:s29], [sflag:$0x5], $0x80, s26, s28, $0xb8;
	[tilespmem:$0x1E900] =	vst v63  }
0x96: {  	_ =	swait.ge [sflag:s23], $0x4000  }
0x97: {  	[sflag:s23] =	ssyncset.done $0x0  }
0x98: {  	[sflag:s23] =	ssyncadd.s32 $0xFFFFC000  }
0x99: {  	_ =	swait.ge [sflag:s24], $0x4000  }
0x9a: {  	[sflag:s24] =	ssyncset.done $0x0  }
0x9b: {  	[sflag:s24] =	ssyncadd.s32 $0xFFFFC000  }
0x9c: {  	_ =	swait.ge [sflag:s30], $0x80  }
0x9d: {  	[sflag:s30] =	ssyncset.done $0x0  }
0x9e: {  	[sflag:s30] =	ssyncadd.s32 $0xFFFFFF80  }
0x9f: {  	[spmem:s2] =	stream.indirect.scatter.add.f32 [tilespmem:s22], [sflag:$0x5], $0x80, s25, s28, $0xb8;
	[tilespmem:$0x1E900] =	vst v63  }
0xa0: {  	_ =	swait.ge [sflag:s23], $0x4000  }
0xa1: {  	[sflag:s23] =	ssyncset.done $0x0  }
0xa2: {  	s12 =	stileid.u32;
	[sflag:s23] =	ssyncadd.s32 $0xFFFFC000  }
0xa3: {  	s5 =	sshll.u32 s12, $0x6;
	[bflag:$0x0] =	sbarrier.arrive $0xFFFF  }
0xa4: {  	s5 =	sor.u32 $0x1C01, s5;
	s11 =	sshrl.u32 s6, $0x3;
	s12 =	rddreg [dreg:$0x5]  }
0xa5: {  	[hbm:s12], [sflag:s5] =	dma.local [spmem:s11], $0x800  }
0xa6: {  	s13 =	sshrl.u32 s7, $0x3;
	s12 =	rddreg [dreg:$0x6]  }
0xa7: {  	[hbm:s12], [sflag:s5] =	dma.local [spmem:s13], $0x800  }
0xa8: {  	s13 =	sshrl.u32 s8, $0x3  }
0xa9: {  	[hbm:s15], [sflag:s5] =	dma.local [spmem:s13], $0x800  }
0xaa: {  	s12 =	sshrl.u32 s9, $0x3;
	s13 =	sshrl.u32 s10, $0x3  }
0xab: {  	[hbm:s16], [sflag:s5] =	dma.local [spmem:s12], $0x800  }
0xac: {  	[hbm:s17], [sflag:s5] =	dma.local [spmem:s13], $0x800  }
0xad: {  	_ =	swait.ge [sflag:s24], $0x800  }
0xae: {  	[sflag:s24] =	ssyncset.done $0x0  }
0xaf: {  	[sflag:s24] =	ssyncadd.s32 $0xFFFFF800  }
0xb0: {  	_ =	swait.ge [sflag:s24], $0x800  }
0xb1: {  	[sflag:s24] =	ssyncset.done $0x0  }
0xb2: {  	[sflag:s24] =	ssyncadd.s32 $0xFFFFF800  }
0xb3: {  	_ =	swait.ge [sflag:s24], $0x800  }
0xb4: {  	[sflag:s24] =	ssyncset.done $0x0  }
0xb5: {  	s1 =	sadd.s32 $0x1, s1;
	[sflag:s24] =	ssyncadd.s32 $0xFFFFF800  }
0xb6: {  	p0 =	sne.s32 s1, s18;
	_ =	swait.ge [sflag:s24], $0x800  }
.Ltmp2:
0xb7: {  	[sflag:s24] =	ssyncset.done $0x0;
	(pc) =	sbr.rel @p0 .LBB2_1-.Ltmp2, $4  }
0xb8: {  	[sflag:s24] =	ssyncadd.s32 $0xFFFFF800  }
0xb9: {  	_ =	swait.ge [sflag:s24], $0x800  }
0xba: {  	[sflag:s24] =	ssyncset.done $0x0  }
0xbb: {  	[sflag:s24] =	ssyncadd.s32 $0xFFFFF800  }
0xbc: {  	_ =	sfence.sel $0x180000  }
0xbd: {  	[bflag:$0x0] =	sbarrier.arrive $0xFFFF  }
0xbe: {  	_ =	strace $0x9000004A  }
0xbf: {  	s0 =	stileid.u32;
	[bflag:$0x2] =	sbarrier.arrive $0xFFFF  }
0xc0: {  	p0 =	sne.s32 s0, $0x0;
	s0 =	rddreg [dreg:$0x2]  }
0xc1: {  	s0 =	sadd.s32 @!p0 $0x100000, s0  }
0xc2: {  	[sflag:s0] =	ssyncadd.tile.s32 @!p0 $0x1;
	_ =	shalt  }
.Lfunc_end2:
_tile_overlayer_lowered:
.L_overlay_start_2:
0xc3: {  	(tag) =	ssettag $0x2  }
0xc4: {  	s0 =	rddreg [dreg:$0x0];
	s2 =	stileid.u32  }
0xc5: {  	s1 =	rddreg [dreg:$0x1];
	p0 =	sne.s32 s2, $0x0  }
0xc6: {  	s3 =	rddreg [dreg:$0x2];
	[bflag:$0x3] =	sbarrier.arrive $0xFFFF;
	s2 =	simm.s32 @!p0 $0x1C05  }
0xc7: {  	[timem:s3], [sflag:s2] =	dma.local @!p0 [hbm:s0], s1  }
0xc8: {  	s0 =	simm.s32 @!p0 $0x5  }
0xc9: {  	_ =	swait.ge @!p0 [sflag:s0], s1  }
0xca: {  	s1 =	ssub.s32 @!p0 $0x0, s1;
	[sflag:s0] =	ssyncset.done @!p0 $0x0  }
0xcb: {  	[sflag:s0] =	ssyncadd.s32 @!p0 s1  }
0xcc: {  	[bflag:$0x3] =	sbarrier.arrive $0xFFFF  }
0xcd: {  	_ =	shalt  }

// kernel: kernel.14.cloned.1.call-start
scs
__scs_entry_jumppad:
0x0: {  	(pc) =	sbr.rel $0x88, $3  }
0x1: {  	(tag) =	ssettag $0x0;
	lr =	simm.s32 $0x1  }
0x2: {  	[smem:$0x3F9B] =	sst lr;
	_ =	strace $0xD0000000  }
0x3: {  	_ = 	snop  }
0x4: {  	_ = 	snop  }
0x5: {  	_ = 	snop  }
0x6: {  	_ = 	snop  }
0x7: {  	_ = 	snop  }
__scs_overlays_trampoline_lowered:
0x8: {  	[smem:$0x3FAA] =	sst s0  }
0x9: {  	[smem:$0x3FAB] =	sst s1  }
0xa: {  	[smem:$0x3FAC] =	sst s2  }
0xb: {  	[smem:$0x3FAD] =	sst s3  }
0xc: {  	[smem:$0x3FAE] =	sst s4  }
0xd: {  	[smem:$0x3FAF] =	sst s5  }
0xe: {  	[smem:$0x3FB0] =	sst s6  }
0xf: {  	[smem:$0x3FB1] =	sst s7  }
0x10: {  	[smem:$0x3FB2] =	sst s8  }
0x11: {  	[smem:$0x3FB3] =	sst s9;
	s0 =	simm.s32 @!p0 $0x0  }
0x12: {  	s1 =	sld [smem:$0x3F99];
	s0 =	simm.s32 @p0 $0x1  }
0x13: {  	[smem:$0x3FB4] =	sst s0;
	s0 =	simm.s32 @!p1 $0x0  }
0x14: {  	s2 =	sld [smem:$0x3F98];
	s0 =	simm.s32 @p1 $0x1  }
0x15: {  	[smem:$0x3FB5] =	sst s0;
	s0 =	simm.s32 @!p2 $0x0  }
0x16: {  	s3 =	sld [smem:$0x3FDB];
	s0 =	simm.s32 @p2 $0x1  }
0x17: {  	s4 =	simm.s32 $0x1BF5;
	[smem:$0x3FB7] =	sst s0  }
0x18: {  	s0 =	sld [smem:$0x3F9A];
	_ =	swait.ge [sflag:s4], $0x0  }
0x19: {  	s7 =	sld [smem:$0x3F9B]  }
0x1a: {  	s8 =	sadd.s32 $0xFFFFE003, lr  }
0x1b: {  	s9 =	sadd.s32 $0xFFFFFEF7, lr;
	s5 =	simm.s32 $0xFFFFFFFF;
	p2 =	slt.u32 s8, $0xFFFFF086  }
0x1c: {  	p1 =	slt.u32 s9, $0xF7A;
	s5 =	simm.s32 @!p2 $0x0  }
0x1d: {  	s5 =	simm.s32 @p1 $0x1;
	p0 =	seq.s32 s7, s2  }
0x1e: {  	s7 =	smul.u32 @!p0 $0xF7A, s2;
	p2 =	seq.s32 @!p0 s5, $0x0  }
0x1f: {  	s9 =	smul.u32 $0xF7A, s1;
	s8 =	simm.s32 @!p0 $0x1BF5;
	p2 =	por !p2, p0  }
0x20: {  	[sflag:s8] =	ssyncset.s32 @!p0 $0xFFFFF086;
	s6 =	sadd.s32 @!p0 s3, s7;
	s7 =	simm.s32 @!p0 $0x108  }
0x21: {  	s3 =	sadd.s32 s3, s9;
	s6 =	sadd.s32 @!p0 $0x88, s6;
	s7 =	simm.s32 @p2 $0x1082  }
0x22: {  	[simem:s7], [sflag:s8] =	dma.local @!p0 [hbm:s6], $0xF7A  }
0x23: {  	s9 =	sor.u32 $0xD0000000, s2;
	s6 =	simm.s32 $0x108;
	_ =	swait.ge @!p0 [sflag:s8], $0x0  }
0x24: {  	s3 =	sadd.s32 $0x88, s3;
	s6 =	simm.s32 @!p1 $0x1082;
	[sflag:s4] =	ssyncset.s32 $0xFFFFF086  }
0x25: {  	[simem:s6], [sflag:s4] =	dma.local [hbm:s3], $0xF7A  }
0x26: {  	[smem:$0x3F9B] =	sst s1;
	(tag) =	ssettag s2;
	_ =	strace s9  }
0x27: {  	s1 =	sld [smem:$0x3FAB]  }
0x28: {  	s2 =	sld [smem:$0x3FAC]  }
0x29: {  	s4 =	sld [smem:$0x3FAE]  }
0x2a: {  	p0 =	seq.s32 s5, $0x0;
	s5 =	sld [smem:$0x3FAF]  }
0x2b: {  	s6 =	sld [smem:$0x3FB0]  }
0x2c: {  	s7 =	sld [smem:$0x3FB1]  }
0x2d: {  	s3 =	simm.s32 $0x108;
	s8 =	sld [smem:$0x3FB2]  }
0x2e: {  	s3 =	simm.s32 @!p0 $0x1082;
	s9 =	sld [smem:$0x3FB3]  }
0x2f: {  	lr =	sadd.s32 s0, s3;
	s0 =	sld [smem:$0x3FAA]  }
0x30: {  	s3 =	sld [smem:$0x3FAD]  }
0x31: {  	[smem:$0x3FB6] =	sst s10  }
0x32: {  	s10 =	sld [smem:$0x3FB4];
	_ =	sdelay $0x3  }
0x33: {  	p0 =	seq.s32 s10, $0x1;
	s10 =	sld [smem:$0x3FB6];
	_ =	sdelay $0x3  }
0x34: {  	[smem:$0x3FB6] =	sst s10  }
0x35: {  	s10 =	sld [smem:$0x3FB5];
	_ =	sdelay $0x3  }
0x36: {  	p1 =	seq.s32 s10, $0x1;
	s10 =	sld [smem:$0x3FB6];
	_ =	sdelay $0x3  }
0x37: {  	[smem:$0x3FB6] =	sst s10  }
0x38: {  	s10 =	sld [smem:$0x3FB7]  }
0x39: {  	_ = 	snop;
	(pc) =	sbr.ind lr, $3  }
0x3a: {  	_ = 	snop  }
0x3b: {  	_ = 	snop  }
0x3c: {  	p2 =	seq.s32 s10, $0x1;
	s10 =	sld [smem:$0x3FB6]  }
0x3d: {  	_ =	shalt  }
0x3e: {  	_ =	shalt  }
0x3f: {  	_ =	shalt  }
0x40: {  	_ =	shalt  }
0x41: {  	_ =	shalt  }
0x42: {  	_ =	shalt  }
0x43: {  	_ =	shalt  }
0x44: {  	_ =	shalt  }
0x45: {  	_ =	shalt  }
0x46: {  	_ =	shalt  }
0x47: {  	_ =	shalt  }
0x48: {  	_ =	shalt  }
0x49: {  	_ =	shalt  }
0x4a: {  	_ =	shalt  }
0x4b: {  	_ =	shalt  }
0x4c: {  	_ =	shalt  }
0x4d: {  	_ =	shalt  }
0x4e: {  	_ =	shalt  }
0x4f: {  	_ =	shalt  }
0x50: {  	_ =	shalt  }
0x51: {  	_ =	shalt  }
0x52: {  	_ =	shalt  }
0x53: {  	_ =	shalt  }
0x54: {  	_ =	shalt  }
0x55: {  	_ =	shalt  }
0x56: {  	_ =	shalt  }
0x57: {  	_ =	shalt  }
0x58: {  	_ =	shalt  }
0x59: {  	_ =	shalt  }
0x5a: {  	_ =	shalt  }
0x5b: {  	_ =	shalt  }
0x5c: {  	_ =	shalt  }
0x5d: {  	_ =	shalt  }
0x5e: {  	_ =	shalt  }
0x5f: {  	_ =	shalt  }
0x60: {  	_ =	shalt  }
0x61: {  	_ =	shalt  }
0x62: {  	_ =	shalt  }
0x63: {  	_ =	shalt  }
0x64: {  	_ =	shalt  }
0x65: {  	_ =	shalt  }
0x66: {  	_ =	shalt  }
0x67: {  	_ =	shalt  }
0x68: {  	_ =	shalt  }
0x69: {  	_ =	shalt  }
0x6a: {  	_ =	shalt  }
0x6b: {  	_ =	shalt  }
0x6c: {  	_ =	shalt  }
0x6d: {  	_ =	shalt  }
0x6e: {  	_ =	shalt  }
0x6f: {  	_ =	shalt  }
0x70: {  	_ =	shalt  }
0x71: {  	_ =	shalt  }
0x72: {  	_ =	shalt  }
0x73: {  	_ =	shalt  }
0x74: {  	_ =	shalt  }
0x75: {  	_ =	shalt  }
0x76: {  	_ =	shalt  }
0x77: {  	_ =	shalt  }
0x78: {  	_ =	shalt  }
0x79: {  	_ =	shalt  }
0x7a: {  	_ =	shalt  }
0x7b: {  	_ =	shalt  }
0x7c: {  	_ =	shalt  }
0x7d: {  	_ =	shalt  }
0x7e: {  	_ =	shalt  }
0x7f: {  	_ =	shalt  }
0x80: {  	_ =	shalt  }
0x81: {  	_ =	shalt  }
0x82: {  	_ =	shalt  }
0x83: {  	_ =	shalt  }
0x84: {  	_ =	shalt  }
0x85: {  	_ =	shalt  }
0x86: {  	_ =	shalt  }
0x87: {  	_ =	shalt  }
.Lfunc_end0:
.L_simem_size_0:
called_computation.2_lowered:
.L_overlay_start_0:
0x88: {  	s2 =	sld [smem:$0x3FD9]  }
0x89: {  	s3 =	sld [smem:$0x3FFE];
	_ =	sdelay $0x1  }
0x8a: {  	s1 =	srdreg.scid  }
0x8b: {  	s0 =	sand.u32 $0x1, s1  }
0x8c: {  	s16 =	sshll.u32 s0, $0xA;
	s2 =	sadd.s32 s3, s2  }
0x8d: {  	s2 =	sadd.s32 s2, s16  }
0x8e: {  	[smem:$0x3FC2] =	sst s2  }
0x8f: {  	_ = 	snop  }
0x90: {  	(tm) =	ssettm $0x1  }
0x91: {  	s17 =	sld [smem:$0x3FFB];
	_ =	sdelay $0x3  }
0x92: {  	_ =	strace s17  }
0x93: {  	s2 =	sld [smem:$0x3FFC];
	_ =	sdelay $0x3  }
0x94: {  	_ =	strace s2  }
0x95: {  	s2 =	sld [smem:$0x3FFD];
	_ =	sdelay $0x3  }
0x96: {  	_ =	strace s2  }
0x97: {  	_ =	strace $0x8FFFFFFF  }
0x98: {  	s18 =	sld [smem:$0x3FDB];
	_ =	sdelay $0x1  }
0x99: {  	s19 =	simm.s32 $_scs_section_size  }
0x9a: {  	s4 =	simm.s32 $_size__tile_overlayer_lowered;
	s5 =	simm.s32 $_tile_overlayer_lowered  }
0x9b: {  	s22 =	simm.s32 $0x1BFF;
	s21 =	sshll.u32 s5, $0x1;
	s2 =	sadd.s32 s19, s18  }
0x9c: {  	s6 =	simm.s32 $0x0;
	s20 =	sshll.u32 s4, $0x1;
	s4 =	sadd.s32 s21, s2  }
0x9d: {  	[timem:s6], [sflag:s22] =	dma.local [hbm:s4], s20  }
0x9e: {  	_ =	swait.ge [sflag:s22], s20  }
0x9f: {  	s3 =	ssub.s32 $0x0, s20;
	[sflag:s22] =	ssyncset.done $0x0  }
0xa0: {  	[sflag:s22] =	ssyncadd.s32 s3;
	_ =	sdelay $0x1  }
0xa1: {  	s23 =	simm.s32 $0x1B8B  }
0xa2: {  	_ =	swait.ge [sflag:s23], $0x1  }
0xa3: {  	[sflag:s23] =	ssyncset.done $0x0  }
0xa4: {  	s25 =	simm.s32 $0x1B8E;
	s24 =	sld [smem:$0x3FFE];
	[sflag:s23] =	ssyncadd.s32 $0xFFFFFFFF  }
0xa5: {  	s26 =	simm.s32 $execute0_lowered;
	[smem:$0x3FD2] =	sst s25  }
0xa6: {  	s4 =	sshll.u32 s26, $0x1;
	_ =	strace $0x8000004C;
	[dreg:$0x1] =	wrdreg $0xFFFFFFFF  }
0xa7: {  	s28 =	simm.s32 $_size_execute0_lowered;
	s2 =	sadd.s32 s2, s4;
	[dreg:$0x0] =	wrdreg $0x0  }
0xa8: {  	s4 =	sshll.u32 s28, $0x1;
	[dreg:$0x2] =	wrdreg s2  }
0xa9: {  	[dreg:$0x3] =	wrdreg s4  }
0xaa: {  	[dreg:$0x4] =	wrdreg $0xC0  }
0xab: {  	_ =	task [dreg:s6], $0x5FFFF  }
0xac: {  	[dreg:$0x1] =	wrdreg $0xFFFFFFFF  }
0xad: {  	[dreg:$0x0] =	wrdreg $0x60  }
0xae: {  	[dreg:$0x2] =	wrdreg s24  }
0xaf: {  	[dreg:$0x3] =	wrdreg $0xA9000  }
0xb0: {  	[dreg:$0x4] =	wrdreg $0x9  }
0xb1: {  	_ =	task.clear_ibuf [dreg:s6], $0x5FFFF;
	_ =	strace $0x9000004C  }
0xb2: {  	s29 =	simm.s32 $0x9;
	_ =	strace $0x8000004E  }
0xb3: {  	_ =	swait.ge [sflag:s29], $0x1  }
0xb4: {  	[sflag:s29] =	ssyncadd.s32 $0xFFFFFFFF  }
0xb5: {  	_ =	strace $0x9000004E  }
0xb6: {  	_ =	sfence  }
0xb7: {  	s30 =	sld [smem:$0x0];
	_ =	sdelay $0x2  }
0xb8: {  	s31 =	sshll.u32 s1, $0xD;
	s1 =	sshrl.u32 s1, $0x2  }
0xb9: {  	s3 =	sand.u32 $0x4000, s31;
	s1 =	sadd.s32 s1, s30  }
0xba: {  	s0 =	sor.u32 s3, s0;
	s1 =	sshll.u32 s1, $0x11  }
0xbb: {  	s0 =	sor.u32 s1, s0  }
0xbc: {  	s0 =	sadd.s32 $0x8F2B, s0  }
0xbd: {  	[sflag:s0] =	ssyncadd.remote.s32 $0x1  }
0xbe: {  	_ =	sfence.sel $0xFFFF  }
0xbf: {  	[dreg:$0x0] =	wrdreg $0xFFFFFFFF;
	(pc) =	sbr.abs _section_cstart, $3  }
0xc0: {  	[dreg:$0x1] =	wrdreg $0xFFFFFFFF  }
0xc1: {  	_ =	task.clear_ibuf [dreg:s6], $0x2FFFF;
	_ =	strace $0x9FFFFFFF  }
0xc2: {  	(tm) =	ssettm $0x7FFFFFFF  }
0xc3: {  	_ =	shalt  }
tec
execute0_lowered:
.L_overlay_start_1:
0x0: {  	(tag) =	ssettag $0x1  }
0x1: {  	s1 =	rddreg [dreg:$0x0]  }
0x2: {  	s0 =	srdreg.scid;
	s2 =	rddreg [dreg:$0x1]  }
0x3: {  	s21 =	stileid.u32;
	s3 =	simm.s32 $0x0;
	s28 =	simm.s32 $0x80  }
0x4: {  	s29 =	simm.s32 $0x6900;
	s30 =	simm.s32 $0x3;
	s31 =	simm.s32 $0x2  }
0x5: {  	s0 =	sand.u32 $0x1, s0;
	[smem:$0x7FF] =	sst s3;
	s8 =	smul.u32 $0x50000, s21  }
0x6: {  	s12 =	sadd.s32 $0x2400, s1;
	s11 =	smul.u32 $0x14000, s21;
	s4 =	sshll.u32 s0, $0x4  }
0x7: {  	_ =	strace $0x8000004D;
	s7 =	ssub.s32 $0x2, s0;
	s18 =	smul.u32 $0x140000, s0  }
0x8: {  	s0 =	smul.u32 $0x4F0, s0;
	s5 =	sor.u32 s21, s4;
	s4 =	sadd.s32 $0x66C00, s1  }
0x9: {  	s9 =	sshrl.u32 s7, $0x1;
	s24 =	sshrl.u32 s8, $0x2;
	s14 =	sadd.s32 $0x4000, s11  }
0xa: {  	s15 =	sadd.s32 $0x8000, s11;
	s17 =	sadd.s32 $0xC000, s11;
	s19 =	sadd.s32 $0x10000, s11  }
0xb: {  	s6 =	smul.u32 $0x500, s5;
	s13 =	ssub.s32 s7, s9;
	s7 =	sadd.s32 s14, s2  }
0xc: {  	s16 =	smul.u32 $0x2780, s5;
	s8 =	sadd.s32 s15, s2;
	s9 =	sadd.s32 s17, s2  }
0xd: {  	s5 =	smul.u32 $0x4F0, s5;
	s10 =	sadd.s32 s19, s2;
	s20 =	sadd.s32 s11, s18  }
0xe: {  	s22 =	sadd.s32 s18, s14;
	s15 =	sadd.s32 s18, s15;
	s26 =	sshrl.u32 s20, $0x3  }
0xf: {  	s23 =	sshrl.u32 s15, $0x3;
	s6 =	sadd.s32 s6, s1;
	s1 =	sadd.s32 $0x8EC00, s1  }
0x10: {  	s16 =	sshrl.u32 s16, $0x3;
	s11 =	sadd.s32 s12, s5;
	s6 =	sadd.s32 $0xCC00, s6  }
0x11: {  	s25 =	sadd.s32 s12, s16;
	s20 =	sadd.s32 s1, s26;
	s15 =	sadd.s32 s1, s23  }
0x12: {  	s26 =	sadd.s32 s18, s19;
	s14 =	smov.u32 s11;
	s19 =	sadd.s32 $0x4E0, s11  }
0x13: {  	s23 =	simm.s32 $0x5;
	[dreg:$0x3] =	wrdreg s6;
	s6 =	sadd.s32 s24, s2  }
0x14: {  	s5 =	sadd.s32 $0x10, s25;
	[dreg:$0x5] =	wrdreg s20;
	s24 =	smul.u32 $0x4F, s21  }
0x15: {  	s25 =	sadd.s32 s18, s17;
	s17 =	sshrl.u32 s26, $0x3;
	s18 =	smax.u32 s13, $0x1  }
0x16: {  	s26 =	simm.s32 $0x2880;
	[dreg:$0x4] =	wrdreg s5;
	s5 =	sshrl.u32 s22, $0x3  }
0x17: {  	s17 =	sadd.s32 s1, s17;
	s22 =	simm.s32 $0x2900;
	s5 =	sadd.s32 s1, s5  }
0x18: {  	s0 =	sadd.s32 s24, s0;
	s24 =	simm.s32 $0x1;
	[dreg:$0x6] =	wrdreg s5  }
0x19: {  	s5 =	sshrl.u32 s25, $0x3;
	s0 =	sshll.u32 s0, $0x4;
	s25 =	simm.s32 $0x2800  }
0x1a: {  	s16 =	sadd.s32 s1, s5;
	s0 =	sadd.s32 s0, s12;
	s1 =	simm.s32 $0x0  }
0x1b: {  	v0 =	vimm.f32 $0.0e+00;
	s20 =	sadd.s32 $0x30, s0;
	s21 =	sadd.s32 $0x20, s0;
	s0 =	simm.s32 $0x4  }
.LBB2_1:
0x1c: {  	s5 =	rddreg [dreg:$0x3]  }
0x1d: {  	[tilespmem:s3], [sflag:$0x1] =	stream.linear.gather [hbm4b:s5+s3], $0x2780, $0x38;
	[tilespmem:$0x1E900] =	vst v63  }
0x1e: {  	s12 =	simm.s32 $0x200;
	s5 =	simm.s32 $0x0  }
.LBB2_2:
0x1f: {  	p0 =	sne.s32 s12, $0xFE00;
	[tilespmem:s5+$0x2970] =	vst v0  }
0x20: {  	[tilespmem:s5+$0x2900] =	vst v0  }
0x21: {  	[tilespmem:s5+$0x2910] =	vst v0  }
.Ltmp0:
0x22: {  	[tilespmem:s5+$0x2920] =	vst v0;
	(pc) =	sbr.rel @p0 .LBB2_2-.Ltmp0, $4  }
0x23: {  	[tilespmem:s5+$0x2930] =	vst v0  }
0x24: {  	[tilespmem:s5+$0x2940] =	vst v0  }
0x25: {  	[tilespmem:s5+$0x2950] =	vst v0  }
0x26: {  	[tilespmem:s5+$0x2960] =	vst v0;
	s5 =	sshra.s32 s12, $0x2;
	s12 =	sadd.s32 $0x200, s12  }
0x27: {  	[tilespmem:s5+$0x2970] =	vst v0  }
0x28: {  	[tilespmem:s5+$0x2900] =	vst v0  }
0x29: {  	[tilespmem:s5+$0x2910] =	vst v0  }
0x2a: {  	[tilespmem:s5+$0x2920] =	vst v0  }
0x2b: {  	[tilespmem:s5+$0x2930] =	vst v0  }
0x2c: {  	[tilespmem:s5+$0x2940] =	vst v0  }
0x2d: {  	[tilespmem:s5+$0x2950] =	vst v0  }
0x2e: {  	[tilespmem:s5+$0x2960] =	vst v0  }
0x2f: {  	[spmem:s6] =	stream.linear.scatter [tilespmem:s22], [sflag:$0x5], $0x4000, $0x38;
	[tilespmem:$0x1E900] =	vst v63  }
0x30: {  	_ =	swait.ge [sflag:s23], $0x4000  }
0x31: {  	[sflag:s23] =	ssyncset.done $0x0  }
0x32: {  	[sflag:s23] =	ssyncadd.s32 $0xFFFFC000  }
0x33: {  	[spmem:s7] =	stream.linear.scatter [tilespmem:s22], [sflag:$0x5], $0x4000, $0x38;
	[tilespmem:$0x1E900] =	vst v63  }
0x34: {  	_ =	swait.ge [sflag:s23], $0x4000  }
0x35: {  	[sflag:s23] =	ssyncset.done $0x0  }
0x36: {  	[sflag:s23] =	ssyncadd.s32 $0xFFFFC000  }
0x37: {  	[spmem:s8] =	stream.linear.scatter [tilespmem:s22], [sflag:$0x5], $0x4000, $0x38;
	[tilespmem:$0x1E900] =	vst v63  }
0x38: {  	_ =	swait.ge [sflag:s23], $0x4000  }
0x39: {  	[sflag:s23] =	ssyncset.done $0x0  }
0x3a: {  	[sflag:s23] =	ssyncadd.s32 $0xFFFFC000  }
0x3b: {  	[spmem:s9] =	stream.linear.scatter [tilespmem:s22], [sflag:$0x5], $0x4000, $0x38;
	[tilespmem:$0x1E900] =	vst v63  }
0x3c: {  	_ =	swait.ge [sflag:s23], $0x4000  }
0x3d: {  	[sflag:s23] =	ssyncset.done $0x0  }
0x3e: {  	[sflag:s23] =	ssyncadd.s32 $0xFFFFC000  }
0x3f: {  	[spmem:s10] =	stream.linear.scatter [tilespmem:s22], [sflag:$0x5], $0x4000, $0x38;
	[tilespmem:$0x1E900] =	vst v63  }
0x40: {  	_ =	swait.ge [sflag:s23], $0x4000  }
0x41: {  	[sflag:s23] =	ssyncset.done $0x0  }
0x42: {  	[sflag:s23] =	ssyncadd.s32 $0xFFFFC000  }
0x43: {  	_ =	swait.ge [sflag:s24], $0x2780  }
0x44: {  	[sflag:s24] =	ssyncset.done $0x0  }
0x45: {  	[sflag:s24] =	ssyncadd.s32 $0xFFFFD880  }
0x46: {  	s13 =	simm.s32 $0x0;
	[bflag:$0x0] =	sbarrier.arrive $0xFFFF  }
0x47: {  	[tilespmem:s25], [sflag:$0x3] =	stream.linear.gather [hbm4b:s14+s13], $0x80, $0x38;
	[tilespmem:$0x1E900] =	vst v63  }
0x48: {  	s12 =	simm.s32 $0x80  }
0x49: {  	[tilespmem:s22], [sflag:$0x1] =	stream.indirect.gather [hbm4b:s4+s12], $0x80, s13, s12, $0xb8;
	[tilespmem:$0x1E900] =	vst v63  }
0x4a: {  	s11 =	rddreg [dreg:$0x4]  }
0x4b: {  	[tilespmem:s26], [sflag:$0x4] =	stream.linear.gather [hbm4b:s11+s13], $0x80, $0x38;
	[tilespmem:$0x1E900] =	vst v63  }
0x4c: {  	_ = 	snop  }
0x4d: {  	[tilespmem:s29], [sflag:$0x2] =	stream.indirect.gather [hbm4b:s4+s28], $0x80, s12, s28, $0xb8;
	[tilespmem:$0x1E900] =	vst v63  }
0x4e: {  	_ =	swait.ge [sflag:s24], $0x4000  }
0x4f: {  	[sflag:s24] =	ssyncset.done $0x0  }
0x50: {  	[sflag:s24] =	ssyncadd.s32 $0xFFFFC000  }
0x51: {  	_ =	swait.ge [sflag:s30], $0x80  }
0x52: {  	[sflag:s30] =	ssyncset.done $0x0  }
0x53: {  	[sflag:s30] =	ssyncadd.s32 $0xFFFFFF80  }
0x54: {  	[spmem:s2] =	stream.indirect.scatter.add.f32 [tilespmem:s22], [sflag:$0x5], $0x80, s25, s28, $0xb8;
	[tilespmem:$0x1E900] =	vst v63  }
0x55: {  	_ =	swait.ge [sflag:s23], $0x4000  }
0x56: {  	[sflag:s23] =	ssyncset.done $0x0  }
0x57: {  	s12 =	simm.s32 $0x100;
	[sflag:s23] =	ssyncadd.s32 $0xFFFFC000  }
0x58: {  	[tilespmem:s22], [sflag:$0x1] =	stream.indirect.gather [hbm4b:s4+s28], $0x80, s12, s28, $0xb8;
	[tilespmem:$0x1E900] =	vst v63  }
0x59: {  	s13 =	sadd.s32 $0x0, s21  }
0x5a: {  	[tilespmem:s25], [sflag:$0x3] =	stream.linear.gather [hbm4b:s13+s3], $0x80, $0x38;
	[tilespmem:$0x1E900] =	vst v63  }
0x5b: {  	_ =	swait.ge [sflag:s31], $0x4000  }
0x5c: {  	[sflag:s31] =	ssyncset.done $0x0  }
0x5d: {  	[sflag:s31] =	ssyncadd.s32 $0xFFFFC000  }
0x5e: {  	_ =	swait.ge [sflag:s0], $0x80  }
0x5f: {  	[sflag:s0] =	ssyncset.done $0x0  }
0x60: {  	[sflag:s0] =	ssyncadd.s32 $0xFFFFFF80  }
0x61: {  	[spmem:s2] =	stream.indirect.scatter.add.f32 [tilespmem:s29], [sflag:$0x5], $0x80, s26, s28, $0xb8;
	[tilespmem:$0x1E900] =	vst v63  }
0x62: {  	_ =	swait.ge [sflag:s23], $0x4000  }
0x63: {  	s5 =	simm.s32 $0x20;
	[sflag:s23] =	ssyncset.done $0x0  }
0x64: {  	s12 =	simm.s32 $0x180;
	s13 =	sadd.s32 $0x0, s20;
	[sflag:s23] =	ssyncadd.s32 $0xFFFFC000  }
.LBB2_4:
0x65: {  	[tilespmem:s26], [sflag:$0x4] =	stream.linear.gather [hbm4b:s13+s3], $0x80, $0x38;
	[tilespmem:$0x1E900] =	vst v63  }
0x66: {  	p0 =	sne.s32 s5, $0x4A0;
	s13 =	smov.u32 s5;
	s5 =	sadd.s32 $0x20, s5  }
0x67: {  	[tilespmem:s29], [sflag:$0x2] =	stream.indirect.gather [hbm4b:s4+s28], $0x80, s12, s28, $0xb8;
	[tilespmem:$0x1E900] =	vst v63  }
0x68: {  	_ =	swait.ge [sflag:s24], $0x4000  }
0x69: {  	[sflag:s24] =	ssyncset.done $0x0  }
0x6a: {  	[sflag:s24] =	ssyncadd.s32 $0xFFFFC000  }
0x6b: {  	_ =	swait.ge [sflag:s30], $0x80  }
0x6c: {  	[sflag:s30] =	ssyncset.done $0x0  }
0x6d: {  	[sflag:s30] =	ssyncadd.s32 $0xFFFFFF80  }
0x6e: {  	[spmem:s2] =	stream.indirect.scatter.add.f32 [tilespmem:s22], [sflag:$0x5], $0x80, s25, s28, $0xb8;
	[tilespmem:$0x1E900] =	vst v63  }
0x6f: {  	_ =	swait.ge [sflag:s23], $0x4000  }
0x70: {  	[sflag:s23] =	ssyncset.done $0x0  }
0x71: {  	s11 =	sadd.s32 $0x80, s12;
	[sflag:s23] =	ssyncadd.s32 $0xFFFFC000  }
0x72: {  	[tilespmem:s22], [sflag:$0x1] =	stream.indirect.gather [hbm4b:s4+s28], $0x80, s11, s28, $0xb8;
	[tilespmem:$0x1E900] =	vst v63  }
0x73: {  	s11 =	sadd.s32 s13, s21  }
0x74: {  	[tilespmem:s25], [sflag:$0x3] =	stream.linear.gather [hbm4b:s11+s3], $0x80, $0x38;
	[tilespmem:$0x1E900] =	vst v63  }
0x75: {  	_ =	swait.ge [sflag:s31], $0x4000  }
0x76: {  	[sflag:s31] =	ssyncset.done $0x0  }
0x77: {  	[sflag:s31] =	ssyncadd.s32 $0xFFFFC000  }
0x78: {  	_ =	swait.ge [sflag:s0], $0x80  }
0x79: {  	[sflag:s0] =	ssyncset.done $0x0  }
.Ltmp1:
0x7a: {  	[sflag:s0] =	ssyncadd.s32 $0xFFFFFF80;
	(pc) =	sbr.rel @p0 .LBB2_4-.Ltmp1, $4  }
0x7b: {  	[spmem:s2] =	stream.indirect.scatter.add.f32 [tilespmem:s29], [sflag:$0x5], $0x80, s26, s28, $0xb8;
	[tilespmem:$0x1E900] =	vst v63  }
0x7c: {  	_ =	swait.ge [sflag:s23], $0x4000  }
0x7d: {  	[sflag:s23] =	ssyncset.done $0x0  }
0x7e: {  	s12 =	sadd.s32 $0x100, s12;
	s13 =	sadd.s32 s13, s20;
	[sflag:s23] =	ssyncadd.s32 $0xFFFFC000  }
0x7f: {  	[tilespmem:s26], [sflag:$0x4] =	stream.linear.gather [hbm4b:s13+s3], $0x80, $0x38;
	[tilespmem:$0x1E900] =	vst v63  }
0x80: {  	s5 =	simm.s32 $0x2680  }
0x81: {  	[tilespmem:s29], [sflag:$0x2] =	stream.indirect.gather [hbm4b:s4+s28], $0x80, s5, s28, $0xb8;
	[tilespmem:$0x1E900] =	vst v63  }
0x82: {  	_ =	swait.ge [sflag:s24], $0x4000  }
0x83: {  	[sflag:s24] =	ssyncset.done $0x0  }
0x84: {  	[sflag:s24] =	ssyncadd.s32 $0xFFFFC000  }
0x85: {  	_ =	swait.ge [sflag:s30], $0x80  }
0x86: {  	[sflag:s30] =	ssyncset.done $0x0  }
0x87: {  	[sflag:s30] =	ssyncadd.s32 $0xFFFFFF80  }
0x88: {  	[spmem:s2] =	stream.indirect.scatter.add.f32 [tilespmem:s22], [sflag:$0x5], $0x80, s25, s28, $0xb8;
	[tilespmem:$0x1E900] =	vst v63  }
0x89: {  	_ =	swait.ge [sflag:s23], $0x4000  }
0x8a: {  	[sflag:s23] =	ssyncset.done $0x0  }
0x8b: {  	s11 =	simm.s32 $0x2700;
	[sflag:s23] =	ssyncadd.s32 $0xFFFFC000  }
0x8c: {  	[tilespmem:s22], [sflag:$0x1] =	stream.indirect.gather [hbm4b:s4+s28], $0x80, s11, s28, $0xb8;
	[tilespmem:$0x1E900] =	vst v63  }
0x8d: {  	_ = 	snop  }
0x8e: {  	[tilespmem:s25], [sflag:$0x3] =	stream.linear.gather [hbm4b:s19+s3], $0x80, $0x38;
	[tilespmem:$0x1E900] =	vst v63  }
0x8f: {  	_ =	swait.ge [sflag:s31], $0x4000  }
0x90: {  	[sflag:s31] =	ssyncset.done $0x0  }
0x91: {  	[sflag:s31] =	ssyncadd.s32 $0xFFFFC000  }
0x92: {  	_ =	swait.ge [sflag:s0], $0x80  }
0x93: {  	[sflag:s0] =	ssyncset.done $0x0  }
0x94: {  	[sflag:s0] =	ssyncadd.s32 $0xFFFFFF80  }
0x95: {  	[spmem:s2] =	stream.indirect.scatter.add.f32 [tilespmem:s29], [sflag:$0x5], $0x80, s26, s28, $0xb8;
	[tilespmem:$0x1E900] =	vst v63  }
0x96: {  	_ =	swait.ge [sflag:s23], $0x4000  }
0x97: {  	[sflag:s23] =	ssyncset.done $0x0  }
0x98: {  	[sflag:s23] =	ssyncadd.s32 $0xFFFFC000  }
0x99: {  	_ =	swait.ge [sflag:s24], $0x4000  }
0x9a: {  	[sflag:s24] =	ssyncset.done $0x0  }
0x9b: {  	[sflag:s24] =	ssyncadd.s32 $0xFFFFC000  }
0x9c: {  	_ =	swait.ge [sflag:s30], $0x80  }
0x9d: {  	[sflag:s30] =	ssyncset.done $0x0  }
0x9e: {  	[sflag:s30] =	ssyncadd.s32 $0xFFFFFF80  }
0x9f: {  	[spmem:s2] =	stream.indirect.scatter.add.f32 [tilespmem:s22], [sflag:$0x5], $0x80, s25, s28, $0xb8;
	[tilespmem:$0x1E900] =	vst v63  }
0xa0: {  	_ =	swait.ge [sflag:s23], $0x4000  }
0xa1: {  	[sflag:s23] =	ssyncset.done $0x0  }
0xa2: {  	s12 =	stileid.u32;
	[sflag:s23] =	ssyncadd.s32 $0xFFFFC000  }
0xa3: {  	s5 =	sshll.u32 s12, $0x6;
	[bflag:$0x0] =	sbarrier.arrive $0xFFFF  }
0xa4: {  	s5 =	sor.u32 $0x1C01, s5;
	s11 =	sshrl.u32 s6, $0x3;
	s12 =	rddreg [dreg:$0x5]  }
0xa5: {  	[hbm:s12], [sflag:s5] =	dma.local [spmem:s11], $0x800  }
0xa6: {  	s13 =	sshrl.u32 s7, $0x3;
	s12 =	rddreg [dreg:$0x6]  }
0xa7: {  	[hbm:s12], [sflag:s5] =	dma.local [spmem:s13], $0x800  }
0xa8: {  	s13 =	sshrl.u32 s8, $0x3  }
0xa9: {  	[hbm:s15], [sflag:s5] =	dma.local [spmem:s13], $0x800  }
0xaa: {  	s12 =	sshrl.u32 s9, $0x3;
	s13 =	sshrl.u32 s10, $0x3  }
0xab: {  	[hbm:s16], [sflag:s5] =	dma.local [spmem:s12], $0x800  }
0xac: {  	[hbm:s17], [sflag:s5] =	dma.local [spmem:s13], $0x800  }
0xad: {  	_ =	swait.ge [sflag:s24], $0x800  }
0xae: {  	[sflag:s24] =	ssyncset.done $0x0  }
0xaf: {  	[sflag:s24] =	ssyncadd.s32 $0xFFFFF800  }
0xb0: {  	_ =	swait.ge [sflag:s24], $0x800  }
0xb1: {  	[sflag:s24] =	ssyncset.done $0x0  }
0xb2: {  	[sflag:s24] =	ssyncadd.s32 $0xFFFFF800  }
0xb3: {  	_ =	swait.ge [sflag:s24], $0x800  }
0xb4: {  	[sflag:s24] =	ssyncset.done $0x0  }
0xb5: {  	s1 =	sadd.s32 $0x1, s1;
	[sflag:s24] =	ssyncadd.s32 $0xFFFFF800  }
0xb6: {  	p0 =	sne.s32 s1, s18;
	_ =	swait.ge [sflag:s24], $0x800  }
.Ltmp2:
0xb7: {  	[sflag:s24] =	ssyncset.done $0x0;
	(pc) =	sbr.rel @p0 .LBB2_1-.Ltmp2, $4  }
0xb8: {  	[sflag:s24] =	ssyncadd.s32 $0xFFFFF800  }
0xb9: {  	_ =	swait.ge [sflag:s24], $0x800  }
0xba: {  	[sflag:s24] =	ssyncset.done $0x0  }
0xbb: {  	[sflag:s24] =	ssyncadd.s32 $0xFFFFF800  }
0xbc: {  	_ =	sfence.sel $0x180000  }
0xbd: {  	[bflag:$0x0] =	sbarrier.arrive $0xFFFF  }
0xbe: {  	_ =	strace $0x9000004D  }
0xbf: {  	s0 =	stileid.u32;
	[bflag:$0x2] =	sbarrier.arrive $0xFFFF  }
0xc0: {  	p0 =	sne.s32 s0, $0x0;
	s0 =	rddreg [dreg:$0x2]  }
0xc1: {  	s0 =	sadd.s32 @!p0 $0x100000, s0  }
0xc2: {  	[sflag:s0] =	ssyncadd.tile.s32 @!p0 $0x1;
	_ =	shalt  }
.Lfunc_end2:
_tile_overlayer_lowered:
.L_overlay_start_2:
0xc3: {  	(tag) =	ssettag $0x2  }
0xc4: {  	s0 =	rddreg [dreg:$0x0];
	s2 =	stileid.u32  }
0xc5: {  	s1 =	rddreg [dreg:$0x1];
	p0 =	sne.s32 s2, $0x0  }
0xc6: {  	s3 =	rddreg [dreg:$0x2];
	[bflag:$0x3] =	sbarrier.arrive $0xFFFF;
	s2 =	simm.s32 @!p0 $0x1C05  }
0xc7: {  	[timem:s3], [sflag:s2] =	dma.local @!p0 [hbm:s0], s1  }
0xc8: {  	s0 =	simm.s32 @!p0 $0x5  }
0xc9: {  	_ =	swait.ge @!p0 [sflag:s0], s1  }
0xca: {  	s1 =	ssub.s32 @!p0 $0x0, s1;
	[sflag:s0] =	ssyncset.done @!p0 $0x0  }
0xcb: {  	[sflag:s0] =	ssyncadd.s32 @!p0 s1  }
0xcc: {  	[bflag:$0x3] =	sbarrier.arrive $0xFFFF  }
0xcd: {  	_ =	shalt  }

// kernel: kernel.8.cloned.1.call-start
scs
__scs_entry_jumppad:
0x0: {  	(pc) =	sbr.rel $0x88, $3  }
0x1: {  	(tag) =	ssettag $0x0;
	lr =	simm.s32 $0x1  }
0x2: {  	[smem:$0x3F9B] =	sst lr;
	_ =	strace $0xD0000000  }
0x3: {  	_ = 	snop  }
0x4: {  	_ = 	snop  }
0x5: {  	_ = 	snop  }
0x6: {  	_ = 	snop  }
0x7: {  	_ = 	snop  }
__scs_overlays_trampoline_lowered:
0x8: {  	[smem:$0x3FAA] =	sst s0  }
0x9: {  	[smem:$0x3FAB] =	sst s1  }
0xa: {  	[smem:$0x3FAC] =	sst s2  }
0xb: {  	[smem:$0x3FAD] =	sst s3  }
0xc: {  	[smem:$0x3FAE] =	sst s4  }
0xd: {  	[smem:$0x3FAF] =	sst s5  }
0xe: {  	[smem:$0x3FB0] =	sst s6  }
0xf: {  	[smem:$0x3FB1] =	sst s7  }
0x10: {  	[smem:$0x3FB2] =	sst s8  }
0x11: {  	[smem:$0x3FB3] =	sst s9;
	s0 =	simm.s32 @!p0 $0x0  }
0x12: {  	s1 =	sld [smem:$0x3F99];
	s0 =	simm.s32 @p0 $0x1  }
0x13: {  	[smem:$0x3FB4] =	sst s0;
	s0 =	simm.s32 @!p1 $0x0  }
0x14: {  	s2 =	sld [smem:$0x3F98];
	s0 =	simm.s32 @p1 $0x1  }
0x15: {  	[smem:$0x3FB5] =	sst s0;
	s0 =	simm.s32 @!p2 $0x0  }
0x16: {  	s3 =	sld [smem:$0x3FDB];
	s0 =	simm.s32 @p2 $0x1  }
0x17: {  	s4 =	simm.s32 $0x1BF5;
	[smem:$0x3FB7] =	sst s0  }
0x18: {  	s0 =	sld [smem:$0x3F9A];
	_ =	swait.ge [sflag:s4], $0x0  }
0x19: {  	s7 =	sld [smem:$0x3F9B]  }
0x1a: {  	s8 =	sadd.s32 $0xFFFFE003, lr  }
0x1b: {  	s9 =	sadd.s32 $0xFFFFFEF7, lr;
	s5 =	simm.s32 $0xFFFFFFFF;
	p2 =	slt.u32 s8, $0xFFFFF086  }
0x1c: {  	p1 =	slt.u32 s9, $0xF7A;
	s5 =	simm.s32 @!p2 $0x0  }
0x1d: {  	s5 =	simm.s32 @p1 $0x1;
	p0 =	seq.s32 s7, s2  }
0x1e: {  	s7 =	smul.u32 @!p0 $0xF7A, s2;
	p2 =	seq.s32 @!p0 s5, $0x0  }
0x1f: {  	s9 =	smul.u32 $0xF7A, s1;
	s8 =	simm.s32 @!p0 $0x1BF5;
	p2 =	por !p2, p0  }
0x20: {  	[sflag:s8] =	ssyncset.s32 @!p0 $0xFFFFF086;
	s6 =	sadd.s32 @!p0 s3, s7;
	s7 =	simm.s32 @!p0 $0x108  }
0x21: {  	s3 =	sadd.s32 s3, s9;
	s6 =	sadd.s32 @!p0 $0x88, s6;
	s7 =	simm.s32 @p2 $0x1082  }
0x22: {  	[simem:s7], [sflag:s8] =	dma.local @!p0 [hbm:s6], $0xF7A  }
0x23: {  	s9 =	sor.u32 $0xD0000000, s2;
	s6 =	simm.s32 $0x108;
	_ =	swait.ge @!p0 [sflag:s8], $0x0  }
0x24: {  	s3 =	sadd.s32 $0x88, s3;
	s6 =	simm.s32 @!p1 $0x1082;
	[sflag:s4] =	ssyncset.s32 $0xFFFFF086  }
0x25: {  	[simem:s6], [sflag:s4] =	dma.local [hbm:s3], $0xF7A  }
0x26: {  	[smem:$0x3F9B] =	sst s1;
	(tag) =	ssettag s2;
	_ =	strace s9  }
0x27: {  	s1 =	sld [smem:$0x3FAB]  }
0x28: {  	s2 =	sld [smem:$0x3FAC]  }
0x29: {  	s4 =	sld [smem:$0x3FAE]  }
0x2a: {  	p0 =	seq.s32 s5, $0x0;
	s5 =	sld [smem:$0x3FAF]  }
0x2b: {  	s6 =	sld [smem:$0x3FB0]  }
0x2c: {  	s7 =	sld [smem:$0x3FB1]  }
0x2d: {  	s3 =	simm.s32 $0x108;
	s8 =	sld [smem:$0x3FB2]  }
0x2e: {  	s3 =	simm.s32 @!p0 $0x1082;
	s9 =	sld [smem:$0x3FB3]  }
0x2f: {  	lr =	sadd.s32 s0, s3;
	s0 =	sld [smem:$0x3FAA]  }
0x30: {  	s3 =	sld [smem:$0x3FAD]  }
0x31: {  	[smem:$0x3FB6] =	sst s10  }
0x32: {  	s10 =	sld [smem:$0x3FB4];
	_ =	sdelay $0x3  }
0x33: {  	p0 =	seq.s32 s10, $0x1;
	s10 =	sld [smem:$0x3FB6];
	_ =	sdelay $0x3  }
0x34: {  	[smem:$0x3FB6] =	sst s10  }
0x35: {  	s10 =	sld [smem:$0x3FB5];
	_ =	sdelay $0x3  }
0x36: {  	p1 =	seq.s32 s10, $0x1;
	s10 =	sld [smem:$0x3FB6];
	_ =	sdelay $0x3  }
0x37: {  	[smem:$0x3FB6] =	sst s10  }
0x38: {  	s10 =	sld [smem:$0x3FB7]  }
0x39: {  	_ = 	snop;
	(pc) =	sbr.ind lr, $3  }
0x3a: {  	_ = 	snop  }
0x3b: {  	_ = 	snop  }
0x3c: {  	p2 =	seq.s32 s10, $0x1;
	s10 =	sld [smem:$0x3FB6]  }
0x3d: {  	_ =	shalt  }
0x3e: {  	_ =	shalt  }
0x3f: {  	_ =	shalt  }
0x40: {  	_ =	shalt  }
0x41: {  	_ =	shalt  }
0x42: {  	_ =	shalt  }
0x43: {  	_ =	shalt  }
0x44: {  	_ =	shalt  }
0x45: {  	_ =	shalt  }
0x46: {  	_ =	shalt  }
0x47: {  	_ =	shalt  }
0x48: {  	_ =	shalt  }
0x49: {  	_ =	shalt  }
0x4a: {  	_ =	shalt  }
0x4b: {  	_ =	shalt  }
0x4c: {  	_ =	shalt  }
0x4d: {  	_ =	shalt  }
0x4e: {  	_ =	shalt  }
0x4f: {  	_ =	shalt  }
0x50: {  	_ =	shalt  }
0x51: {  	_ =	shalt  }
0x52: {  	_ =	shalt  }
0x53: {  	_ =	shalt  }
0x54: {  	_ =	shalt  }
0x55: {  	_ =	shalt  }
0x56: {  	_ =	shalt  }
0x57: {  	_ =	shalt  }
0x58: {  	_ =	shalt  }
0x59: {  	_ =	shalt  }
0x5a: {  	_ =	shalt  }
0x5b: {  	_ =	shalt  }
0x5c: {  	_ =	shalt  }
0x5d: {  	_ =	shalt  }
0x5e: {  	_ =	shalt  }
0x5f: {  	_ =	shalt  }
0x60: {  	_ =	shalt  }
0x61: {  	_ =	shalt  }
0x62: {  	_ =	shalt  }
0x63: {  	_ =	shalt  }
0x64: {  	_ =	shalt  }
0x65: {  	_ =	shalt  }
0x66: {  	_ =	shalt  }
0x67: {  	_ =	shalt  }
0x68: {  	_ =	shalt  }
0x69: {  	_ =	shalt  }
0x6a: {  	_ =	shalt  }
0x6b: {  	_ =	shalt  }
0x6c: {  	_ =	shalt  }
0x6d: {  	_ =	shalt  }
0x6e: {  	_ =	shalt  }
0x6f: {  	_ =	shalt  }
0x70: {  	_ =	shalt  }
0x71: {  	_ =	shalt  }
0x72: {  	_ =	shalt  }
0x73: {  	_ =	shalt  }
0x74: {  	_ =	shalt  }
0x75: {  	_ =	shalt  }
0x76: {  	_ =	shalt  }
0x77: {  	_ =	shalt  }
0x78: {  	_ =	shalt  }
0x79: {  	_ =	shalt  }
0x7a: {  	_ =	shalt  }
0x7b: {  	_ =	shalt  }
0x7c: {  	_ =	shalt  }
0x7d: {  	_ =	shalt  }
0x7e: {  	_ =	shalt  }
0x7f: {  	_ =	shalt  }
0x80: {  	_ =	shalt  }
0x81: {  	_ =	shalt  }
0x82: {  	_ =	shalt  }
0x83: {  	_ =	shalt  }
0x84: {  	_ =	shalt  }
0x85: {  	_ =	shalt  }
0x86: {  	_ =	shalt  }
0x87: {  	_ =	shalt  }
.Lfunc_end0:
.L_simem_size_0:
called_computation_lowered:
.L_overlay_start_0:
0x88: {  	s2 =	sld [smem:$0x3FD9]  }
0x89: {  	s3 =	sld [smem:$0x3FFE];
	_ =	sdelay $0x1  }
0x8a: {  	s1 =	srdreg.scid  }
0x8b: {  	s0 =	sand.u32 $0x1, s1  }
0x8c: {  	s17 =	sshll.u32 s0, $0xA;
	s2 =	sadd.s32 s3, s2  }
0x8d: {  	s2 =	sadd.s32 s2, s17  }
0x8e: {  	[smem:$0x3FC2] =	sst s2  }
0x8f: {  	_ = 	snop  }
0x90: {  	s2 =	sld [smem:$0x3FD0];
	(tm) =	ssettm $0x1  }
0x91: {  	s18 =	sld [smem:$0x3FFB];
	_ =	sdelay $0x3  }
0x92: {  	_ =	strace s18  }
0x93: {  	s3 =	sld [smem:$0x3FFC];
	_ =	sdelay $0x3  }
0x94: {  	_ =	strace s3  }
0x95: {  	s3 =	sld [smem:$0x3FFD];
	_ =	sdelay $0x3  }
0x96: {  	_ =	strace s3  }
0x97: {  	_ =	strace $0x8FFFFFFF  }
0x98: {  	s19 =	sld [smem:$0x3FDB];
	_ =	sdelay $0x1  }
0x99: {  	s4 =	simm.s32 $_scs_section_size  }
0x9a: {  	s5 =	simm.s32 $_size__tile_overlayer_lowered;
	s6 =	simm.s32 $_tile_overlayer_lowered  }
0x9b: {  	s22 =	simm.s32 $0x1BFF;
	s21 =	sshll.u32 s6, $0x1;
	s3 =	sadd.s32 s4, s19  }
0x9c: {  	s7 =	simm.s32 $0x0;
	s20 =	sshll.u32 s5, $0x1;
	s5 =	sadd.s32 s21, s3  }
0x9d: {  	[timem:s7], [sflag:s22] =	dma.local [hbm:s5], s20  }
0x9e: {  	_ =	swait.ge [sflag:s22], s20  }
0x9f: {  	s4 =	ssub.s32 $0x0, s20;
	[sflag:s22] =	ssyncset.done $0x0  }
0xa0: {  	[sflag:s22] =	ssyncadd.s32 s4;
	_ =	sdelay $0x1  }
0xa1: {  	s23 =	simm.s32 $0x1B8B  }
0xa2: {  	_ =	swait.ge [sflag:s23], $0x1  }
0xa3: {  	[sflag:s23] =	ssyncset.done $0x0  }
0xa4: {  	s25 =	simm.s32 $0x1B8E;
	s24 =	sld [smem:$0x3FFE];
	[sflag:s23] =	ssyncadd.s32 $0xFFFFFFFF  }
0xa5: {  	s26 =	simm.s32 $execute0_lowered;
	[smem:$0x3FD2] =	sst s25  }
0xa6: {  	s5 =	sshll.u32 s26, $0x1;
	_ =	strace $0x80000046;
	[dreg:$0x1] =	wrdreg $0xFFFFFFFF  }
0xa7: {  	s28 =	simm.s32 $_size_execute0_lowered;
	s3 =	sadd.s32 s3, s5;
	[dreg:$0x0] =	wrdreg $0x0  }
0xa8: {  	s5 =	sshll.u32 s28, $0x1;
	[dreg:$0x2] =	wrdreg s3  }
0xa9: {  	[dreg:$0x3] =	wrdreg s5  }
0xaa: {  	[dreg:$0x4] =	wrdreg $0xC0  }
0xab: {  	_ =	task [dreg:s7], $0x5FFFF  }
0xac: {  	[dreg:$0x1] =	wrdreg $0xFFFFFFFF  }
0xad: {  	[dreg:$0x0] =	wrdreg $0x60  }
0xae: {  	[dreg:$0x2] =	wrdreg s2  }
0xaf: {  	[dreg:$0x3] =	wrdreg s24  }
0xb0: {  	[dreg:$0x4] =	wrdreg $0x2B000  }
0xb1: {  	[dreg:$0x5] =	wrdreg $0x9  }
0xb2: {  	_ =	task.clear_ibuf [dreg:s7], $0x6FFFF;
	_ =	strace $0x90000046  }
0xb3: {  	s29 =	simm.s32 $0x9;
	_ =	strace $0x80000048  }
0xb4: {  	_ =	swait.ge [sflag:s29], $0x1  }
0xb5: {  	[sflag:s29] =	ssyncadd.s32 $0xFFFFFFFF  }
0xb6: {  	_ =	strace $0x90000048  }
0xb7: {  	_ =	sfence  }
0xb8: {  	s30 =	sld [smem:$0x0];
	_ =	sdelay $0x2  }
0xb9: {  	s31 =	sshll.u32 s1, $0xD;
	s1 =	sshrl.u32 s1, $0x2  }
0xba: {  	s3 =	sand.u32 $0x4000, s31;
	s1 =	sadd.s32 s1, s30  }
0xbb: {  	s0 =	sor.u32 s3, s0;
	s1 =	sshll.u32 s1, $0x11  }
0xbc: {  	s0 =	sor.u32 s1, s0  }
0xbd: {  	s0 =	sadd.s32 $0x8F2B, s0  }
0xbe: {  	[sflag:s0] =	ssyncadd.remote.s32 $0x1  }
0xbf: {  	_ =	sfence.sel $0xFFFF  }
0xc0: {  	[dreg:$0x0] =	wrdreg $0xFFFFFFFF;
	(pc) =	sbr.abs _section_cstart, $3  }
0xc1: {  	[dreg:$0x1] =	wrdreg $0xFFFFFFFF  }
0xc2: {  	_ =	task.clear_ibuf [dreg:s7], $0x2FFFF;
	_ =	strace $0x9FFFFFFF  }
0xc3: {  	(tm) =	ssettm $0x7FFFFFFF  }
tec
execute0_lowered:
.L_overlay_start_1:
0x0: {  	(tag) =	ssettag $0x1  }
0x1: {  	s4 =	rddreg [dreg:$0x0]  }
0x2: {  	s5 =	rddreg [dreg:$0x1]  }
0x3: {  	s2 =	rddreg [dreg:$0x2]  }
0x4: {  	s0 =	rddreg [dreg:$0x3];
	s6 =	srdreg.scid  }
0x5: {  	s1 =	stileid.u32;
	s3 =	simm.s32 $0x0;
	s11 =	simm.s32 $0x80  }
0x6: {  	s12 =	simm.s32 $0x2800;
	s15 =	simm.s32 $0x20;
	s16 =	simm.s32 $0x10  }
0x7: {  	s17 =	simm.s32 $0x0;
	s6 =	sand.u32 $0x1, s6;
	s7 =	smul.u32 $0x500, s1  }
0x8: {  	[smem:$0x7FF] =	sst s3;
	s9 =	smul.u32 $0xA00, s1;
	s13 =	sshll.u32 s1, $0x6  }
0x9: {  	s8 =	sshll.u32 s6, $0x7;
	_ =	strace $0x80000047;
	s30 =	sshll.u32 s6, $0x4  }
0xa: {  	s6 =	ssub.s32 $0x2, s6;
	s13 =	sor.u32 $0x1C02, s13;
	s7 =	sor.u32 s8, s7  }
0xb: {  	s8 =	sor.u32 s1, s30;
	s10 =	sshrl.u32 s6, $0x1;
	s31 =	sshrl.u32 s9, $0x2  }
0xc: {  	s9 =	simm.s32 $0x2;
	s7 =	sshrl.u32 s7, $0x3;
	s8 =	smul.u32 $0x500, s8  }
0xd: {  	s10 =	ssub.s32 s6, s10;
	s7 =	sadd.s32 s7, s5;
	s5 =	sadd.s32 s31, s2  }
0xe: {  	s4 =	sadd.s32 s4, s8;
	s6 =	sadd.s32 $0xC200, s7;
	s7 =	smax.u32 s10, $0x1  }
0xf: {  	v0 =	vimm.f32 $1.000000000e+00;
	v1 =	vimm.f32 $0.0e+00;
	s8 =	simm.s32 $0x2880;
	s10 =	simm.s32 $0x1;
	s14 =	sshrl.u32 s5, $0x3  }
.LBB2_1:
0x10: {  	[tilespmem:s3], [sflag:$0x1] =	stream.linear.gather [hbm4b:s4+s3], $0x2780, $0x38;
	[tilespmem:$0x2D80] =	vst v63  }
0x11: {  	[tilespmem:$0x2800] =	vst v0  }
0x12: {  	[tilespmem:$0x2810] =	vst v0  }
0x13: {  	[tilespmem:$0x2820] =	vst v0  }
0x14: {  	[tilespmem:$0x2830] =	vst v0  }
0x15: {  	[tilespmem:$0x2840] =	vst v0  }
0x16: {  	[tilespmem:$0x2850] =	vst v0  }
0x17: {  	[tilespmem:$0x2860] =	vst v0  }
0x18: {  	[tilespmem:$0x2870] =	vst v0  }
0x19: {  	[tilespmem:$0x2880] =	vst v1  }
0x1a: {  	[tilespmem:$0x2890] =	vst v1  }
0x1b: {  	[tilespmem:$0x28A0] =	vst v1  }
0x1c: {  	[tilespmem:$0x28B0] =	vst v1  }
0x1d: {  	[tilespmem:$0x28C0] =	vst v1  }
0x1e: {  	[tilespmem:$0x28D0] =	vst v1  }
0x1f: {  	[tilespmem:$0x28E0] =	vst v1  }
0x20: {  	[tilespmem:$0x28F0] =	vst v1  }
0x21: {  	[tilespmem:$0x2900] =	vst v1  }
0x22: {  	[tilespmem:$0x2910] =	vst v1  }
0x23: {  	[tilespmem:$0x2920] =	vst v1  }
0x24: {  	[tilespmem:$0x2930] =	vst v1  }
0x25: {  	[tilespmem:$0x2940] =	vst v1  }
0x26: {  	[tilespmem:$0x2950] =	vst v1  }
0x27: {  	[tilespmem:$0x2960] =	vst v1  }
0x28: {  	[tilespmem:$0x2970] =	vst v1  }
0x29: {  	[tilespmem:$0x2980] =	vst v1  }
0x2a: {  	[tilespmem:$0x2990] =	vst v1  }
0x2b: {  	[tilespmem:$0x29A0] =	vst v1  }
0x2c: {  	[tilespmem:$0x29B0] =	vst v1  }
0x2d: {  	[tilespmem:$0x29C0] =	vst v1  }
0x2e: {  	[tilespmem:$0x29D0] =	vst v1  }
0x2f: {  	[tilespmem:$0x29E0] =	vst v1  }
0x30: {  	[tilespmem:$0x29F0] =	vst v1  }
0x31: {  	[tilespmem:$0x2A00] =	vst v1  }
0x32: {  	[tilespmem:$0x2A10] =	vst v1  }
0x33: {  	[tilespmem:$0x2A20] =	vst v1  }
0x34: {  	[tilespmem:$0x2A30] =	vst v1  }
0x35: {  	[tilespmem:$0x2A40] =	vst v1  }
0x36: {  	[tilespmem:$0x2A50] =	vst v1  }
0x37: {  	[tilespmem:$0x2A60] =	vst v1  }
0x38: {  	[tilespmem:$0x2A70] =	vst v1  }
0x39: {  	[tilespmem:$0x2A80] =	vst v1  }
0x3a: {  	[tilespmem:$0x2A90] =	vst v1  }
0x3b: {  	[tilespmem:$0x2AA0] =	vst v1  }
0x3c: {  	[tilespmem:$0x2AB0] =	vst v1  }
0x3d: {  	[tilespmem:$0x2AC0] =	vst v1  }
0x3e: {  	[tilespmem:$0x2AD0] =	vst v1  }
0x3f: {  	[tilespmem:$0x2AE0] =	vst v1  }
0x40: {  	[tilespmem:$0x2AF0] =	vst v1  }
0x41: {  	[spmem:s5] =	stream.linear.scatter [tilespmem:s8], [sflag:$0x2], $0x280, $0x38;
	[tilespmem:$0x2D80] =	vst v63  }
0x42: {  	_ =	swait.ge [sflag:s9], $0x280  }
0x43: {  	[sflag:s9] =	ssyncset.done $0x0  }
0x44: {  	[sflag:s9] =	ssyncadd.s32 $0xFFFFFD80  }
0x45: {  	_ =	swait.ge [sflag:s10], $0x2780  }
0x46: {  	[sflag:s10] =	ssyncset.done $0x0  }
0x47: {  	[sflag:s10] =	ssyncadd.s32 $0xFFFFD880  }
0x48: {  	s18 =	simm.s32 $0x0;
	[bflag:$0x0] =	sbarrier.arrive $0xFFFF  }
.LBB2_2:
0x49: {  	p0 =	sne.s32 s18, $0x9C00  }
.Ltmp0:
0x4a: {  	_ = 	snop;
	(pc) =	sbr.rel @p0 .LBB2_2-.Ltmp0, $3  }
0x4b: {  	_ =	sdelay $0x1  }
0x4c: {  	s19 =	sshra.s32 s18, $0x2;
	s18 =	sadd.s32 $0x200, s18  }
0x4d: {  	[spmem:s2] =	stream.indirect.scatter.add.f32 [tilespmem:s12], [sflag:$0x1], $0x1, s19, s11, $0xb8;
	[tilespmem:$0x2D80] =	vst v63  }
0x4e: {  	_ =	swait.ge [sflag:s10], $0x80  }
0x4f: {  	s18 =	simm.s32 $0x4E;
	[sflag:s10] =	ssyncset.done $0x0  }
.LBB2_4:
0x50: {  	p0 =	sne.s32 s18, $0x1;
	s18 =	sadd.s32 $0xFFFFFFFF, s18;
	[sflag:s10] =	ssyncadd.s32 $0xFFFFFF80  }
.Ltmp1:
0x51: {  	(pc) =	sbr.rel @p0 .LBB2_4-.Ltmp1, $3  }
0x52: {  	_ =	sdelay $0x1  }
0x53: {  	_ =	swait.ge [sflag:s10], $0x80  }
0x54: {  	[sflag:s10] =	ssyncset.done $0x0  }
0x55: {  	s17 =	sadd.s32 $0x1, s17  }
0x56: {  	[sflag:s10] =	ssyncadd.s32 $0xFFFFFF80;
	p0 =	sne.s32 s17, s7  }
.Ltmp2:
0x57: {  	[bflag:$0x0] =	sbarrier.arrive $0xFFFF;
	(pc) =	sbr.rel @p0 .LBB2_1-.Ltmp2, $4  }
0x58: {  	[hbm:s6@s15], [sflag:s13] =	dma.strided [spmem:s14@s16], $0x50, s10, $0x10   }
0x59: {  	_ =	swait.ge [sflag:s9], $0x50  }
0x5a: {  	[sflag:s9] =	ssyncset.done $0x0  }
0x5b: {  	[sflag:s9] =	ssyncadd.s32 $0xFFFFFFB0  }
0x5c: {  	_ =	sfence.sel $0x180000  }
0x5d: {  	[bflag:$0x0] =	sbarrier.arrive $0xFFFF  }
0x5e: {  	p0 =	sne.s32 s1, $0x0;
	_ =	strace $0x90000047  }
0x5f: {  	s0 =	sadd.s32 @!p0 $0x100000, s0;
	[bflag:$0x2] =	sbarrier.arrive $0xFFFF  }
0x60: {  	[sflag:s0] =	ssyncadd.tile.s32 @!p0 $0x1;
	_ =	shalt  }
.Lfunc_end2:
_tile_overlayer_lowered:
.L_overlay_start_2:
0x61: {  	(tag) =	ssettag $0x2  }
0x62: {  	s0 =	rddreg [dreg:$0x0];
	s2 =	stileid.u32  }
0x63: {  	s1 =	rddreg [dreg:$0x1];
	p0 =	sne.s32 s2, $0x0  }
0x64: {  	s3 =	rddreg [dreg:$0x2];
	[bflag:$0x3] =	sbarrier.arrive $0xFFFF;
	s2 =	simm.s32 @!p0 $0x1C02  }
0x65: {  	[timem:s3], [sflag:s2] =	dma.local @!p0 [hbm:s0], s1  }
0x66: {  	s0 =	simm.s32 @!p0 $0x2  }
0x67: {  	_ =	swait.ge @!p0 [sflag:s0], s1  }
0x68: {  	s1 =	ssub.s32 @!p0 $0x0, s1;
	[sflag:s0] =	ssyncset.done @!p0 $0x0  }
0x69: {  	[sflag:s0] =	ssyncadd.s32 @!p0 s1  }
0x6a: {  	[bflag:$0x3] =	sbarrier.arrive $0xFFFF  }
0x6b: {  	_ =	shalt  }

</sc_bundles>
